<compile_context>
chip_gen: v7x
topology: tpu7x:2x2x1
jax: 0.10.2.dev20260603
libtpu: 0.0.44.dev20260713+nightly
codegen_flags: <defaults>
</compile_context>

<pallas_src>
import functools
import jax
import jax.numpy as jnp
from jax import lax
from jax.experimental import pallas as pl
from jax.experimental.pallas import tpu as pltpu
from jax.experimental.pallas import tpu_sc as plsc

_N, _NCLS = 5000, 80
_NP = 5120
_KP = 1024
_PRE_K = 1000
_MAXD = 300
_CONF_T, _IOU_T = 0.25, 0.45
_HI = lax.Precision.HIGHEST
_C = 128
_W = _KP // 16


def _row_of(col):
    n = col.shape[0]
    eye = (lax.broadcasted_iota(jnp.int32, (_C, _C), 0)
           == lax.broadcasted_iota(jnp.int32, (_C, _C), 1)).astype(jnp.float32)
    outs = []
    for c in range(n // _C):
        xc = lax.slice(col, (c * _C, 0), ((c + 1) * _C, 1))
        outs.append(jnp.sum(xc * eye, axis=0, keepdims=True))
    return jnp.concatenate(outs, axis=1)


def _col_of(row):
    n = row.shape[1]
    eye = (lax.broadcasted_iota(jnp.int32, (_C, _C), 0)
           == lax.broadcasted_iota(jnp.int32, (_C, _C), 1)).astype(jnp.float32)
    outs = []
    for c in range(n // _C):
        rc = lax.slice(row, (0, c * _C), (1, (c + 1) * _C))
        outs.append(jnp.sum(rc * eye, axis=1, keepdims=True))
    return jnp.concatenate(outs, axis=0)


def _ranks_looped(col_ref, rank_ref, acc_ref, m):
    eye = (lax.broadcasted_iota(jnp.int32, (_C, _C), 0)
           == lax.broadcasted_iota(jnp.int32, (_C, _C), 1)).astype(jnp.int32)
    key = lax.bitcast_convert_type(col_ref[0:m, :], jnp.int32)
    i_sub = lax.broadcasted_iota(jnp.int32, (m, _C), 0)
    j_lane = lax.broadcasted_iota(jnp.int32, (m, _C), 1)
    acc_ref[0:m, :] = jnp.zeros((m, _C), jnp.int32)

    def body(c, _):
        off = pl.multiple_of(c * _C, _C)
        kc = lax.bitcast_convert_type(col_ref[pl.ds(off, _C), :], jnp.int32)
        rc = jnp.sum(kc * eye, axis=0, keepdims=True)
        gt = rc > key
        ge = rc >= key
        jlt = (j_lane + c * _C) < i_sub
        contrib = gt | (ge & jlt)
        acc_ref[0:m, :] = acc_ref[0:m, :] + contrib.astype(jnp.int32)
        return 0

    lax.fori_loop(0, m // _C, body, 0)
    rank_ref[0:m, :] = jnp.sum(
        acc_ref[0:m, :], axis=1, keepdims=True).astype(jnp.float32)


def _pack_matrix():
    js = lax.broadcasted_iota(jnp.int32, (_KP, 1), 0)
    wl = lax.broadcasted_iota(jnp.int32, (1, _W), 1)
    pw = lax.bitcast_convert_type(((js & 15) + 127) << 23, jnp.float32)
    return jnp.where((js >> 4) == wl, pw, 0.0)


def _tc1_body(pred_ref, topb_ref, mp_ref, ki_ref, cc_ref, rk_ref, ac_ref):
    pred = pred_ref[0]
    obj = pred[:, 4:5]
    scores = pred[:, 5:] * obj
    conf0 = jnp.max(scores, axis=1, keepdims=True)
    cl_iota = lax.broadcasted_iota(jnp.int32, (_N, _NCLS), 1).astype(jnp.float32)
    cls = jnp.min(jnp.where(scores == conf0, cl_iota, 1e9), axis=1, keepdims=True)
    conf = jnp.where(conf0 > _CONF_T, conf0, 0.0)

    confp = jnp.concatenate(
        [conf, jnp.full((_NP - _N, 1), -1.0, jnp.float32)], axis=0)
    cc_ref[:, :] = confp
    _ranks_looped(cc_ref, rk_ref, ac_ref, _NP)
    rank_row = _row_of(rk_ref[:, :])

    xy = pred[:, 0:2]
    wh = pred[:, 2:4]
    boxes = jnp.concatenate([xy - wh / 2.0, xy + wh / 2.0], axis=1)
    vals = jnp.concatenate([boxes, conf, cls], axis=1)
    valsp = jnp.concatenate(
        [vals, jnp.zeros((_NP - _N, 6), jnp.float32)], axis=0)

    tb = []
    for kb in range(_KP // _C):
        ki = float(kb * _C) + lax.broadcasted_iota(jnp.int32, (_C, _NP), 0).astype(jnp.float32)
        p = (rank_row == ki).astype(jnp.float32)
        tb.append(jnp.dot(p, valsp, precision=_HI))
    topb = jnp.concatenate(tb, axis=0)
    topb_ref[0] = topb

    clsc = topb[:, 5:6]
    off = clsc * 4096.0
    x1c = topb[:, 0:1] + off
    y1c = topb[:, 1:2] + off
    x2c = topb[:, 2:3] + off
    y2c = topb[:, 3:4] + off
    areac = (x2c - x1c) * (y2c - y1c)
    x1r, y1r = _row_of(x1c), _row_of(y1c)
    x2r, y2r = _row_of(x2c), _row_of(y2c)
    arear = _row_of(areac)
    pack = _pack_matrix()

    for mb in range(_KP // _C):
        s = mb * _C
        x1b = lax.slice(x1c, (s, 0), (s + _C, 1))
        y1b = lax.slice(y1c, (s, 0), (s + _C, 1))
        x2b = lax.slice(x2c, (s, 0), (s + _C, 1))
        y2b = lax.slice(y2c, (s, 0), (s + _C, 1))
        arb = lax.slice(areac, (s, 0), (s + _C, 1))
        ltx = jnp.maximum(x1b, x1r)
        lty = jnp.maximum(y1b, y1r)
        rbx = jnp.minimum(x2b, x2r)
        rby = jnp.minimum(y2b, y2r)
        w = jnp.clip(rbx - ltx, 0.0)
        h = jnp.clip(rby - lty, 0.0)
        inter = w * h
        iou = inter / (arb + arear - inter + 1e-7)
        jl = lax.broadcasted_iota(jnp.int32, (_C, _KP), 1).astype(jnp.float32)
        ii = float(s) + lax.broadcasted_iota(jnp.int32, (_C, _KP), 0).astype(jnp.float32)
        mbv = ((iou > _IOU_T) & (jl > ii)).astype(jnp.float32)
        mp_ref[0, s:s + _C, :] = jnp.dot(mbv, pack, precision=_HI)

    topvc = topb[:, 4:5]
    topv_row = _row_of(topvc)
    klane = lax.broadcasted_iota(jnp.int32, (1, _KP), 1)
    keep0 = ((topv_row > 0.0) & (klane < _PRE_K)).astype(jnp.float32)
    ki_ref[0] = jnp.dot(keep0, pack, precision=_HI)


def _tc1(pred):
    return pl.pallas_call(
        _tc1_body,
        grid=(8,),
        in_specs=[pl.BlockSpec((1, _N, 85), lambda i: (i, 0, 0))],
        out_specs=[
            pl.BlockSpec((1, _KP, 6), lambda i: (i, 0, 0)),
            pl.BlockSpec((1, _KP, _W), lambda i: (i, 0, 0)),
            pl.BlockSpec((1, 1, _W), lambda i: (i, 0, 0)),
        ],
        out_shape=[
            jax.ShapeDtypeStruct((8, _KP, 6), jnp.float32),
            jax.ShapeDtypeStruct((8, _KP, _W), jnp.float32),
            jax.ShapeDtypeStruct((8, 1, _W), jnp.float32),
        ],
        scratch_shapes=[pltpu.VMEM((_NP, 1), jnp.float32),
                        pltpu.VMEM((_NP, 1), jnp.float32),
                        pltpu.VMEM((_NP, _C), jnp.int32)],
    )(pred)


def _sc_nms(mp, ki):
    mesh = plsc.VectorSubcoreMesh(core_axis_name="c", subcore_axis_name="s")

    @functools.partial(
        pl.kernel,
        mesh=mesh,
        out_type=jax.ShapeDtypeStruct((8, _KP), jnp.float32),
        scratch_types=[
            pltpu.VMEM((_KP * _W,), jnp.float32),
            pltpu.VMEM((_W + 16,), jnp.int32),
            pltpu.VMEM((_W,), jnp.float32),
            pltpu.VMEM((_KP,), jnp.float32),
        ],
    )
    def nms(mp_hbm, ki_hbm, keep_hbm, m_v, kw_v, kf_v, ko_v):
        cid = lax.axis_index("c")
        sid = lax.axis_index("s")
        wid = sid * 2 + cid
        lane16 = lax.broadcasted_iota(jnp.int32, (16,), 0)

        @pl.when(wid < 8)
        def _():
            pltpu.sync_copy(mp_hbm.at[wid], m_v)
            pltpu.sync_copy(ki_hbm.at[wid], kf_v)
            for w4 in range(_W // 16):
                kw_v[pl.ds(w4 * 16, 16)] = kf_v[pl.ds(w4 * 16, 16)].astype(jnp.int32)

            def step(i, carry):
                kv = kw_v[pl.ds(i >> 4, 16)]
                bit = (kv[0] >> (i & 15)) & 1

                @pl.when(bit != 0)
                def _s():
                    base = i * _W
                    for w4 in range(_W // 16):
                        mrow = m_v[pl.ds(base + w4 * 16, 16)].astype(jnp.int32)
                        kw_v[pl.ds(w4 * 16, 16)] = (
                            kw_v[pl.ds(w4 * 16, 16)] & (~mrow))

                return carry

            lax.fori_loop(0, _PRE_K, step, 0)

            for w in range(_W):
                word = kw_v[pl.ds(w, 16)][0]
                wv = jnp.full((16,), word, jnp.int32)
                ko_v[pl.ds(w * 16, 16)] = ((wv >> lane16) & 1).astype(jnp.float32)
            pltpu.sync_copy(ko_v, keep_hbm.at[wid])

    return nms(mp, ki)


def _tc2_body(topb_ref, keep_ref, out_ref, cc_ref, rk_ref, ac_ref):
    topb = topb_ref[0]
    keep = keep_ref[0]
    clsc = topb[:, 5:6]
    topvc = topb[:, 4:5]
    topv_row = _row_of(topvc)
    fsr = keep * topv_row
    fsc = _col_of(fsr)
    cc_ref[0:_KP, :] = fsc
    _ranks_looped(cc_ref, rk_ref, ac_ref, _KP)
    frank_row = _row_of(rk_ref[0:_KP, :])
    vals_k = jnp.concatenate([topb[:, 0:4], fsc, clsc], axis=1)
    outs = []
    for fb in range(3):
        ki = float(fb * _C) + lax.broadcasted_iota(jnp.int32, (_C, _KP), 0).astype(jnp.float32)
        p = (frank_row == ki).astype(jnp.float32)
        oc = jnp.dot(p, vals_k, precision=_HI)
        fvc = jnp.dot(p, fsc, precision=_HI)
        outs.append(oc * (fvc > 0.0).astype(jnp.float32))
    res = jnp.concatenate(outs, axis=0)
    out_ref[0] = lax.slice(res, (0, 0), (_MAXD, 6))


def _tc2(topb, keep):
    return pl.pallas_call(
        _tc2_body,
        grid=(8,),
        in_specs=[pl.BlockSpec((1, _KP, 6), lambda i: (i, 0, 0)),
                  pl.BlockSpec((1, 1, _KP), lambda i: (i, 0, 0))],
        out_specs=pl.BlockSpec((1, _MAXD, 6), lambda i: (i, 0, 0)),
        out_shape=jax.ShapeDtypeStruct((8, _MAXD, 6), jnp.float32),
        scratch_shapes=[pltpu.VMEM((_KP, 1), jnp.float32),
                        pltpu.VMEM((_KP, 1), jnp.float32),
                        pltpu.VMEM((_KP, _C), jnp.int32)],
    )(topb, keep)


def kernel(pred):
    topb, mp, ki = _tc1(pred)
    keep = _sc_nms(jnp.reshape(mp, (8, _KP * _W)), jnp.reshape(ki, (8, _W)))
    return _tc2(topb, jnp.reshape(keep, (8, 1, _KP)))

# --- scband reference (transcript-rebuilt; emitter-appended) ---
"""Pipeline reference for scband-yolo-wrapper-44607530336613 (READ-ONLY COPY).

The authoritative reference and input builder live on the scoring server;
editing this copy changes nothing except your own understanding.
"""

import jax, jax.numpy as jnp
import numpy as np

B, N, NC = 8, 5000, 80
CONF_T, IOU_T, MAX_DET, PRE_K = 0.25, 0.45, 300, 1000


def setup_inputs(seed: int = 0) -> dict:
    key = jax.random.key(seed)
    k1, = jax.random.split(key, 1)
    pred = jax.random.uniform(k1, (B, N, 5 + NC), dtype=jnp.float32)
    # make box columns plausible: xy centers in [0,640), wh in [4,164)
    xy = pred[..., :2] * 640.0
    wh = pred[..., 2:4] * 160.0 + 4.0
    pred = jnp.concatenate([xy, wh, pred[..., 4:]], axis=-1)
    return {"pred": pred}


def xywh2xyxy(x):
    xy = x[..., :2]
    wh = x[..., 2:4]
    return jnp.concatenate([xy - wh / 2.0, xy + wh / 2.0], axis=-1)


def box_iou(a, b):
    area_a = (a[:, 2] - a[:, 0]) * (a[:, 3] - a[:, 1])
    area_b = (b[:, 2] - b[:, 0]) * (b[:, 3] - b[:, 1])
    lt = jnp.maximum(a[:, None, :2], b[None, :, :2])
    rb = jnp.minimum(a[:, None, 2:], b[None, :, 2:])
    wh = jnp.clip(rb - lt, 0.0)
    inter = wh[..., 0] * wh[..., 1]
    return inter / (area_a[:, None] + area_b[None, :] - inter + 1e-7)


def nms_single(pred_i):
    boxes = xywh2xyxy(pred_i[:, :4])
    obj = pred_i[:, 4]
    cls_scores = pred_i[:, 5:] * obj[:, None]  # conf = obj * cls (yolov5 style)
    conf = jnp.max(cls_scores, axis=-1)
    cls = jnp.argmax(cls_scores, axis=-1)
    conf = jnp.where(conf > CONF_T, conf, 0.0)  # confidence threshold (static-shape mask)
    # pre-NMS top-k candidates
    topv, topi = jax.lax.top_k(conf, PRE_K)
    boxes_k = jnp.take(boxes, topi, axis=0)
    cls_k = jnp.take(cls, topi, axis=0)
    # class-aware NMS via per-class coordinate offset
    off = cls_k.astype(jnp.float32)[:, None] * 4096.0
    bo = boxes_k + off
    iou = box_iou(bo, bo)
    keep = topv > 0.0
    idx = jnp.arange(PRE_K)
    def body(i, keep):
        sup = (iou[i] > IOU_T) & keep[i] & (idx > i)
        return keep & (~sup)
    keep = jax.lax.fori_loop(0, PRE_K, body, keep)
    final_scores = jnp.where(keep, topv, 0.0)
    fv, fi = jax.lax.top_k(final_scores, MAX_DET)
    out = jnp.concatenate(
        [jnp.take(boxes_k, fi, axis=0), fv[:, None],
         jnp.take(cls_k, fi, axis=0).astype(jnp.float32)[:, None]], axis=-1)
    out = out * (fv[:, None] > 0.0).astype(out.dtype)  # zero out padding rows
    return out


def reference(pred):
    return jax.vmap(nms_single)(pred)

if __name__ == "__main__":
    import jax
    _d = setup_inputs()
    print(jax.jit(kernel)(*tuple(_d.values())))

</pallas_src>

<mosaic_0001>
#map = affine_map<(d0, d1) -> (0, 0)>
module attributes {stable_mosaic.version = 14 : i64} {
  func.func @nms(%arg0: i32, %arg1: i32, %arg2: memref<8x65536xf32, #tpu.memory_space<hbm>>, %arg3: memref<8x64xf32, #tpu.memory_space<hbm>>, %arg4: memref<8x1024xf32, #tpu.memory_space<hbm>>, %arg5: memref<65536xf32, #tpu.memory_space<vmem>>, %arg6: memref<80xi32, #tpu.memory_space<vmem>>, %arg7: memref<64xf32, #tpu.memory_space<vmem>>, %arg8: memref<1024xf32, #tpu.memory_space<vmem>>) attributes {dimension_semantics = [#tpu.dimension_semantics<core_parallel>, #tpu.dimension_semantics<subcore_parallel>], iteration_bounds = array<i64: 2, 16>, scalar_prefetch = 0 : i64, scratch_operands = 4 : i64, tpu.core_type = #tpu.core_type<sc_vector_subcore>, window_params = [{transform_indices = #map}, {transform_indices = #map}, {transform_indices = #map}]} {
    %mul3A = arith.constant 2 : i32
    %mul3A_0 = arith.muli %arg1, %mul3A : i32
    %add3A = arith.addi %mul3A_0, %arg0 : i32
    %iota3A = tpu.iota {dimensions = array<i32: 0>} : vector<16xi32>
    %lt3A = arith.constant 8 : i32
    %lt3A_1 = arith.cmpi slt, %add3A, %lt3A : i32
    %convert_element_type3A = arith.extui %lt3A_1 : i1 to i32
    %cond3A = arith.constant 0 : i32
    %cond3A_2 = arith.cmpi ne, %convert_element_type3A, %cond3A : i32
    scf.if %cond3A_2 {
      "tpu.region"() ({
        %run_scoped3A = tpu.sem_alloc : memref<!tpu.dma_semaphore, #tpu.memory_space<semaphore_mem>>
        %dma_start3A = arith.constant 0 : i32
        %dma_start3A_993 = tpu.memref_slice %arg2[%add3A, %dma_start3A] : memref<8x65536xf32, #tpu.memory_space<hbm>> -> memref<1x65536xf32, #tpu.memory_space<hbm>>
        %dma_start3A_994 = tpu.memref_squeeze %dma_start3A_993 : memref<1x65536xf32, #tpu.memory_space<hbm>> -> memref<65536xf32, #tpu.memory_space<hbm>>
        %dma_start3A_995 = arith.constant 0 : i32
        %dma_start3A_996 = tpu.memref_slice %arg2[%add3A, %dma_start3A_995] : memref<8x65536xf32, #tpu.memory_space<hbm>> -> memref<1x65536xf32, #tpu.memory_space<hbm>>
        %dma_start3A_997 = tpu.memref_squeeze %dma_start3A_996 : memref<1x65536xf32, #tpu.memory_space<hbm>> -> memref<65536xf32, #tpu.memory_space<hbm>>
        tpu.enqueue_dma source(%dma_start3A_997 : memref<65536xf32, #tpu.memory_space<hbm>>) target(%arg5 : memref<65536xf32, #tpu.memory_space<vmem>>) target_semaphore(%run_scoped3A : memref<!tpu.dma_semaphore, #tpu.memory_space<semaphore_mem>>)
        %dma_wait3A = arith.constant 0 : i32
        %dma_wait3A_998 = tpu.memref_slice %arg2[%add3A, %dma_wait3A] : memref<8x65536xf32, #tpu.memory_space<hbm>> -> memref<1x65536xf32, #tpu.memory_space<hbm>>
        %dma_wait3A_999 = tpu.memref_squeeze %dma_wait3A_998 : memref<1x65536xf32, #tpu.memory_space<hbm>> -> memref<65536xf32, #tpu.memory_space<hbm>>
        %dma_wait3A_1000 = arith.constant 0 : i32
        %dma_wait3A_1001 = tpu.memref_slice %arg2[%add3A, %dma_wait3A_1000] : memref<8x65536xf32, #tpu.memory_space<hbm>> -> memref<1x65536xf32, #tpu.memory_space<hbm>>
        %dma_wait3A_1002 = tpu.memref_squeeze %dma_wait3A_1001 : memref<1x65536xf32, #tpu.memory_space<hbm>> -> memref<65536xf32, #tpu.memory_space<hbm>>
        tpu.wait_dma2 semaphore(%run_scoped3A : memref<!tpu.dma_semaphore, #tpu.memory_space<semaphore_mem>>) src(%dma_wait3A_1002 : memref<65536xf32, #tpu.memory_space<hbm>>) dst(%arg5 : memref<65536xf32, #tpu.memory_space<vmem>>)
        tpu.yield
      }) : () -> ()
      "tpu.region"() ({
        %run_scoped3A = tpu.sem_alloc : memref<!tpu.dma_semaphore, #tpu.memory_space<semaphore_mem>>
        %dma_start3A = arith.constant 0 : i32
        %dma_start3A_993 = tpu.memref_slice %arg3[%add3A, %dma_start3A] : memref<8x64xf32, #tpu.memory_space<hbm>> -> memref<1x64xf32, #tpu.memory_space<hbm>>
        %dma_start3A_994 = tpu.memref_squeeze %dma_start3A_993 : memref<1x64xf32, #tpu.memory_space<hbm>> -> memref<64xf32, #tpu.memory_space<hbm>>
        %dma_start3A_995 = arith.constant 0 : i32
        %dma_start3A_996 = tpu.memref_slice %arg3[%add3A, %dma_start3A_995] : memref<8x64xf32, #tpu.memory_space<hbm>> -> memref<1x64xf32, #tpu.memory_space<hbm>>
        %dma_start3A_997 = tpu.memref_squeeze %dma_start3A_996 : memref<1x64xf32, #tpu.memory_space<hbm>> -> memref<64xf32, #tpu.memory_space<hbm>>
        tpu.enqueue_dma source(%dma_start3A_997 : memref<64xf32, #tpu.memory_space<hbm>>) target(%arg7 : memref<64xf32, #tpu.memory_space<vmem>>) target_semaphore(%run_scoped3A : memref<!tpu.dma_semaphore, #tpu.memory_space<semaphore_mem>>)
        %dma_wait3A = arith.constant 0 : i32
        %dma_wait3A_998 = tpu.memref_slice %arg3[%add3A, %dma_wait3A] : memref<8x64xf32, #tpu.memory_space<hbm>> -> memref<1x64xf32, #tpu.memory_space<hbm>>
        %dma_wait3A_999 = tpu.memref_squeeze %dma_wait3A_998 : memref<1x64xf32, #tpu.memory_space<hbm>> -> memref<64xf32, #tpu.memory_space<hbm>>
        %dma_wait3A_1000 = arith.constant 0 : i32
        %dma_wait3A_1001 = tpu.memref_slice %arg3[%add3A, %dma_wait3A_1000] : memref<8x64xf32, #tpu.memory_space<hbm>> -> memref<1x64xf32, #tpu.memory_space<hbm>>
        %dma_wait3A_1002 = tpu.memref_squeeze %dma_wait3A_1001 : memref<1x64xf32, #tpu.memory_space<hbm>> -> memref<64xf32, #tpu.memory_space<hbm>>
        tpu.wait_dma2 semaphore(%run_scoped3A : memref<!tpu.dma_semaphore, #tpu.memory_space<semaphore_mem>>) src(%dma_wait3A_1002 : memref<64xf32, #tpu.memory_space<hbm>>) dst(%arg7 : memref<64xf32, #tpu.memory_space<vmem>>)
        tpu.yield
      }) : () -> ()
      %get3A = arith.constant 0 : index
      %get3A_3 = tpu.vector_load %arg7[%get3A] {strides = array<i32>} : memref<64xf32, #tpu.memory_space<vmem>>, vector<16xf32>,
      %get3A_4 = vector.shape_cast %get3A_3 : vector<16xf32> to vector<16xf32>
      %convert_element_type3A_5 = arith.fptosi %get3A_4 : vector<16xf32> to vector<16xi32>
      %swap3A = arith.constant 0 : index
      %swap3A_6 = tpu.vector_load %arg6[%swap3A] {strides = array<i32>} : memref<80xi32, #tpu.memory_space<vmem>>, vector<16xi32>,
      %swap3A_7 = vector.shape_cast %swap3A_6 : vector<16xi32> to vector<16xi32>
      %swap3A_8 = vector.shape_cast %convert_element_type3A_5 : vector<16xi32> to vector<16xi32>
      tpu.vector_store %arg6[%swap3A], %swap3A_8 {strides = array<i32>} : memref<80xi32, #tpu.memory_space<vmem>>, vector<16xi32>,
      %get3A_9 = arith.constant 16 : index
      %get3A_10 = tpu.vector_load %arg7[%get3A_9] {strides = array<i32>} : memref<64xf32, #tpu.memory_space<vmem>>, vector<16xf32>,
      %get3A_11 = vector.shape_cast %get3A_10 : vector<16xf32> to vector<16xf32>
      %convert_element_type3A_12 = arith.fptosi %get3A_11 : vector<16xf32> to vector<16xi32>
      %swap3A_13 = arith.constant 16 : index
      %swap3A_14 = tpu.vector_load %arg6[%swap3A_13] {strides = array<i32>} : memref<80xi32, #tpu.memory_space<vmem>>, vector<16xi32>,
      %swap3A_15 = vector.shape_cast %swap3A_14 : vector<16xi32> to vector<16xi32>
      %swap3A_16 = vector.shape_cast %convert_element_type3A_12 : vector<16xi32> to vector<16xi32>
      tpu.vector_store %arg6[%swap3A_13], %swap3A_16 {strides = array<i32>} : memref<80xi32, #tpu.memory_space<vmem>>, vector<16xi32>,
      %get3A_17 = arith.constant 32 : index
      %get3A_18 = tpu.vector_load %arg7[%get3A_17] {strides = array<i32>} : memref<64xf32, #tpu.memory_space<vmem>>, vector<16xf32>,
      %get3A_19 = vector.shape_cast %get3A_18 : vector<16xf32> to vector<16xf32>
      %convert_element_type3A_20 = arith.fptosi %get3A_19 : vector<16xf32> to vector<16xi32>
      %swap3A_21 = arith.constant 32 : index
      %swap3A_22 = tpu.vector_load %arg6[%swap3A_21] {strides = array<i32>} : memref<80xi32, #tpu.memory_space<vmem>>, vector<16xi32>,
      %swap3A_23 = vector.shape_cast %swap3A_22 : vector<16xi32> to vector<16xi32>
      %swap3A_24 = vector.shape_cast %convert_element_type3A_20 : vector<16xi32> to vector<16xi32>
      tpu.vector_store %arg6[%swap3A_21], %swap3A_24 {strides = array<i32>} : memref<80xi32, #tpu.memory_space<vmem>>, vector<16xi32>,
      %get3A_25 = arith.constant 48 : index
      %get3A_26 = tpu.vector_load %arg7[%get3A_25] {strides = array<i32>} : memref<64xf32, #tpu.memory_space<vmem>>, vector<16xf32>,
      %get3A_27 = vector.shape_cast %get3A_26 : vector<16xf32> to vector<16xf32>
      %convert_element_type3A_28 = arith.fptosi %get3A_27 : vector<16xf32> to vector<16xi32>
      %swap3A_29 = arith.constant 48 : index
      %swap3A_30 = tpu.vector_load %arg6[%swap3A_29] {strides = array<i32>} : memref<80xi32, #tpu.memory_space<vmem>>, vector<16xi32>,
      %swap3A_31 = vector.shape_cast %swap3A_30 : vector<16xi32> to vector<16xi32>
      %swap3A_32 = vector.shape_cast %convert_element_type3A_28 : vector<16xi32> to vector<16xi32>
      tpu.vector_store %arg6[%swap3A_29], %swap3A_32 {strides = array<i32>} : memref<80xi32, #tpu.memory_space<vmem>>, vector<16xi32>,
      %scan3A = arith.constant 0 : i32
      %scan3A_33 = arith.constant 0 : i32
      %scan3A_34 = arith.constant 1000 : i32
      %scan3A_35 = arith.addi %scan3A_33, %scan3A_34 : i32
      %scan3A_36 = arith.constant 1 : i32
      scf.for %scan3A_993 = %scan3A_33 to %scan3A_35 step %scan3A_36  : i32 {
        %shift_right_arithmetic3A_994 = arith.constant 4 : i32
        %shift_right_arithmetic3A_995 = arith.shrsi %scan3A_993, %shift_right_arithmetic3A_994 : i32
        %get3A_996 = arith.index_cast %shift_right_arithmetic3A_995 : i32 to index
        %get3A_997 = tpu.vector_load %arg6[%get3A_996] {strides = array<i32>} : memref<80xi32, #tpu.memory_space<vmem>>, vector<16xi32>,
        %get3A_998 = vector.shape_cast %get3A_997 : vector<16xi32> to vector<16xi32>
        %slice3A_999 = vector.extract_strided_slice %get3A_998 {offsets = [0], sizes = [1], strides = [1]} : vector<16xi32> to vector<1xi32>
        %squeeze3A_1000 = vector.extract %slice3A_999[0] : i32 from vector<1xi32>
        %and3A_1001 = arith.constant 15 : i32
        %and3A_1002 = arith.andi %scan3A_993, %and3A_1001 : i32
        %shift_right_arithmetic3A_1003 = arith.shrsi %squeeze3A_1000, %and3A_1002 : i32
        %and3A_1004 = arith.constant 1 : i32
        %and3A_1005 = arith.andi %shift_right_arithmetic3A_1003, %and3A_1004 : i32
        %ne3A = arith.constant 0 : i32
        %ne3A_1006 = arith.cmpi ne, %and3A_1005, %ne3A : i32
        %convert_element_type3A_1007 = arith.extui %ne3A_1006 : i1 to i32
        %cond3A_1008 = arith.constant 0 : i32
        %cond3A_1009 = arith.cmpi ne, %convert_element_type3A_1007, %cond3A_1008 : i32
        scf.if %cond3A_1009 {
          %mul3A_1010 = arith.constant 64 : i32
          %mul3A_1011 = arith.muli %scan3A_993, %mul3A_1010 : i32
          %add3A_1012 = arith.constant 0 : i32
          %add3A_1013 = arith.addi %mul3A_1011, %add3A_1012 : i32
          %get3A_1014 = arith.index_cast %add3A_1013 : i32 to index
          %get3A_1015 = tpu.vector_load %arg5[%get3A_1014] {strides = array<i32>} : memref<65536xf32, #tpu.memory_space<vmem>>, vector<16xf32>,
          %get3A_1016 = vector.shape_cast %get3A_1015 : vector<16xf32> to vector<16xf32>
          %convert_element_type3A_1017 = arith.fptosi %get3A_1016 : vector<16xf32> to vector<16xi32>
          %get3A_1018 = arith.constant 0 : index
          %get3A_1019 = tpu.vector_load %arg6[%get3A_1018] {strides = array<i32>} : memref<80xi32, #tpu.memory_space<vmem>>, vector<16xi32>,
          %get3A_1020 = vector.shape_cast %get3A_1019 : vector<16xi32> to vector<16xi32>
          %not3A = arith.constant dense<-1> : vector<16xi32>
          %not3A_1021 = arith.xori %convert_element_type3A_1017, %not3A : vector<16xi32>
          %and3A_1022 = arith.andi %get3A_1020, %not3A_1021 : vector<16xi32>
          %swap3A_1023 = arith.constant 0 : index
          %swap3A_1024 = tpu.vector_load %arg6[%swap3A_1023] {strides = array<i32>} : memref<80xi32, #tpu.memory_space<vmem>>, vector<16xi32>,
          %swap3A_1025 = vector.shape_cast %swap3A_1024 : vector<16xi32> to vector<16xi32>
          %swap3A_1026 = vector.shape_cast %and3A_1022 : vector<16xi32> to vector<16xi32>
          tpu.vector_store %arg6[%swap3A_1023], %swap3A_1026 {strides = array<i32>} : memref<80xi32, #tpu.memory_space<vmem>>, vector<16xi32>,
          %add3A_1027 = arith.constant 16 : i32
          %add3A_1028 = arith.addi %mul3A_1011, %add3A_1027 : i32
          %get3A_1029 = arith.index_cast %add3A_1028 : i32 to index
          %get3A_1030 = tpu.vector_load %arg5[%get3A_1029] {strides = array<i32>} : memref<65536xf32, #tpu.memory_space<vmem>>, vector<16xf32>,
          %get3A_1031 = vector.shape_cast %get3A_1030 : vector<16xf32> to vector<16xf32>
          %convert_element_type3A_1032 = arith.fptosi %get3A_1031 : vector<16xf32> to vector<16xi32>
          %get3A_1033 = arith.constant 16 : index
          %get3A_1034 = tpu.vector_load %arg6[%get3A_1033] {strides = array<i32>} : memref<80xi32, #tpu.memory_space<vmem>>, vector<16xi32>,
          %get3A_1035 = vector.shape_cast %get3A_1034 : vector<16xi32> to vector<16xi32>
          %not3A_1036 = arith.constant dense<-1> : vector<16xi32>
          %not3A_1037 = arith.xori %convert_element_type3A_1032, %not3A_1036 : vector<16xi32>
          %and3A_1038 = arith.andi %get3A_1035, %not3A_1037 : vector<16xi32>
          %swap3A_1039 = arith.constant 16 : index
          %swap3A_1040 = tpu.vector_load %arg6[%swap3A_1039] {strides = array<i32>} : memref<80xi32, #tpu.memory_space<vmem>>, vector<16xi32>,
          %swap3A_1041 = vector.shape_cast %swap3A_1040 : vector<16xi32> to vector<16xi32>
          %swap3A_1042 = vector.shape_cast %and3A_1038 : vector<16xi32> to vector<16xi32>
          tpu.vector_store %arg6[%swap3A_1039], %swap3A_1042 {strides = array<i32>} : memref<80xi32, #tpu.memory_space<vmem>>, vector<16xi32>,
          %add3A_1043 = arith.constant 32 : i32
          %add3A_1044 = arith.addi %mul3A_1011, %add3A_1043 : i32
          %get3A_1045 = arith.index_cast %add3A_1044 : i32 to index
          %get3A_1046 = tpu.vector_load %arg5[%get3A_1045] {strides = array<i32>} : memref<65536xf32, #tpu.memory_space<vmem>>, vector<16xf32>,
          %get3A_1047 = vector.shape_cast %get3A_1046 : vector<16xf32> to vector<16xf32>
          %convert_element_type3A_1048 = arith.fptosi %get3A_1047 : vector<16xf32> to vector<16xi32>
          %get3A_1049 = arith.constant 32 : index
          %get3A_1050 = tpu.vector_load %arg6[%get3A_1049] {strides = array<i32>} : memref<80xi32, #tpu.memory_space<vmem>>, vector<16xi32>,
          %get3A_1051 = vector.shape_cast %get3A_1050 : vector<16xi32> to vector<16xi32>
          %not3A_1052 = arith.constant dense<-1> : vector<16xi32>
          %not3A_1053 = arith.xori %convert_element_type3A_1048, %not3A_1052 : vector<16xi32>
          %and3A_1054 = arith.andi %get3A_1051, %not3A_1053 : vector<16xi32>
          %swap3A_1055 = arith.constant 32 : index
          %swap3A_1056 = tpu.vector_load %arg6[%swap3A_1055] {strides = array<i32>} : memref<80xi32, #tpu.memory_space<vmem>>, vector<16xi32>,
          %swap3A_1057 = vector.shape_cast %swap3A_1056 : vector<16xi32> to vector<16xi32>
          %swap3A_1058 = vector.shape_cast %and3A_1054 : vector<16xi32> to vector<16xi32>
          tpu.vector_store %arg6[%swap3A_1055], %swap3A_1058 {strides = array<i32>} : memref<80xi32, #tpu.memory_space<vmem>>, vector<16xi32>,
          %add3A_1059 = arith.constant 48 : i32
          %add3A_1060 = arith.addi %mul3A_1011, %add3A_1059 : i32
          %get3A_1061 = arith.index_cast %add3A_1060 : i32 to index
          %get3A_1062 = tpu.vector_load %arg5[%get3A_1061] {strides = array<i32>} : memref<65536xf32, #tpu.memory_space<vmem>>, vector<16xf32>,
          %get3A_1063 = vector.shape_cast %get3A_1062 : vector<16xf32> to vector<16xf32>
          %convert_element_type3A_1064 = arith.fptosi %get3A_1063 : vector<16xf32> to vector<16xi32>
          %get3A_1065 = arith.constant 48 : index
          %get3A_1066 = tpu.vector_load %arg6[%get3A_1065] {strides = array<i32>} : memref<80xi32, #tpu.memory_space<vmem>>, vector<16xi32>,
          %get3A_1067 = vector.shape_cast %get3A_1066 : vector<16xi32> to vector<16xi32>
          %not3A_1068 = arith.constant dense<-1> : vector<16xi32>
          %not3A_1069 = arith.xori %convert_element_type3A_1064, %not3A_1068 : vector<16xi32>
          %and3A_1070 = arith.andi %get3A_1067, %not3A_1069 : vector<16xi32>
          %swap3A_1071 = arith.constant 48 : index
          %swap3A_1072 = tpu.vector_load %arg6[%swap3A_1071] {strides = array<i32>} : memref<80xi32, #tpu.memory_space<vmem>>, vector<16xi32>,
          %swap3A_1073 = vector.shape_cast %swap3A_1072 : vector<16xi32> to vector<16xi32>
          %swap3A_1074 = vector.shape_cast %and3A_1070 : vector<16xi32> to vector<16xi32>
          tpu.vector_store %arg6[%swap3A_1071], %swap3A_1074 {strides = array<i32>} : memref<80xi32, #tpu.memory_space<vmem>>, vector<16xi32>,
        } else {
        }
      }
      %scan3A_37 = arith.constant 1000 : i32
      %get3A_38 = arith.constant 0 : index
      %get3A_39 = tpu.vector_load %arg6[%get3A_38] {strides = array<i32>} : memref<80xi32, #tpu.memory_space<vmem>>, vector<16xi32>,
      %get3A_40 = vector.shape_cast %get3A_39 : vector<16xi32> to vector<16xi32>
      %slice3A = vector.extract_strided_slice %get3A_40 {offsets = [0], sizes = [1], strides = [1]} : vector<16xi32> to vector<1xi32>
      %squeeze3A = vector.extract %slice3A[0] : i32 from vector<1xi32>
      %broadcast_in_dim3A = vector.broadcast %squeeze3A : i32 to vector<16xi32>
      %shift_right_arithmetic3A = arith.shrsi %broadcast_in_dim3A, %iota3A : vector<16xi32>
      %and3A = arith.constant 1 : i32
      %and3A_41 = vector.broadcast %and3A : i32 to vector<16xi32>
      %and3A_42 = arith.andi %shift_right_arithmetic3A, %and3A_41 : vector<16xi32>
      %convert_element_type3A_43 = arith.sitofp %and3A_42 : vector<16xi32> to vector<16xf32>
      %swap3A_44 = arith.constant 0 : index
      %swap3A_45 = tpu.vector_load %arg8[%swap3A_44] {strides = array<i32>} : memref<1024xf32, #tpu.memory_space<vmem>>, vector<16xf32>,
      %swap3A_46 = vector.shape_cast %swap3A_45 : vector<16xf32> to vector<16xf32>
      %swap3A_47 = vector.shape_cast %convert_element_type3A_43 : vector<16xf32> to vector<16xf32>
      tpu.vector_store %arg8[%swap3A_44], %swap3A_47 {strides = array<i32>} : memref<1024xf32, #tpu.memory_space<vmem>>, vector<16xf32>,
      %get3A_48 = arith.constant 1 : index
      %get3A_49 = tpu.vector_load %arg6[%get3A_48] {strides = array<i32>} : memref<80xi32, #tpu.memory_space<vmem>>, vector<16xi32>,
      %get3A_50 = vector.shape_cast %get3A_49 : vector<16xi32> to vector<16xi32>
      %slice3A_51 = vector.extract_strided_slice %get3A_50 {offsets = [0], sizes = [1], strides = [1]} : vector<16xi32> to vector<1xi32>
      %squeeze3A_52 = vector.extract %slice3A_51[0] : i32 from vector<1xi32>
      %broadcast_in_dim3A_53 = vector.broadcast %squeeze3A_52 : i32 to vector<16xi32>
      %shift_right_arithmetic3A_54 = arith.shrsi %broadcast_in_dim3A_53, %iota3A : vector<16xi32>
      %and3A_55 = arith.constant 1 : i32
      %and3A_56 = vector.broadcast %and3A_55 : i32 to vector<16xi32>
      %and3A_57 = arith.andi %shift_right_arithmetic3A_54, %and3A_56 : vector<16xi32>
      %convert_element_type3A_58 = arith.sitofp %and3A_57 : vector<16xi32> to vector<16xf32>
      %swap3A_59 = arith.constant 16 : index
      %swap3A_60 = tpu.vector_load %arg8[%swap3A_59] {strides = array<i32>} : memref<1024xf32, #tpu.memory_space<vmem>>, vector<16xf32>,
      %swap3A_61 = vector.shape_cast %swap3A_60 : vector<16xf32> to vector<16xf32>
      %swap3A_62 = vector.shape_cast %convert_element_type3A_58 : vector<16xf32> to vector<16xf32>
      tpu.vector_store %arg8[%swap3A_59], %swap3A_62 {strides = array<i32>} : memref<1024xf32, #tpu.memory_space<vmem>>, vector<16xf32>,
      %get3A_63 = arith.constant 2 : index
      %get3A_64 = tpu.vector_load %arg6[%get3A_63] {strides = array<i32>} : memref<80xi32, #tpu.memory_space<vmem>>, vector<16xi32>,
      %get3A_65 = vector.shape_cast %get3A_64 : vector<16xi32> to vector<16xi32>
      %slice3A_66 = vector.extract_strided_slice %get3A_65 {offsets = [0], sizes = [1], strides = [1]} : vector<16xi32> to vector<1xi32>
      %squeeze3A_67 = vector.extract %slice3A_66[0] : i32 from vector<1xi32>
      %broadcast_in_dim3A_68 = vector.broadcast %squeeze3A_67 : i32 to vector<16xi32>
      %shift_right_arithmetic3A_69 = arith.shrsi %broadcast_in_dim3A_68, %iota3A : vector<16xi32>
      %and3A_70 = arith.constant 1 : i32
      %and3A_71 = vector.broadcast %and3A_70 : i32 to vector<16xi32>
      %and3A_72 = arith.andi %shift_right_arithmetic3A_69, %and3A_71 : vector<16xi32>
      %convert_element_type3A_73 = arith.sitofp %and3A_72 : vector<16xi32> to vector<16xf32>
      %swap3A_74 = arith.constant 32 : index
      %swap3A_75 = tpu.vector_load %arg8[%swap3A_74] {strides = array<i32>} : memref<1024xf32, #tpu.memory_space<vmem>>, vector<16xf32>,
      %swap3A_76 = vector.shape_cast %swap3A_75 : vector<16xf32> to vector<16xf32>
      %swap3A_77 = vector.shape_cast %convert_element_type3A_73 : vector<16xf32> to vector<16xf32>
      tpu.vector_store %arg8[%swap3A_74], %swap3A_77 {strides = array<i32>} : memref<1024xf32, #tpu.memory_space<vmem>>, vector<16xf32>,
      %get3A_78 = arith.constant 3 : index
      %get3A_79 = tpu.vector_load %arg6[%get3A_78] {strides = array<i32>} : memref<80xi32, #tpu.memory_space<vmem>>, vector<16xi32>,
      %get3A_80 = vector.shape_cast %get3A_79 : vector<16xi32> to vector<16xi32>
      %slice3A_81 = vector.extract_strided_slice %get3A_80 {offsets = [0], sizes = [1], strides = [1]} : vector<16xi32> to vector<1xi32>
      %squeeze3A_82 = vector.extract %slice3A_81[0] : i32 from vector<1xi32>
      %broadcast_in_dim3A_83 = vector.broadcast %squeeze3A_82 : i32 to vector<16xi32>
      %shift_right_arithmetic3A_84 = arith.shrsi %broadcast_in_dim3A_83, %iota3A : vector<16xi32>
      %and3A_85 = arith.constant 1 : i32
      %and3A_86 = vector.broadcast %and3A_85 : i32 to vector<16xi32>
      %and3A_87 = arith.andi %shift_right_arithmetic3A_84, %and3A_86 : vector<16xi32>
      %convert_element_type3A_88 = arith.sitofp %and3A_87 : vector<16xi32> to vector<16xf32>
      %swap3A_89 = arith.constant 48 : index
      %swap3A_90 = tpu.vector_load %arg8[%swap3A_89] {strides = array<i32>} : memref<1024xf32, #tpu.memory_space<vmem>>, vector<16xf32>,
      %swap3A_91 = vector.shape_cast %swap3A_90 : vector<16xf32> to vector<16xf32>
      %swap3A_92 = vector.shape_cast %convert_element_type3A_88 : vector<16xf32> to vector<16xf32>
      tpu.vector_store %arg8[%swap3A_89], %swap3A_92 {strides = array<i32>} : memref<1024xf32, #tpu.memory_space<vmem>>, vector<16xf32>,
      %get3A_93 = arith.constant 4 : index
      %get3A_94 = tpu.vector_load %arg6[%get3A_93] {strides = array<i32>} : memref<80xi32, #tpu.memory_space<vmem>>, vector<16xi32>,
      %get3A_95 = vector.shape_cast %get3A_94 : vector<16xi32> to vector<16xi32>
      %slice3A_96 = vector.extract_strided_slice %get3A_95 {offsets = [0], sizes = [1], strides = [1]} : vector<16xi32> to vector<1xi32>
      %squeeze3A_97 = vector.extract %slice3A_96[0] : i32 from vector<1xi32>
      %broadcast_in_dim3A_98 = vector.broadcast %squeeze3A_97 : i32 to vector<16xi32>
      %shift_right_arithmetic3A_99 = arith.shrsi %broadcast_in_dim3A_98, %iota3A : vector<16xi32>
      %and3A_100 = arith.constant 1 : i32
      %and3A_101 = vector.broadcast %and3A_100 : i32 to vector<16xi32>
      %and3A_102 = arith.andi %shift_right_arithmetic3A_99, %and3A_101 : vector<16xi32>
      %convert_element_type3A_103 = arith.sitofp %and3A_102 : vector<16xi32> to vector<16xf32>
      %swap3A_104 = arith.constant 64 : index
      %swap3A_105 = tpu.vector_load %arg8[%swap3A_104] {strides = array<i32>} : memref<1024xf32, #tpu.memory_space<vmem>>, vector<16xf32>,
      %swap3A_106 = vector.shape_cast %swap3A_105 : vector<16xf32> to vector<16xf32>
      %swap3A_107 = vector.shape_cast %convert_element_type3A_103 : vector<16xf32> to vector<16xf32>
      tpu.vector_store %arg8[%swap3A_104], %swap3A_107 {strides = array<i32>} : memref<1024xf32, #tpu.memory_space<vmem>>, vector<16xf32>,
      %get3A_108 = arith.constant 5 : index
      %get3A_109 = tpu.vector_load %arg6[%get3A_108] {strides = array<i32>} : memref<80xi32, #tpu.memory_space<vmem>>, vector<16xi32>,
      %get3A_110 = vector.shape_cast %get3A_109 : vector<16xi32> to vector<16xi32>
      %slice3A_111 = vector.extract_strided_slice %get3A_110 {offsets = [0], sizes = [1], strides = [1]} : vector<16xi32> to vector<1xi32>
      %squeeze3A_112 = vector.extract %slice3A_111[0] : i32 from vector<1xi32>
      %broadcast_in_dim3A_113 = vector.broadcast %squeeze3A_112 : i32 to vector<16xi32>
      %shift_right_arithmetic3A_114 = arith.shrsi %broadcast_in_dim3A_113, %iota3A : vector<16xi32>
      %and3A_115 = arith.constant 1 : i32
      %and3A_116 = vector.broadcast %and3A_115 : i32 to vector<16xi32>
      %and3A_117 = arith.andi %shift_right_arithmetic3A_114, %and3A_116 : vector<16xi32>
      %convert_element_type3A_118 = arith.sitofp %and3A_117 : vector<16xi32> to vector<16xf32>
      %swap3A_119 = arith.constant 80 : index
      %swap3A_120 = tpu.vector_load %arg8[%swap3A_119] {strides = array<i32>} : memref<1024xf32, #tpu.memory_space<vmem>>, vector<16xf32>,
      %swap3A_121 = vector.shape_cast %swap3A_120 : vector<16xf32> to vector<16xf32>
      %swap3A_122 = vector.shape_cast %convert_element_type3A_118 : vector<16xf32> to vector<16xf32>
      tpu.vector_store %arg8[%swap3A_119], %swap3A_122 {strides = array<i32>} : memref<1024xf32, #tpu.memory_space<vmem>>, vector<16xf32>,
      %get3A_123 = arith.constant 6 : index
      %get3A_124 = tpu.vector_load %arg6[%get3A_123] {strides = array<i32>} : memref<80xi32, #tpu.memory_space<vmem>>, vector<16xi32>,
      %get3A_125 = vector.shape_cast %get3A_124 : vector<16xi32> to vector<16xi32>
      %slice3A_126 = vector.extract_strided_slice %get3A_125 {offsets = [0], sizes = [1], strides = [1]} : vector<16xi32> to vector<1xi32>
      %squeeze3A_127 = vector.extract %slice3A_126[0] : i32 from vector<1xi32>
      %broadcast_in_dim3A_128 = vector.broadcast %squeeze3A_127 : i32 to vector<16xi32>
      %shift_right_arithmetic3A_129 = arith.shrsi %broadcast_in_dim3A_128, %iota3A : vector<16xi32>
      %and3A_130 = arith.constant 1 : i32
      %and3A_131 = vector.broadcast %and3A_130 : i32 to vector<16xi32>
      %and3A_132 = arith.andi %shift_right_arithmetic3A_129, %and3A_131 : vector<16xi32>
      %convert_element_type3A_133 = arith.sitofp %and3A_132 : vector<16xi32> to vector<16xf32>
      %swap3A_134 = arith.constant 96 : index
      %swap3A_135 = tpu.vector_load %arg8[%swap3A_134] {strides = array<i32>} : memref<1024xf32, #tpu.memory_space<vmem>>, vector<16xf32>,
      %swap3A_136 = vector.shape_cast %swap3A_135 : vector<16xf32> to vector<16xf32>
      %swap3A_137 = vector.shape_cast %convert_element_type3A_133 : vector<16xf32> to vector<16xf32>
      tpu.vector_store %arg8[%swap3A_134], %swap3A_137 {strides = array<i32>} : memref<1024xf32, #tpu.memory_space<vmem>>, vector<16xf32>,
      %get3A_138 = arith.constant 7 : index
      %get3A_139 = tpu.vector_load %arg6[%get3A_138] {strides = array<i32>} : memref<80xi32, #tpu.memory_space<vmem>>, vector<16xi32>,
      %get3A_140 = vector.shape_cast %get3A_139 : vector<16xi32> to vector<16xi32>
      %slice3A_141 = vector.extract_strided_slice %get3A_140 {offsets = [0], sizes = [1], strides = [1]} : vector<16xi32> to vector<1xi32>
      %squeeze3A_142 = vector.extract %slice3A_141[0] : i32 from vector<1xi32>
      %broadcast_in_dim3A_143 = vector.broadcast %squeeze3A_142 : i32 to vector<16xi32>
      %shift_right_arithmetic3A_144 = arith.shrsi %broadcast_in_dim3A_143, %iota3A : vector<16xi32>
      %and3A_145 = arith.constant 1 : i32
      %and3A_146 = vector.broadcast %and3A_145 : i32 to vector<16xi32>
      %and3A_147 = arith.andi %shift_right_arithmetic3A_144, %and3A_146 : vector<16xi32>
      %convert_element_type3A_148 = arith.sitofp %and3A_147 : vector<16xi32> to vector<16xf32>
      %swap3A_149 = arith.constant 112 : index
      %swap3A_150 = tpu.vector_load %arg8[%swap3A_149] {strides = array<i32>} : memref<1024xf32, #tpu.memory_space<vmem>>, vector<16xf32>,
      %swap3A_151 = vector.shape_cast %swap3A_150 : vector<16xf32> to vector<16xf32>
      %swap3A_152 = vector.shape_cast %convert_element_type3A_148 : vector<16xf32> to vector<16xf32>
      tpu.vector_store %arg8[%swap3A_149], %swap3A_152 {strides = array<i32>} : memref<1024xf32, #tpu.memory_space<vmem>>, vector<16xf32>,
      %get3A_153 = arith.constant 8 : index
      %get3A_154 = tpu.vector_load %arg6[%get3A_153] {strides = array<i32>} : memref<80xi32, #tpu.memory_space<vmem>>, vector<16xi32>,
      %get3A_155 = vector.shape_cast %get3A_154 : vector<16xi32> to vector<16xi32>
      %slice3A_156 = vector.extract_strided_slice %get3A_155 {offsets = [0], sizes = [1], strides = [1]} : vector<16xi32> to vector<1xi32>
      %squeeze3A_157 = vector.extract %slice3A_156[0] : i32 from vector<1xi32>
      %broadcast_in_dim3A_158 = vector.broadcast %squeeze3A_157 : i32 to vector<16xi32>
      %shift_right_arithmetic3A_159 = arith.shrsi %broadcast_in_dim3A_158, %iota3A : vector<16xi32>
      %and3A_160 = arith.constant 1 : i32
      %and3A_161 = vector.broadcast %and3A_160 : i32 to vector<16xi32>
      %and3A_162 = arith.andi %shift_right_arithmetic3A_159, %and3A_161 : vector<16xi32>
      %convert_element_type3A_163 = arith.sitofp %and3A_162 : vector<16xi32> to vector<16xf32>
      %swap3A_164 = arith.constant 128 : index
      %swap3A_165 = tpu.vector_load %arg8[%swap3A_164] {strides = array<i32>} : memref<1024xf32, #tpu.memory_space<vmem>>, vector<16xf32>,
      %swap3A_166 = vector.shape_cast %swap3A_165 : vector<16xf32> to vector<16xf32>
      %swap3A_167 = vector.shape_cast %convert_element_type3A_163 : vector<16xf32> to vector<16xf32>
      tpu.vector_store %arg8[%swap3A_164], %swap3A_167 {strides = array<i32>} : memref<1024xf32, #tpu.memory_space<vmem>>, vector<16xf32>,
      %get3A_168 = arith.constant 9 : index
      %get3A_169 = tpu.vector_load %arg6[%get3A_168] {strides = array<i32>} : memref<80xi32, #tpu.memory_space<vmem>>, vector<16xi32>,
      %get3A_170 = vector.shape_cast %get3A_169 : vector<16xi32> to vector<16xi32>
      %slice3A_171 = vector.extract_strided_slice %get3A_170 {offsets = [0], sizes = [1], strides = [1]} : vector<16xi32> to vector<1xi32>
      %squeeze3A_172 = vector.extract %slice3A_171[0] : i32 from vector<1xi32>
      %broadcast_in_dim3A_173 = vector.broadcast %squeeze3A_172 : i32 to vector<16xi32>
      %shift_right_arithmetic3A_174 = arith.shrsi %broadcast_in_dim3A_173, %iota3A : vector<16xi32>
      %and3A_175 = arith.constant 1 : i32
      %and3A_176 = vector.broadcast %and3A_175 : i32 to vector<16xi32>
      %and3A_177 = arith.andi %shift_right_arithmetic3A_174, %and3A_176 : vector<16xi32>
      %convert_element_type3A_178 = arith.sitofp %and3A_177 : vector<16xi32> to vector<16xf32>
      %swap3A_179 = arith.constant 144 : index
      %swap3A_180 = tpu.vector_load %arg8[%swap3A_179] {strides = array<i32>} : memref<1024xf32, #tpu.memory_space<vmem>>, vector<16xf32>,
      %swap3A_181 = vector.shape_cast %swap3A_180 : vector<16xf32> to vector<16xf32>
      %swap3A_182 = vector.shape_cast %convert_element_type3A_178 : vector<16xf32> to vector<16xf32>
      tpu.vector_store %arg8[%swap3A_179], %swap3A_182 {strides = array<i32>} : memref<1024xf32, #tpu.memory_space<vmem>>, vector<16xf32>,
      %get3A_183 = arith.constant 10 : index
      %get3A_184 = tpu.vector_load %arg6[%get3A_183] {strides = array<i32>} : memref<80xi32, #tpu.memory_space<vmem>>, vector<16xi32>,
      %get3A_185 = vector.shape_cast %get3A_184 : vector<16xi32> to vector<16xi32>
      %slice3A_186 = vector.extract_strided_slice %get3A_185 {offsets = [0], sizes = [1], strides = [1]} : vector<16xi32> to vector<1xi32>
      %squeeze3A_187 = vector.extract %slice3A_186[0] : i32 from vector<1xi32>
      %broadcast_in_dim3A_188 = vector.broadcast %squeeze3A_187 : i32 to vector<16xi32>
      %shift_right_arithmetic3A_189 = arith.shrsi %broadcast_in_dim3A_188, %iota3A : vector<16xi32>
      %and3A_190 = arith.constant 1 : i32
      %and3A_191 = vector.broadcast %and3A_190 : i32 to vector<16xi32>
      %and3A_192 = arith.andi %shift_right_arithmetic3A_189, %and3A_191 : vector<16xi32>
      %convert_element_type3A_193 = arith.sitofp %and3A_192 : vector<16xi32> to vector<16xf32>
      %swap3A_194 = arith.constant 160 : index
      %swap3A_195 = tpu.vector_load %arg8[%swap3A_194] {strides = array<i32>} : memref<1024xf32, #tpu.memory_space<vmem>>, vector<16xf32>,
      %swap3A_196 = vector.shape_cast %swap3A_195 : vector<16xf32> to vector<16xf32>
      %swap3A_197 = vector.shape_cast %convert_element_type3A_193 : vector<16xf32> to vector<16xf32>
      tpu.vector_store %arg8[%swap3A_194], %swap3A_197 {strides = array<i32>} : memref<1024xf32, #tpu.memory_space<vmem>>, vector<16xf32>,
      %get3A_198 = arith.constant 11 : index
      %get3A_199 = tpu.vector_load %arg6[%get3A_198] {strides = array<i32>} : memref<80xi32, #tpu.memory_space<vmem>>, vector<16xi32>,
      %get3A_200 = vector.shape_cast %get3A_199 : vector<16xi32> to vector<16xi32>
      %slice3A_201 = vector.extract_strided_slice %get3A_200 {offsets = [0], sizes = [1], strides = [1]} : vector<16xi32> to vector<1xi32>
      %squeeze3A_202 = vector.extract %slice3A_201[0] : i32 from vector<1xi32>
      %broadcast_in_dim3A_203 = vector.broadcast %squeeze3A_202 : i32 to vector<16xi32>
      %shift_right_arithmetic3A_204 = arith.shrsi %broadcast_in_dim3A_203, %iota3A : vector<16xi32>
      %and3A_205 = arith.constant 1 : i32
      %and3A_206 = vector.broadcast %and3A_205 : i32 to vector<16xi32>
      %and3A_207 = arith.andi %shift_right_arithmetic3A_204, %and3A_206 : vector<16xi32>
      %convert_element_type3A_208 = arith.sitofp %and3A_207 : vector<16xi32> to vector<16xf32>
      %swap3A_209 = arith.constant 176 : index
      %swap3A_210 = tpu.vector_load %arg8[%swap3A_209] {strides = array<i32>} : memref<1024xf32, #tpu.memory_space<vmem>>, vector<16xf32>,
      %swap3A_211 = vector.shape_cast %swap3A_210 : vector<16xf32> to vector<16xf32>
      %swap3A_212 = vector.shape_cast %convert_element_type3A_208 : vector<16xf32> to vector<16xf32>
      tpu.vector_store %arg8[%swap3A_209], %swap3A_212 {strides = array<i32>} : memref<1024xf32, #tpu.memory_space<vmem>>, vector<16xf32>,
      %get3A_213 = arith.constant 12 : index
      %get3A_214 = tpu.vector_load %arg6[%get3A_213] {strides = array<i32>} : memref<80xi32, #tpu.memory_space<vmem>>, vector<16xi32>,
      %get3A_215 = vector.shape_cast %get3A_214 : vector<16xi32> to vector<16xi32>
      %slice3A_216 = vector.extract_strided_slice %get3A_215 {offsets = [0], sizes = [1], strides = [1]} : vector<16xi32> to vector<1xi32>
      %squeeze3A_217 = vector.extract %slice3A_216[0] : i32 from vector<1xi32>
      %broadcast_in_dim3A_218 = vector.broadcast %squeeze3A_217 : i32 to vector<16xi32>
      %shift_right_arithmetic3A_219 = arith.shrsi %broadcast_in_dim3A_218, %iota3A : vector<16xi32>
      %and3A_220 = arith.constant 1 : i32
      %and3A_221 = vector.broadcast %and3A_220 : i32 to vector<16xi32>
      %and3A_222 = arith.andi %shift_right_arithmetic3A_219, %and3A_221 : vector<16xi32>
      %convert_element_type3A_223 = arith.sitofp %and3A_222 : vector<16xi32> to vector<16xf32>
      %swap3A_224 = arith.constant 192 : index
      %swap3A_225 = tpu.vector_load %arg8[%swap3A_224] {strides = array<i32>} : memref<1024xf32, #tpu.memory_space<vmem>>, vector<16xf32>,
      %swap3A_226 = vector.shape_cast %swap3A_225 : vector<16xf32> to vector<16xf32>
      %swap3A_227 = vector.shape_cast %convert_element_type3A_223 : vector<16xf32> to vector<16xf32>
      tpu.vector_store %arg8[%swap3A_224], %swap3A_227 {strides = array<i32>} : memref<1024xf32, #tpu.memory_space<vmem>>, vector<16xf32>,
      %get3A_228 = arith.constant 13 : index
      %get3A_229 = tpu.vector_load %arg6[%get3A_228] {strides = array<i32>} : memref<80xi32, #tpu.memory_space<vmem>>, vector<16xi32>,
      %get3A_230 = vector.shape_cast %get3A_229 : vector<16xi32> to vector<16xi32>
      %slice3A_231 = vector.extract_strided_slice %get3A_230 {offsets = [0], sizes = [1], strides = [1]} : vector<16xi32> to vector<1xi32>
      %squeeze3A_232 = vector.extract %slice3A_231[0] : i32 from vector<1xi32>
      %broadcast_in_dim3A_233 = vector.broadcast %squeeze3A_232 : i32 to vector<16xi32>
      %shift_right_arithmetic3A_234 = arith.shrsi %broadcast_in_dim3A_233, %iota3A : vector<16xi32>
      %and3A_235 = arith.constant 1 : i32
      %and3A_236 = vector.broadcast %and3A_235 : i32 to vector<16xi32>
      %and3A_237 = arith.andi %shift_right_arithmetic3A_234, %and3A_236 : vector<16xi32>
      %convert_element_type3A_238 = arith.sitofp %and3A_237 : vector<16xi32> to vector<16xf32>
      %swap3A_239 = arith.constant 208 : index
      %swap3A_240 = tpu.vector_load %arg8[%swap3A_239] {strides = array<i32>} : memref<1024xf32, #tpu.memory_space<vmem>>, vector<16xf32>,
      %swap3A_241 = vector.shape_cast %swap3A_240 : vector<16xf32> to vector<16xf32>
      %swap3A_242 = vector.shape_cast %convert_element_type3A_238 : vector<16xf32> to vector<16xf32>
      tpu.vector_store %arg8[%swap3A_239], %swap3A_242 {strides = array<i32>} : memref<1024xf32, #tpu.memory_space<vmem>>, vector<16xf32>,
      %get3A_243 = arith.constant 14 : index
      %get3A_244 = tpu.vector_load %arg6[%get3A_243] {strides = array<i32>} : memref<80xi32, #tpu.memory_space<vmem>>, vector<16xi32>,
      %get3A_245 = vector.shape_cast %get3A_244 : vector<16xi32> to vector<16xi32>
      %slice3A_246 = vector.extract_strided_slice %get3A_245 {offsets = [0], sizes = [1], strides = [1]} : vector<16xi32> to vector<1xi32>
      %squeeze3A_247 = vector.extract %slice3A_246[0] : i32 from vector<1xi32>
      %broadcast_in_dim3A_248 = vector.broadcast %squeeze3A_247 : i32 to vector<16xi32>
      %shift_right_arithmetic3A_249 = arith.shrsi %broadcast_in_dim3A_248, %iota3A : vector<16xi32>
      %and3A_250 = arith.constant 1 : i32
      %and3A_251 = vector.broadcast %and3A_250 : i32 to vector<16xi32>
      %and3A_252 = arith.andi %shift_right_arithmetic3A_249, %and3A_251 : vector<16xi32>
      %convert_element_type3A_253 = arith.sitofp %and3A_252 : vector<16xi32> to vector<16xf32>
      %swap3A_254 = arith.constant 224 : index
      %swap3A_255 = tpu.vector_load %arg8[%swap3A_254] {strides = array<i32>} : memref<1024xf32, #tpu.memory_space<vmem>>, vector<16xf32>,
      %swap3A_256 = vector.shape_cast %swap3A_255 : vector<16xf32> to vector<16xf32>
      %swap3A_257 = vector.shape_cast %convert_element_type3A_253 : vector<16xf32> to vector<16xf32>
      tpu.vector_store %arg8[%swap3A_254], %swap3A_257 {strides = array<i32>} : memref<1024xf32, #tpu.memory_space<vmem>>, vector<16xf32>,
      %get3A_258 = arith.constant 15 : index
      %get3A_259 = tpu.vector_load %arg6[%get3A_258] {strides = array<i32>} : memref<80xi32, #tpu.memory_space<vmem>>, vector<16xi32>,
      %get3A_260 = vector.shape_cast %get3A_259 : vector<16xi32> to vector<16xi32>
      %slice3A_261 = vector.extract_strided_slice %get3A_260 {offsets = [0], sizes = [1], strides = [1]} : vector<16xi32> to vector<1xi32>
      %squeeze3A_262 = vector.extract %slice3A_261[0] : i32 from vector<1xi32>
      %broadcast_in_dim3A_263 = vector.broadcast %squeeze3A_262 : i32 to vector<16xi32>
      %shift_right_arithmetic3A_264 = arith.shrsi %broadcast_in_dim3A_263, %iota3A : vector<16xi32>
      %and3A_265 = arith.constant 1 : i32
      %and3A_266 = vector.broadcast %and3A_265 : i32 to vector<16xi32>
      %and3A_267 = arith.andi %shift_right_arithmetic3A_264, %and3A_266 : vector<16xi32>
      %convert_element_type3A_268 = arith.sitofp %and3A_267 : vector<16xi32> to vector<16xf32>
      %swap3A_269 = arith.constant 240 : index
      %swap3A_270 = tpu.vector_load %arg8[%swap3A_269] {strides = array<i32>} : memref<1024xf32, #tpu.memory_space<vmem>>, vector<16xf32>,
      %swap3A_271 = vector.shape_cast %swap3A_270 : vector<16xf32> to vector<16xf32>
      %swap3A_272 = vector.shape_cast %convert_element_type3A_268 : vector<16xf32> to vector<16xf32>
      tpu.vector_store %arg8[%swap3A_269], %swap3A_272 {strides = array<i32>} : memref<1024xf32, #tpu.memory_space<vmem>>, vector<16xf32>,
      %get3A_273 = arith.constant 16 : index
      %get3A_274 = tpu.vector_load %arg6[%get3A_273] {strides = array<i32>} : memref<80xi32, #tpu.memory_space<vmem>>, vector<16xi32>,
      %get3A_275 = vector.shape_cast %get3A_274 : vector<16xi32> to vector<16xi32>
      %slice3A_276 = vector.extract_strided_slice %get3A_275 {offsets = [0], sizes = [1], strides = [1]} : vector<16xi32> to vector<1xi32>
      %squeeze3A_277 = vector.extract %slice3A_276[0] : i32 from vector<1xi32>
      %broadcast_in_dim3A_278 = vector.broadcast %squeeze3A_277 : i32 to vector<16xi32>
      %shift_right_arithmetic3A_279 = arith.shrsi %broadcast_in_dim3A_278, %iota3A : vector<16xi32>
      %and3A_280 = arith.constant 1 : i32
      %and3A_281 = vector.broadcast %and3A_280 : i32 to vector<16xi32>
      %and3A_282 = arith.andi %shift_right_arithmetic3A_279, %and3A_281 : vector<16xi32>
      %convert_element_type3A_283 = arith.sitofp %and3A_282 : vector<16xi32> to vector<16xf32>
      %swap3A_284 = arith.constant 256 : index
      %swap3A_285 = tpu.vector_load %arg8[%swap3A_284] {strides = array<i32>} : memref<1024xf32, #tpu.memory_space<vmem>>, vector<16xf32>,
      %swap3A_286 = vector.shape_cast %swap3A_285 : vector<16xf32> to vector<16xf32>
      %swap3A_287 = vector.shape_cast %convert_element_type3A_283 : vector<16xf32> to vector<16xf32>
      tpu.vector_store %arg8[%swap3A_284], %swap3A_287 {strides = array<i32>} : memref<1024xf32, #tpu.memory_space<vmem>>, vector<16xf32>,
      %get3A_288 = arith.constant 17 : index
      %get3A_289 = tpu.vector_load %arg6[%get3A_288] {strides = array<i32>} : memref<80xi32, #tpu.memory_space<vmem>>, vector<16xi32>,
      %get3A_290 = vector.shape_cast %get3A_289 : vector<16xi32> to vector<16xi32>
      %slice3A_291 = vector.extract_strided_slice %get3A_290 {offsets = [0], sizes = [1], strides = [1]} : vector<16xi32> to vector<1xi32>
      %squeeze3A_292 = vector.extract %slice3A_291[0] : i32 from vector<1xi32>
      %broadcast_in_dim3A_293 = vector.broadcast %squeeze3A_292 : i32 to vector<16xi32>
      %shift_right_arithmetic3A_294 = arith.shrsi %broadcast_in_dim3A_293, %iota3A : vector<16xi32>
      %and3A_295 = arith.constant 1 : i32
      %and3A_296 = vector.broadcast %and3A_295 : i32 to vector<16xi32>
      %and3A_297 = arith.andi %shift_right_arithmetic3A_294, %and3A_296 : vector<16xi32>
      %convert_element_type3A_298 = arith.sitofp %and3A_297 : vector<16xi32> to vector<16xf32>
      %swap3A_299 = arith.constant 272 : index
      %swap3A_300 = tpu.vector_load %arg8[%swap3A_299] {strides = array<i32>} : memref<1024xf32, #tpu.memory_space<vmem>>, vector<16xf32>,
      %swap3A_301 = vector.shape_cast %swap3A_300 : vector<16xf32> to vector<16xf32>
      %swap3A_302 = vector.shape_cast %convert_element_type3A_298 : vector<16xf32> to vector<16xf32>
      tpu.vector_store %arg8[%swap3A_299], %swap3A_302 {strides = array<i32>} : memref<1024xf32, #tpu.memory_space<vmem>>, vector<16xf32>,
      %get3A_303 = arith.constant 18 : index
      %get3A_304 = tpu.vector_load %arg6[%get3A_303] {strides = array<i32>} : memref<80xi32, #tpu.memory_space<vmem>>, vector<16xi32>,
      %get3A_305 = vector.shape_cast %get3A_304 : vector<16xi32> to vector<16xi32>
      %slice3A_306 = vector.extract_strided_slice %get3A_305 {offsets = [0], sizes = [1], strides = [1]} : vector<16xi32> to vector<1xi32>
      %squeeze3A_307 = vector.extract %slice3A_306[0] : i32 from vector<1xi32>
      %broadcast_in_dim3A_308 = vector.broadcast %squeeze3A_307 : i32 to vector<16xi32>
      %shift_right_arithmetic3A_309 = arith.shrsi %broadcast_in_dim3A_308, %iota3A : vector<16xi32>
      %and3A_310 = arith.constant 1 : i32
      %and3A_311 = vector.broadcast %and3A_310 : i32 to vector<16xi32>
      %and3A_312 = arith.andi %shift_right_arithmetic3A_309, %and3A_311 : vector<16xi32>
      %convert_element_type3A_313 = arith.sitofp %and3A_312 : vector<16xi32> to vector<16xf32>
      %swap3A_314 = arith.constant 288 : index
      %swap3A_315 = tpu.vector_load %arg8[%swap3A_314] {strides = array<i32>} : memref<1024xf32, #tpu.memory_space<vmem>>, vector<16xf32>,
      %swap3A_316 = vector.shape_cast %swap3A_315 : vector<16xf32> to vector<16xf32>
      %swap3A_317 = vector.shape_cast %convert_element_type3A_313 : vector<16xf32> to vector<16xf32>
      tpu.vector_store %arg8[%swap3A_314], %swap3A_317 {strides = array<i32>} : memref<1024xf32, #tpu.memory_space<vmem>>, vector<16xf32>,
      %get3A_318 = arith.constant 19 : index
      %get3A_319 = tpu.vector_load %arg6[%get3A_318] {strides = array<i32>} : memref<80xi32, #tpu.memory_space<vmem>>, vector<16xi32>,
      %get3A_320 = vector.shape_cast %get3A_319 : vector<16xi32> to vector<16xi32>
      %slice3A_321 = vector.extract_strided_slice %get3A_320 {offsets = [0], sizes = [1], strides = [1]} : vector<16xi32> to vector<1xi32>
      %squeeze3A_322 = vector.extract %slice3A_321[0] : i32 from vector<1xi32>
      %broadcast_in_dim3A_323 = vector.broadcast %squeeze3A_322 : i32 to vector<16xi32>
      %shift_right_arithmetic3A_324 = arith.shrsi %broadcast_in_dim3A_323, %iota3A : vector<16xi32>
      %and3A_325 = arith.constant 1 : i32
      %and3A_326 = vector.broadcast %and3A_325 : i32 to vector<16xi32>
      %and3A_327 = arith.andi %shift_right_arithmetic3A_324, %and3A_326 : vector<16xi32>
      %convert_element_type3A_328 = arith.sitofp %and3A_327 : vector<16xi32> to vector<16xf32>
      %swap3A_329 = arith.constant 304 : index
      %swap3A_330 = tpu.vector_load %arg8[%swap3A_329] {strides = array<i32>} : memref<1024xf32, #tpu.memory_space<vmem>>, vector<16xf32>,
      %swap3A_331 = vector.shape_cast %swap3A_330 : vector<16xf32> to vector<16xf32>
      %swap3A_332 = vector.shape_cast %convert_element_type3A_328 : vector<16xf32> to vector<16xf32>
      tpu.vector_store %arg8[%swap3A_329], %swap3A_332 {strides = array<i32>} : memref<1024xf32, #tpu.memory_space<vmem>>, vector<16xf32>,
      %get3A_333 = arith.constant 20 : index
      %get3A_334 = tpu.vector_load %arg6[%get3A_333] {strides = array<i32>} : memref<80xi32, #tpu.memory_space<vmem>>, vector<16xi32>,
      %get3A_335 = vector.shape_cast %get3A_334 : vector<16xi32> to vector<16xi32>
      %slice3A_336 = vector.extract_strided_slice %get3A_335 {offsets = [0], sizes = [1], strides = [1]} : vector<16xi32> to vector<1xi32>
      %squeeze3A_337 = vector.extract %slice3A_336[0] : i32 from vector<1xi32>
      %broadcast_in_dim3A_338 = vector.broadcast %squeeze3A_337 : i32 to vector<16xi32>
      %shift_right_arithmetic3A_339 = arith.shrsi %broadcast_in_dim3A_338, %iota3A : vector<16xi32>
      %and3A_340 = arith.constant 1 : i32
      %and3A_341 = vector.broadcast %and3A_340 : i32 to vector<16xi32>
      %and3A_342 = arith.andi %shift_right_arithmetic3A_339, %and3A_341 : vector<16xi32>
      %convert_element_type3A_343 = arith.sitofp %and3A_342 : vector<16xi32> to vector<16xf32>
      %swap3A_344 = arith.constant 320 : index
      %swap3A_345 = tpu.vector_load %arg8[%swap3A_344] {strides = array<i32>} : memref<1024xf32, #tpu.memory_space<vmem>>, vector<16xf32>,
      %swap3A_346 = vector.shape_cast %swap3A_345 : vector<16xf32> to vector<16xf32>
      %swap3A_347 = vector.shape_cast %convert_element_type3A_343 : vector<16xf32> to vector<16xf32>
      tpu.vector_store %arg8[%swap3A_344], %swap3A_347 {strides = array<i32>} : memref<1024xf32, #tpu.memory_space<vmem>>, vector<16xf32>,
      %get3A_348 = arith.constant 21 : index
      %get3A_349 = tpu.vector_load %arg6[%get3A_348] {strides = array<i32>} : memref<80xi32, #tpu.memory_space<vmem>>, vector<16xi32>,
      %get3A_350 = vector.shape_cast %get3A_349 : vector<16xi32> to vector<16xi32>
      %slice3A_351 = vector.extract_strided_slice %get3A_350 {offsets = [0], sizes = [1], strides = [1]} : vector<16xi32> to vector<1xi32>
      %squeeze3A_352 = vector.extract %slice3A_351[0] : i32 from vector<1xi32>
      %broadcast_in_dim3A_353 = vector.broadcast %squeeze3A_352 : i32 to vector<16xi32>
      %shift_right_arithmetic3A_354 = arith.shrsi %broadcast_in_dim3A_353, %iota3A : vector<16xi32>
      %and3A_355 = arith.constant 1 : i32
      %and3A_356 = vector.broadcast %and3A_355 : i32 to vector<16xi32>
      %and3A_357 = arith.andi %shift_right_arithmetic3A_354, %and3A_356 : vector<16xi32>
      %convert_element_type3A_358 = arith.sitofp %and3A_357 : vector<16xi32> to vector<16xf32>
      %swap3A_359 = arith.constant 336 : index
      %swap3A_360 = tpu.vector_load %arg8[%swap3A_359] {strides = array<i32>} : memref<1024xf32, #tpu.memory_space<vmem>>, vector<16xf32>,
      %swap3A_361 = vector.shape_cast %swap3A_360 : vector<16xf32> to vector<16xf32>
      %swap3A_362 = vector.shape_cast %convert_element_type3A_358 : vector<16xf32> to vector<16xf32>
      tpu.vector_store %arg8[%swap3A_359], %swap3A_362 {strides = array<i32>} : memref<1024xf32, #tpu.memory_space<vmem>>, vector<16xf32>,
      %get3A_363 = arith.constant 22 : index
      %get3A_364 = tpu.vector_load %arg6[%get3A_363] {strides = array<i32>} : memref<80xi32, #tpu.memory_space<vmem>>, vector<16xi32>,
      %get3A_365 = vector.shape_cast %get3A_364 : vector<16xi32> to vector<16xi32>
      %slice3A_366 = vector.extract_strided_slice %get3A_365 {offsets = [0], sizes = [1], strides = [1]} : vector<16xi32> to vector<1xi32>
      %squeeze3A_367 = vector.extract %slice3A_366[0] : i32 from vector<1xi32>
      %broadcast_in_dim3A_368 = vector.broadcast %squeeze3A_367 : i32 to vector<16xi32>
      %shift_right_arithmetic3A_369 = arith.shrsi %broadcast_in_dim3A_368, %iota3A : vector<16xi32>
      %and3A_370 = arith.constant 1 : i32
      %and3A_371 = vector.broadcast %and3A_370 : i32 to vector<16xi32>
      %and3A_372 = arith.andi %shift_right_arithmetic3A_369, %and3A_371 : vector<16xi32>
      %convert_element_type3A_373 = arith.sitofp %and3A_372 : vector<16xi32> to vector<16xf32>
      %swap3A_374 = arith.constant 352 : index
      %swap3A_375 = tpu.vector_load %arg8[%swap3A_374] {strides = array<i32>} : memref<1024xf32, #tpu.memory_space<vmem>>, vector<16xf32>,
      %swap3A_376 = vector.shape_cast %swap3A_375 : vector<16xf32> to vector<16xf32>
      %swap3A_377 = vector.shape_cast %convert_element_type3A_373 : vector<16xf32> to vector<16xf32>
      tpu.vector_store %arg8[%swap3A_374], %swap3A_377 {strides = array<i32>} : memref<1024xf32, #tpu.memory_space<vmem>>, vector<16xf32>,
      %get3A_378 = arith.constant 23 : index
      %get3A_379 = tpu.vector_load %arg6[%get3A_378] {strides = array<i32>} : memref<80xi32, #tpu.memory_space<vmem>>, vector<16xi32>,
      %get3A_380 = vector.shape_cast %get3A_379 : vector<16xi32> to vector<16xi32>
      %slice3A_381 = vector.extract_strided_slice %get3A_380 {offsets = [0], sizes = [1], strides = [1]} : vector<16xi32> to vector<1xi32>
      %squeeze3A_382 = vector.extract %slice3A_381[0] : i32 from vector<1xi32>
      %broadcast_in_dim3A_383 = vector.broadcast %squeeze3A_382 : i32 to vector<16xi32>
      %shift_right_arithmetic3A_384 = arith.shrsi %broadcast_in_dim3A_383, %iota3A : vector<16xi32>
      %and3A_385 = arith.constant 1 : i32
      %and3A_386 = vector.broadcast %and3A_385 : i32 to vector<16xi32>
      %and3A_387 = arith.andi %shift_right_arithmetic3A_384, %and3A_386 : vector<16xi32>
      %convert_element_type3A_388 = arith.sitofp %and3A_387 : vector<16xi32> to vector<16xf32>
      %swap3A_389 = arith.constant 368 : index
      %swap3A_390 = tpu.vector_load %arg8[%swap3A_389] {strides = array<i32>} : memref<1024xf32, #tpu.memory_space<vmem>>, vector<16xf32>,
      %swap3A_391 = vector.shape_cast %swap3A_390 : vector<16xf32> to vector<16xf32>
      %swap3A_392 = vector.shape_cast %convert_element_type3A_388 : vector<16xf32> to vector<16xf32>
      tpu.vector_store %arg8[%swap3A_389], %swap3A_392 {strides = array<i32>} : memref<1024xf32, #tpu.memory_space<vmem>>, vector<16xf32>,
      %get3A_393 = arith.constant 24 : index
      %get3A_394 = tpu.vector_load %arg6[%get3A_393] {strides = array<i32>} : memref<80xi32, #tpu.memory_space<vmem>>, vector<16xi32>,
      %get3A_395 = vector.shape_cast %get3A_394 : vector<16xi32> to vector<16xi32>
      %slice3A_396 = vector.extract_strided_slice %get3A_395 {offsets = [0], sizes = [1], strides = [1]} : vector<16xi32> to vector<1xi32>
      %squeeze3A_397 = vector.extract %slice3A_396[0] : i32 from vector<1xi32>
      %broadcast_in_dim3A_398 = vector.broadcast %squeeze3A_397 : i32 to vector<16xi32>
      %shift_right_arithmetic3A_399 = arith.shrsi %broadcast_in_dim3A_398, %iota3A : vector<16xi32>
      %and3A_400 = arith.constant 1 : i32
      %and3A_401 = vector.broadcast %and3A_400 : i32 to vector<16xi32>
      %and3A_402 = arith.andi %shift_right_arithmetic3A_399, %and3A_401 : vector<16xi32>
      %convert_element_type3A_403 = arith.sitofp %and3A_402 : vector<16xi32> to vector<16xf32>
      %swap3A_404 = arith.constant 384 : index
      %swap3A_405 = tpu.vector_load %arg8[%swap3A_404] {strides = array<i32>} : memref<1024xf32, #tpu.memory_space<vmem>>, vector<16xf32>,
      %swap3A_406 = vector.shape_cast %swap3A_405 : vector<16xf32> to vector<16xf32>
      %swap3A_407 = vector.shape_cast %convert_element_type3A_403 : vector<16xf32> to vector<16xf32>
      tpu.vector_store %arg8[%swap3A_404], %swap3A_407 {strides = array<i32>} : memref<1024xf32, #tpu.memory_space<vmem>>, vector<16xf32>,
      %get3A_408 = arith.constant 25 : index
      %get3A_409 = tpu.vector_load %arg6[%get3A_408] {strides = array<i32>} : memref<80xi32, #tpu.memory_space<vmem>>, vector<16xi32>,
      %get3A_410 = vector.shape_cast %get3A_409 : vector<16xi32> to vector<16xi32>
      %slice3A_411 = vector.extract_strided_slice %get3A_410 {offsets = [0], sizes = [1], strides = [1]} : vector<16xi32> to vector<1xi32>
      %squeeze3A_412 = vector.extract %slice3A_411[0] : i32 from vector<1xi32>
      %broadcast_in_dim3A_413 = vector.broadcast %squeeze3A_412 : i32 to vector<16xi32>
      %shift_right_arithmetic3A_414 = arith.shrsi %broadcast_in_dim3A_413, %iota3A : vector<16xi32>
      %and3A_415 = arith.constant 1 : i32
      %and3A_416 = vector.broadcast %and3A_415 : i32 to vector<16xi32>
      %and3A_417 = arith.andi %shift_right_arithmetic3A_414, %and3A_416 : vector<16xi32>
      %convert_element_type3A_418 = arith.sitofp %and3A_417 : vector<16xi32> to vector<16xf32>
      %swap3A_419 = arith.constant 400 : index
      %swap3A_420 = tpu.vector_load %arg8[%swap3A_419] {strides = array<i32>} : memref<1024xf32, #tpu.memory_space<vmem>>, vector<16xf32>,
      %swap3A_421 = vector.shape_cast %swap3A_420 : vector<16xf32> to vector<16xf32>
      %swap3A_422 = vector.shape_cast %convert_element_type3A_418 : vector<16xf32> to vector<16xf32>
      tpu.vector_store %arg8[%swap3A_419], %swap3A_422 {strides = array<i32>} : memref<1024xf32, #tpu.memory_space<vmem>>, vector<16xf32>,
      %get3A_423 = arith.constant 26 : index
      %get3A_424 = tpu.vector_load %arg6[%get3A_423] {strides = array<i32>} : memref<80xi32, #tpu.memory_space<vmem>>, vector<16xi32>,
      %get3A_425 = vector.shape_cast %get3A_424 : vector<16xi32> to vector<16xi32>
      %slice3A_426 = vector.extract_strided_slice %get3A_425 {offsets = [0], sizes = [1], strides = [1]} : vector<16xi32> to vector<1xi32>
      %squeeze3A_427 = vector.extract %slice3A_426[0] : i32 from vector<1xi32>
      %broadcast_in_dim3A_428 = vector.broadcast %squeeze3A_427 : i32 to vector<16xi32>
      %shift_right_arithmetic3A_429 = arith.shrsi %broadcast_in_dim3A_428, %iota3A : vector<16xi32>
      %and3A_430 = arith.constant 1 : i32
      %and3A_431 = vector.broadcast %and3A_430 : i32 to vector<16xi32>
      %and3A_432 = arith.andi %shift_right_arithmetic3A_429, %and3A_431 : vector<16xi32>
      %convert_element_type3A_433 = arith.sitofp %and3A_432 : vector<16xi32> to vector<16xf32>
      %swap3A_434 = arith.constant 416 : index
      %swap3A_435 = tpu.vector_load %arg8[%swap3A_434] {strides = array<i32>} : memref<1024xf32, #tpu.memory_space<vmem>>, vector<16xf32>,
      %swap3A_436 = vector.shape_cast %swap3A_435 : vector<16xf32> to vector<16xf32>
      %swap3A_437 = vector.shape_cast %convert_element_type3A_433 : vector<16xf32> to vector<16xf32>
      tpu.vector_store %arg8[%swap3A_434], %swap3A_437 {strides = array<i32>} : memref<1024xf32, #tpu.memory_space<vmem>>, vector<16xf32>,
      %get3A_438 = arith.constant 27 : index
      %get3A_439 = tpu.vector_load %arg6[%get3A_438] {strides = array<i32>} : memref<80xi32, #tpu.memory_space<vmem>>, vector<16xi32>,
      %get3A_440 = vector.shape_cast %get3A_439 : vector<16xi32> to vector<16xi32>
      %slice3A_441 = vector.extract_strided_slice %get3A_440 {offsets = [0], sizes = [1], strides = [1]} : vector<16xi32> to vector<1xi32>
      %squeeze3A_442 = vector.extract %slice3A_441[0] : i32 from vector<1xi32>
      %broadcast_in_dim3A_443 = vector.broadcast %squeeze3A_442 : i32 to vector<16xi32>
      %shift_right_arithmetic3A_444 = arith.shrsi %broadcast_in_dim3A_443, %iota3A : vector<16xi32>
      %and3A_445 = arith.constant 1 : i32
      %and3A_446 = vector.broadcast %and3A_445 : i32 to vector<16xi32>
      %and3A_447 = arith.andi %shift_right_arithmetic3A_444, %and3A_446 : vector<16xi32>
      %convert_element_type3A_448 = arith.sitofp %and3A_447 : vector<16xi32> to vector<16xf32>
      %swap3A_449 = arith.constant 432 : index
      %swap3A_450 = tpu.vector_load %arg8[%swap3A_449] {strides = array<i32>} : memref<1024xf32, #tpu.memory_space<vmem>>, vector<16xf32>,
      %swap3A_451 = vector.shape_cast %swap3A_450 : vector<16xf32> to vector<16xf32>
      %swap3A_452 = vector.shape_cast %convert_element_type3A_448 : vector<16xf32> to vector<16xf32>
      tpu.vector_store %arg8[%swap3A_449], %swap3A_452 {strides = array<i32>} : memref<1024xf32, #tpu.memory_space<vmem>>, vector<16xf32>,
      %get3A_453 = arith.constant 28 : index
      %get3A_454 = tpu.vector_load %arg6[%get3A_453] {strides = array<i32>} : memref<80xi32, #tpu.memory_space<vmem>>, vector<16xi32>,
      %get3A_455 = vector.shape_cast %get3A_454 : vector<16xi32> to vector<16xi32>
      %slice3A_456 = vector.extract_strided_slice %get3A_455 {offsets = [0], sizes = [1], strides = [1]} : vector<16xi32> to vector<1xi32>
      %squeeze3A_457 = vector.extract %slice3A_456[0] : i32 from vector<1xi32>
      %broadcast_in_dim3A_458 = vector.broadcast %squeeze3A_457 : i32 to vector<16xi32>
      %shift_right_arithmetic3A_459 = arith.shrsi %broadcast_in_dim3A_458, %iota3A : vector<16xi32>
      %and3A_460 = arith.constant 1 : i32
      %and3A_461 = vector.broadcast %and3A_460 : i32 to vector<16xi32>
      %and3A_462 = arith.andi %shift_right_arithmetic3A_459, %and3A_461 : vector<16xi32>
      %convert_element_type3A_463 = arith.sitofp %and3A_462 : vector<16xi32> to vector<16xf32>
      %swap3A_464 = arith.constant 448 : index
      %swap3A_465 = tpu.vector_load %arg8[%swap3A_464] {strides = array<i32>} : memref<1024xf32, #tpu.memory_space<vmem>>, vector<16xf32>,
      %swap3A_466 = vector.shape_cast %swap3A_465 : vector<16xf32> to vector<16xf32>
      %swap3A_467 = vector.shape_cast %convert_element_type3A_463 : vector<16xf32> to vector<16xf32>
      tpu.vector_store %arg8[%swap3A_464], %swap3A_467 {strides = array<i32>} : memref<1024xf32, #tpu.memory_space<vmem>>, vector<16xf32>,
      %get3A_468 = arith.constant 29 : index
      %get3A_469 = tpu.vector_load %arg6[%get3A_468] {strides = array<i32>} : memref<80xi32, #tpu.memory_space<vmem>>, vector<16xi32>,
      %get3A_470 = vector.shape_cast %get3A_469 : vector<16xi32> to vector<16xi32>
      %slice3A_471 = vector.extract_strided_slice %get3A_470 {offsets = [0], sizes = [1], strides = [1]} : vector<16xi32> to vector<1xi32>
      %squeeze3A_472 = vector.extract %slice3A_471[0] : i32 from vector<1xi32>
      %broadcast_in_dim3A_473 = vector.broadcast %squeeze3A_472 : i32 to vector<16xi32>
      %shift_right_arithmetic3A_474 = arith.shrsi %broadcast_in_dim3A_473, %iota3A : vector<16xi32>
      %and3A_475 = arith.constant 1 : i32
      %and3A_476 = vector.broadcast %and3A_475 : i32 to vector<16xi32>
      %and3A_477 = arith.andi %shift_right_arithmetic3A_474, %and3A_476 : vector<16xi32>
      %convert_element_type3A_478 = arith.sitofp %and3A_477 : vector<16xi32> to vector<16xf32>
      %swap3A_479 = arith.constant 464 : index
      %swap3A_480 = tpu.vector_load %arg8[%swap3A_479] {strides = array<i32>} : memref<1024xf32, #tpu.memory_space<vmem>>, vector<16xf32>,
      %swap3A_481 = vector.shape_cast %swap3A_480 : vector<16xf32> to vector<16xf32>
      %swap3A_482 = vector.shape_cast %convert_element_type3A_478 : vector<16xf32> to vector<16xf32>
      tpu.vector_store %arg8[%swap3A_479], %swap3A_482 {strides = array<i32>} : memref<1024xf32, #tpu.memory_space<vmem>>, vector<16xf32>,
      %get3A_483 = arith.constant 30 : index
      %get3A_484 = tpu.vector_load %arg6[%get3A_483] {strides = array<i32>} : memref<80xi32, #tpu.memory_space<vmem>>, vector<16xi32>,
      %get3A_485 = vector.shape_cast %get3A_484 : vector<16xi32> to vector<16xi32>
      %slice3A_486 = vector.extract_strided_slice %get3A_485 {offsets = [0], sizes = [1], strides = [1]} : vector<16xi32> to vector<1xi32>
      %squeeze3A_487 = vector.extract %slice3A_486[0] : i32 from vector<1xi32>
      %broadcast_in_dim3A_488 = vector.broadcast %squeeze3A_487 : i32 to vector<16xi32>
      %shift_right_arithmetic3A_489 = arith.shrsi %broadcast_in_dim3A_488, %iota3A : vector<16xi32>
      %and3A_490 = arith.constant 1 : i32
      %and3A_491 = vector.broadcast %and3A_490 : i32 to vector<16xi32>
      %and3A_492 = arith.andi %shift_right_arithmetic3A_489, %and3A_491 : vector<16xi32>
      %convert_element_type3A_493 = arith.sitofp %and3A_492 : vector<16xi32> to vector<16xf32>
      %swap3A_494 = arith.constant 480 : index
      %swap3A_495 = tpu.vector_load %arg8[%swap3A_494] {strides = array<i32>} : memref<1024xf32, #tpu.memory_space<vmem>>, vector<16xf32>,
      %swap3A_496 = vector.shape_cast %swap3A_495 : vector<16xf32> to vector<16xf32>
      %swap3A_497 = vector.shape_cast %convert_element_type3A_493 : vector<16xf32> to vector<16xf32>
      tpu.vector_store %arg8[%swap3A_494], %swap3A_497 {strides = array<i32>} : memref<1024xf32, #tpu.memory_space<vmem>>, vector<16xf32>,
      %get3A_498 = arith.constant 31 : index
      %get3A_499 = tpu.vector_load %arg6[%get3A_498] {strides = array<i32>} : memref<80xi32, #tpu.memory_space<vmem>>, vector<16xi32>,
      %get3A_500 = vector.shape_cast %get3A_499 : vector<16xi32> to vector<16xi32>
      %slice3A_501 = vector.extract_strided_slice %get3A_500 {offsets = [0], sizes = [1], strides = [1]} : vector<16xi32> to vector<1xi32>
      %squeeze3A_502 = vector.extract %slice3A_501[0] : i32 from vector<1xi32>
      %broadcast_in_dim3A_503 = vector.broadcast %squeeze3A_502 : i32 to vector<16xi32>
      %shift_right_arithmetic3A_504 = arith.shrsi %broadcast_in_dim3A_503, %iota3A : vector<16xi32>
      %and3A_505 = arith.constant 1 : i32
      %and3A_506 = vector.broadcast %and3A_505 : i32 to vector<16xi32>
      %and3A_507 = arith.andi %shift_right_arithmetic3A_504, %and3A_506 : vector<16xi32>
      %convert_element_type3A_508 = arith.sitofp %and3A_507 : vector<16xi32> to vector<16xf32>
      %swap3A_509 = arith.constant 496 : index
      %swap3A_510 = tpu.vector_load %arg8[%swap3A_509] {strides = array<i32>} : memref<1024xf32, #tpu.memory_space<vmem>>, vector<16xf32>,
      %swap3A_511 = vector.shape_cast %swap3A_510 : vector<16xf32> to vector<16xf32>
      %swap3A_512 = vector.shape_cast %convert_element_type3A_508 : vector<16xf32> to vector<16xf32>
      tpu.vector_store %arg8[%swap3A_509], %swap3A_512 {strides = array<i32>} : memref<1024xf32, #tpu.memory_space<vmem>>, vector<16xf32>,
      %get3A_513 = arith.constant 32 : index
      %get3A_514 = tpu.vector_load %arg6[%get3A_513] {strides = array<i32>} : memref<80xi32, #tpu.memory_space<vmem>>, vector<16xi32>,
      %get3A_515 = vector.shape_cast %get3A_514 : vector<16xi32> to vector<16xi32>
      %slice3A_516 = vector.extract_strided_slice %get3A_515 {offsets = [0], sizes = [1], strides = [1]} : vector<16xi32> to vector<1xi32>
      %squeeze3A_517 = vector.extract %slice3A_516[0] : i32 from vector<1xi32>
      %broadcast_in_dim3A_518 = vector.broadcast %squeeze3A_517 : i32 to vector<16xi32>
      %shift_right_arithmetic3A_519 = arith.shrsi %broadcast_in_dim3A_518, %iota3A : vector<16xi32>
      %and3A_520 = arith.constant 1 : i32
      %and3A_521 = vector.broadcast %and3A_520 : i32 to vector<16xi32>
      %and3A_522 = arith.andi %shift_right_arithmetic3A_519, %and3A_521 : vector<16xi32>
      %convert_element_type3A_523 = arith.sitofp %and3A_522 : vector<16xi32> to vector<16xf32>
      %swap3A_524 = arith.constant 512 : index
      %swap3A_525 = tpu.vector_load %arg8[%swap3A_524] {strides = array<i32>} : memref<1024xf32, #tpu.memory_space<vmem>>, vector<16xf32>,
      %swap3A_526 = vector.shape_cast %swap3A_525 : vector<16xf32> to vector<16xf32>
      %swap3A_527 = vector.shape_cast %convert_element_type3A_523 : vector<16xf32> to vector<16xf32>
      tpu.vector_store %arg8[%swap3A_524], %swap3A_527 {strides = array<i32>} : memref<1024xf32, #tpu.memory_space<vmem>>, vector<16xf32>,
      %get3A_528 = arith.constant 33 : index
      %get3A_529 = tpu.vector_load %arg6[%get3A_528] {strides = array<i32>} : memref<80xi32, #tpu.memory_space<vmem>>, vector<16xi32>,
      %get3A_530 = vector.shape_cast %get3A_529 : vector<16xi32> to vector<16xi32>
      %slice3A_531 = vector.extract_strided_slice %get3A_530 {offsets = [0], sizes = [1], strides = [1]} : vector<16xi32> to vector<1xi32>
      %squeeze3A_532 = vector.extract %slice3A_531[0] : i32 from vector<1xi32>
      %broadcast_in_dim3A_533 = vector.broadcast %squeeze3A_532 : i32 to vector<16xi32>
      %shift_right_arithmetic3A_534 = arith.shrsi %broadcast_in_dim3A_533, %iota3A : vector<16xi32>
      %and3A_535 = arith.constant 1 : i32
      %and3A_536 = vector.broadcast %and3A_535 : i32 to vector<16xi32>
      %and3A_537 = arith.andi %shift_right_arithmetic3A_534, %and3A_536 : vector<16xi32>
      %convert_element_type3A_538 = arith.sitofp %and3A_537 : vector<16xi32> to vector<16xf32>
      %swap3A_539 = arith.constant 528 : index
      %swap3A_540 = tpu.vector_load %arg8[%swap3A_539] {strides = array<i32>} : memref<1024xf32, #tpu.memory_space<vmem>>, vector<16xf32>,
      %swap3A_541 = vector.shape_cast %swap3A_540 : vector<16xf32> to vector<16xf32>
      %swap3A_542 = vector.shape_cast %convert_element_type3A_538 : vector<16xf32> to vector<16xf32>
      tpu.vector_store %arg8[%swap3A_539], %swap3A_542 {strides = array<i32>} : memref<1024xf32, #tpu.memory_space<vmem>>, vector<16xf32>,
      %get3A_543 = arith.constant 34 : index
      %get3A_544 = tpu.vector_load %arg6[%get3A_543] {strides = array<i32>} : memref<80xi32, #tpu.memory_space<vmem>>, vector<16xi32>,
      %get3A_545 = vector.shape_cast %get3A_544 : vector<16xi32> to vector<16xi32>
      %slice3A_546 = vector.extract_strided_slice %get3A_545 {offsets = [0], sizes = [1], strides = [1]} : vector<16xi32> to vector<1xi32>
      %squeeze3A_547 = vector.extract %slice3A_546[0] : i32 from vector<1xi32>
      %broadcast_in_dim3A_548 = vector.broadcast %squeeze3A_547 : i32 to vector<16xi32>
      %shift_right_arithmetic3A_549 = arith.shrsi %broadcast_in_dim3A_548, %iota3A : vector<16xi32>
      %and3A_550 = arith.constant 1 : i32
      %and3A_551 = vector.broadcast %and3A_550 : i32 to vector<16xi32>
      %and3A_552 = arith.andi %shift_right_arithmetic3A_549, %and3A_551 : vector<16xi32>
      %convert_element_type3A_553 = arith.sitofp %and3A_552 : vector<16xi32> to vector<16xf32>
      %swap3A_554 = arith.constant 544 : index
      %swap3A_555 = tpu.vector_load %arg8[%swap3A_554] {strides = array<i32>} : memref<1024xf32, #tpu.memory_space<vmem>>, vector<16xf32>,
      %swap3A_556 = vector.shape_cast %swap3A_555 : vector<16xf32> to vector<16xf32>
      %swap3A_557 = vector.shape_cast %convert_element_type3A_553 : vector<16xf32> to vector<16xf32>
      tpu.vector_store %arg8[%swap3A_554], %swap3A_557 {strides = array<i32>} : memref<1024xf32, #tpu.memory_space<vmem>>, vector<16xf32>,
      %get3A_558 = arith.constant 35 : index
      %get3A_559 = tpu.vector_load %arg6[%get3A_558] {strides = array<i32>} : memref<80xi32, #tpu.memory_space<vmem>>, vector<16xi32>,
      %get3A_560 = vector.shape_cast %get3A_559 : vector<16xi32> to vector<16xi32>
      %slice3A_561 = vector.extract_strided_slice %get3A_560 {offsets = [0], sizes = [1], strides = [1]} : vector<16xi32> to vector<1xi32>
      %squeeze3A_562 = vector.extract %slice3A_561[0] : i32 from vector<1xi32>
      %broadcast_in_dim3A_563 = vector.broadcast %squeeze3A_562 : i32 to vector<16xi32>
      %shift_right_arithmetic3A_564 = arith.shrsi %broadcast_in_dim3A_563, %iota3A : vector<16xi32>
      %and3A_565 = arith.constant 1 : i32
      %and3A_566 = vector.broadcast %and3A_565 : i32 to vector<16xi32>
      %and3A_567 = arith.andi %shift_right_arithmetic3A_564, %and3A_566 : vector<16xi32>
      %convert_element_type3A_568 = arith.sitofp %and3A_567 : vector<16xi32> to vector<16xf32>
      %swap3A_569 = arith.constant 560 : index
      %swap3A_570 = tpu.vector_load %arg8[%swap3A_569] {strides = array<i32>} : memref<1024xf32, #tpu.memory_space<vmem>>, vector<16xf32>,
      %swap3A_571 = vector.shape_cast %swap3A_570 : vector<16xf32> to vector<16xf32>
      %swap3A_572 = vector.shape_cast %convert_element_type3A_568 : vector<16xf32> to vector<16xf32>
      tpu.vector_store %arg8[%swap3A_569], %swap3A_572 {strides = array<i32>} : memref<1024xf32, #tpu.memory_space<vmem>>, vector<16xf32>,
      %get3A_573 = arith.constant 36 : index
      %get3A_574 = tpu.vector_load %arg6[%get3A_573] {strides = array<i32>} : memref<80xi32, #tpu.memory_space<vmem>>, vector<16xi32>,
      %get3A_575 = vector.shape_cast %get3A_574 : vector<16xi32> to vector<16xi32>
      %slice3A_576 = vector.extract_strided_slice %get3A_575 {offsets = [0], sizes = [1], strides = [1]} : vector<16xi32> to vector<1xi32>
      %squeeze3A_577 = vector.extract %slice3A_576[0] : i32 from vector<1xi32>
      %broadcast_in_dim3A_578 = vector.broadcast %squeeze3A_577 : i32 to vector<16xi32>
      %shift_right_arithmetic3A_579 = arith.shrsi %broadcast_in_dim3A_578, %iota3A : vector<16xi32>
      %and3A_580 = arith.constant 1 : i32
      %and3A_581 = vector.broadcast %and3A_580 : i32 to vector<16xi32>
      %and3A_582 = arith.andi %shift_right_arithmetic3A_579, %and3A_581 : vector<16xi32>
      %convert_element_type3A_583 = arith.sitofp %and3A_582 : vector<16xi32> to vector<16xf32>
      %swap3A_584 = arith.constant 576 : index
      %swap3A_585 = tpu.vector_load %arg8[%swap3A_584] {strides = array<i32>} : memref<1024xf32, #tpu.memory_space<vmem>>, vector<16xf32>,
      %swap3A_586 = vector.shape_cast %swap3A_585 : vector<16xf32> to vector<16xf32>
      %swap3A_587 = vector.shape_cast %convert_element_type3A_583 : vector<16xf32> to vector<16xf32>
      tpu.vector_store %arg8[%swap3A_584], %swap3A_587 {strides = array<i32>} : memref<1024xf32, #tpu.memory_space<vmem>>, vector<16xf32>,
      %get3A_588 = arith.constant 37 : index
      %get3A_589 = tpu.vector_load %arg6[%get3A_588] {strides = array<i32>} : memref<80xi32, #tpu.memory_space<vmem>>, vector<16xi32>,
      %get3A_590 = vector.shape_cast %get3A_589 : vector<16xi32> to vector<16xi32>
      %slice3A_591 = vector.extract_strided_slice %get3A_590 {offsets = [0], sizes = [1], strides = [1]} : vector<16xi32> to vector<1xi32>
      %squeeze3A_592 = vector.extract %slice3A_591[0] : i32 from vector<1xi32>
      %broadcast_in_dim3A_593 = vector.broadcast %squeeze3A_592 : i32 to vector<16xi32>
      %shift_right_arithmetic3A_594 = arith.shrsi %broadcast_in_dim3A_593, %iota3A : vector<16xi32>
      %and3A_595 = arith.constant 1 : i32
      %and3A_596 = vector.broadcast %and3A_595 : i32 to vector<16xi32>
      %and3A_597 = arith.andi %shift_right_arithmetic3A_594, %and3A_596 : vector<16xi32>
      %convert_element_type3A_598 = arith.sitofp %and3A_597 : vector<16xi32> to vector<16xf32>
      %swap3A_599 = arith.constant 592 : index
      %swap3A_600 = tpu.vector_load %arg8[%swap3A_599] {strides = array<i32>} : memref<1024xf32, #tpu.memory_space<vmem>>, vector<16xf32>,
      %swap3A_601 = vector.shape_cast %swap3A_600 : vector<16xf32> to vector<16xf32>
      %swap3A_602 = vector.shape_cast %convert_element_type3A_598 : vector<16xf32> to vector<16xf32>
      tpu.vector_store %arg8[%swap3A_599], %swap3A_602 {strides = array<i32>} : memref<1024xf32, #tpu.memory_space<vmem>>, vector<16xf32>,
      %get3A_603 = arith.constant 38 : index
      %get3A_604 = tpu.vector_load %arg6[%get3A_603] {strides = array<i32>} : memref<80xi32, #tpu.memory_space<vmem>>, vector<16xi32>,
      %get3A_605 = vector.shape_cast %get3A_604 : vector<16xi32> to vector<16xi32>
      %slice3A_606 = vector.extract_strided_slice %get3A_605 {offsets = [0], sizes = [1], strides = [1]} : vector<16xi32> to vector<1xi32>
      %squeeze3A_607 = vector.extract %slice3A_606[0] : i32 from vector<1xi32>
      %broadcast_in_dim3A_608 = vector.broadcast %squeeze3A_607 : i32 to vector<16xi32>
      %shift_right_arithmetic3A_609 = arith.shrsi %broadcast_in_dim3A_608, %iota3A : vector<16xi32>
      %and3A_610 = arith.constant 1 : i32
      %and3A_611 = vector.broadcast %and3A_610 : i32 to vector<16xi32>
      %and3A_612 = arith.andi %shift_right_arithmetic3A_609, %and3A_611 : vector<16xi32>
      %convert_element_type3A_613 = arith.sitofp %and3A_612 : vector<16xi32> to vector<16xf32>
      %swap3A_614 = arith.constant 608 : index
      %swap3A_615 = tpu.vector_load %arg8[%swap3A_614] {strides = array<i32>} : memref<1024xf32, #tpu.memory_space<vmem>>, vector<16xf32>,
      %swap3A_616 = vector.shape_cast %swap3A_615 : vector<16xf32> to vector<16xf32>
      %swap3A_617 = vector.shape_cast %convert_element_type3A_613 : vector<16xf32> to vector<16xf32>
      tpu.vector_store %arg8[%swap3A_614], %swap3A_617 {strides = array<i32>} : memref<1024xf32, #tpu.memory_space<vmem>>, vector<16xf32>,
      %get3A_618 = arith.constant 39 : index
      %get3A_619 = tpu.vector_load %arg6[%get3A_618] {strides = array<i32>} : memref<80xi32, #tpu.memory_space<vmem>>, vector<16xi32>,
      %get3A_620 = vector.shape_cast %get3A_619 : vector<16xi32> to vector<16xi32>
      %slice3A_621 = vector.extract_strided_slice %get3A_620 {offsets = [0], sizes = [1], strides = [1]} : vector<16xi32> to vector<1xi32>
      %squeeze3A_622 = vector.extract %slice3A_621[0] : i32 from vector<1xi32>
      %broadcast_in_dim3A_623 = vector.broadcast %squeeze3A_622 : i32 to vector<16xi32>
      %shift_right_arithmetic3A_624 = arith.shrsi %broadcast_in_dim3A_623, %iota3A : vector<16xi32>
      %and3A_625 = arith.constant 1 : i32
      %and3A_626 = vector.broadcast %and3A_625 : i32 to vector<16xi32>
      %and3A_627 = arith.andi %shift_right_arithmetic3A_624, %and3A_626 : vector<16xi32>
      %convert_element_type3A_628 = arith.sitofp %and3A_627 : vector<16xi32> to vector<16xf32>
      %swap3A_629 = arith.constant 624 : index
      %swap3A_630 = tpu.vector_load %arg8[%swap3A_629] {strides = array<i32>} : memref<1024xf32, #tpu.memory_space<vmem>>, vector<16xf32>,
      %swap3A_631 = vector.shape_cast %swap3A_630 : vector<16xf32> to vector<16xf32>
      %swap3A_632 = vector.shape_cast %convert_element_type3A_628 : vector<16xf32> to vector<16xf32>
      tpu.vector_store %arg8[%swap3A_629], %swap3A_632 {strides = array<i32>} : memref<1024xf32, #tpu.memory_space<vmem>>, vector<16xf32>,
      %get3A_633 = arith.constant 40 : index
      %get3A_634 = tpu.vector_load %arg6[%get3A_633] {strides = array<i32>} : memref<80xi32, #tpu.memory_space<vmem>>, vector<16xi32>,
      %get3A_635 = vector.shape_cast %get3A_634 : vector<16xi32> to vector<16xi32>
      %slice3A_636 = vector.extract_strided_slice %get3A_635 {offsets = [0], sizes = [1], strides = [1]} : vector<16xi32> to vector<1xi32>
      %squeeze3A_637 = vector.extract %slice3A_636[0] : i32 from vector<1xi32>
      %broadcast_in_dim3A_638 = vector.broadcast %squeeze3A_637 : i32 to vector<16xi32>
      %shift_right_arithmetic3A_639 = arith.shrsi %broadcast_in_dim3A_638, %iota3A : vector<16xi32>
      %and3A_640 = arith.constant 1 : i32
      %and3A_641 = vector.broadcast %and3A_640 : i32 to vector<16xi32>
      %and3A_642 = arith.andi %shift_right_arithmetic3A_639, %and3A_641 : vector<16xi32>
      %convert_element_type3A_643 = arith.sitofp %and3A_642 : vector<16xi32> to vector<16xf32>
      %swap3A_644 = arith.constant 640 : index
      %swap3A_645 = tpu.vector_load %arg8[%swap3A_644] {strides = array<i32>} : memref<1024xf32, #tpu.memory_space<vmem>>, vector<16xf32>,
      %swap3A_646 = vector.shape_cast %swap3A_645 : vector<16xf32> to vector<16xf32>
      %swap3A_647 = vector.shape_cast %convert_element_type3A_643 : vector<16xf32> to vector<16xf32>
      tpu.vector_store %arg8[%swap3A_644], %swap3A_647 {strides = array<i32>} : memref<1024xf32, #tpu.memory_space<vmem>>, vector<16xf32>,
      %get3A_648 = arith.constant 41 : index
      %get3A_649 = tpu.vector_load %arg6[%get3A_648] {strides = array<i32>} : memref<80xi32, #tpu.memory_space<vmem>>, vector<16xi32>,
      %get3A_650 = vector.shape_cast %get3A_649 : vector<16xi32> to vector<16xi32>
      %slice3A_651 = vector.extract_strided_slice %get3A_650 {offsets = [0], sizes = [1], strides = [1]} : vector<16xi32> to vector<1xi32>
      %squeeze3A_652 = vector.extract %slice3A_651[0] : i32 from vector<1xi32>
      %broadcast_in_dim3A_653 = vector.broadcast %squeeze3A_652 : i32 to vector<16xi32>
      %shift_right_arithmetic3A_654 = arith.shrsi %broadcast_in_dim3A_653, %iota3A : vector<16xi32>
      %and3A_655 = arith.constant 1 : i32
      %and3A_656 = vector.broadcast %and3A_655 : i32 to vector<16xi32>
      %and3A_657 = arith.andi %shift_right_arithmetic3A_654, %and3A_656 : vector<16xi32>
      %convert_element_type3A_658 = arith.sitofp %and3A_657 : vector<16xi32> to vector<16xf32>
      %swap3A_659 = arith.constant 656 : index
      %swap3A_660 = tpu.vector_load %arg8[%swap3A_659] {strides = array<i32>} : memref<1024xf32, #tpu.memory_space<vmem>>, vector<16xf32>,
      %swap3A_661 = vector.shape_cast %swap3A_660 : vector<16xf32> to vector<16xf32>
      %swap3A_662 = vector.shape_cast %convert_element_type3A_658 : vector<16xf32> to vector<16xf32>
      tpu.vector_store %arg8[%swap3A_659], %swap3A_662 {strides = array<i32>} : memref<1024xf32, #tpu.memory_space<vmem>>, vector<16xf32>,
      %get3A_663 = arith.constant 42 : index
      %get3A_664 = tpu.vector_load %arg6[%get3A_663] {strides = array<i32>} : memref<80xi32, #tpu.memory_space<vmem>>, vector<16xi32>,
      %get3A_665 = vector.shape_cast %get3A_664 : vector<16xi32> to vector<16xi32>
      %slice3A_666 = vector.extract_strided_slice %get3A_665 {offsets = [0], sizes = [1], strides = [1]} : vector<16xi32> to vector<1xi32>
      %squeeze3A_667 = vector.extract %slice3A_666[0] : i32 from vector<1xi32>
      %broadcast_in_dim3A_668 = vector.broadcast %squeeze3A_667 : i32 to vector<16xi32>
      %shift_right_arithmetic3A_669 = arith.shrsi %broadcast_in_dim3A_668, %iota3A : vector<16xi32>
      %and3A_670 = arith.constant 1 : i32
      %and3A_671 = vector.broadcast %and3A_670 : i32 to vector<16xi32>
      %and3A_672 = arith.andi %shift_right_arithmetic3A_669, %and3A_671 : vector<16xi32>
      %convert_element_type3A_673 = arith.sitofp %and3A_672 : vector<16xi32> to vector<16xf32>
      %swap3A_674 = arith.constant 672 : index
      %swap3A_675 = tpu.vector_load %arg8[%swap3A_674] {strides = array<i32>} : memref<1024xf32, #tpu.memory_space<vmem>>, vector<16xf32>,
      %swap3A_676 = vector.shape_cast %swap3A_675 : vector<16xf32> to vector<16xf32>
      %swap3A_677 = vector.shape_cast %convert_element_type3A_673 : vector<16xf32> to vector<16xf32>
      tpu.vector_store %arg8[%swap3A_674], %swap3A_677 {strides = array<i32>} : memref<1024xf32, #tpu.memory_space<vmem>>, vector<16xf32>,
      %get3A_678 = arith.constant 43 : index
      %get3A_679 = tpu.vector_load %arg6[%get3A_678] {strides = array<i32>} : memref<80xi32, #tpu.memory_space<vmem>>, vector<16xi32>,
      %get3A_680 = vector.shape_cast %get3A_679 : vector<16xi32> to vector<16xi32>
      %slice3A_681 = vector.extract_strided_slice %get3A_680 {offsets = [0], sizes = [1], strides = [1]} : vector<16xi32> to vector<1xi32>
      %squeeze3A_682 = vector.extract %slice3A_681[0] : i32 from vector<1xi32>
      %broadcast_in_dim3A_683 = vector.broadcast %squeeze3A_682 : i32 to vector<16xi32>
      %shift_right_arithmetic3A_684 = arith.shrsi %broadcast_in_dim3A_683, %iota3A : vector<16xi32>
      %and3A_685 = arith.constant 1 : i32
      %and3A_686 = vector.broadcast %and3A_685 : i32 to vector<16xi32>
      %and3A_687 = arith.andi %shift_right_arithmetic3A_684, %and3A_686 : vector<16xi32>
      %convert_element_type3A_688 = arith.sitofp %and3A_687 : vector<16xi32> to vector<16xf32>
      %swap3A_689 = arith.constant 688 : index
      %swap3A_690 = tpu.vector_load %arg8[%swap3A_689] {strides = array<i32>} : memref<1024xf32, #tpu.memory_space<vmem>>, vector<16xf32>,
      %swap3A_691 = vector.shape_cast %swap3A_690 : vector<16xf32> to vector<16xf32>
      %swap3A_692 = vector.shape_cast %convert_element_type3A_688 : vector<16xf32> to vector<16xf32>
      tpu.vector_store %arg8[%swap3A_689], %swap3A_692 {strides = array<i32>} : memref<1024xf32, #tpu.memory_space<vmem>>, vector<16xf32>,
      %get3A_693 = arith.constant 44 : index
      %get3A_694 = tpu.vector_load %arg6[%get3A_693] {strides = array<i32>} : memref<80xi32, #tpu.memory_space<vmem>>, vector<16xi32>,
      %get3A_695 = vector.shape_cast %get3A_694 : vector<16xi32> to vector<16xi32>
      %slice3A_696 = vector.extract_strided_slice %get3A_695 {offsets = [0], sizes = [1], strides = [1]} : vector<16xi32> to vector<1xi32>
      %squeeze3A_697 = vector.extract %slice3A_696[0] : i32 from vector<1xi32>
      %broadcast_in_dim3A_698 = vector.broadcast %squeeze3A_697 : i32 to vector<16xi32>
      %shift_right_arithmetic3A_699 = arith.shrsi %broadcast_in_dim3A_698, %iota3A : vector<16xi32>
      %and3A_700 = arith.constant 1 : i32
      %and3A_701 = vector.broadcast %and3A_700 : i32 to vector<16xi32>
      %and3A_702 = arith.andi %shift_right_arithmetic3A_699, %and3A_701 : vector<16xi32>
      %convert_element_type3A_703 = arith.sitofp %and3A_702 : vector<16xi32> to vector<16xf32>
      %swap3A_704 = arith.constant 704 : index
      %swap3A_705 = tpu.vector_load %arg8[%swap3A_704] {strides = array<i32>} : memref<1024xf32, #tpu.memory_space<vmem>>, vector<16xf32>,
      %swap3A_706 = vector.shape_cast %swap3A_705 : vector<16xf32> to vector<16xf32>
      %swap3A_707 = vector.shape_cast %convert_element_type3A_703 : vector<16xf32> to vector<16xf32>
      tpu.vector_store %arg8[%swap3A_704], %swap3A_707 {strides = array<i32>} : memref<1024xf32, #tpu.memory_space<vmem>>, vector<16xf32>,
      %get3A_708 = arith.constant 45 : index
      %get3A_709 = tpu.vector_load %arg6[%get3A_708] {strides = array<i32>} : memref<80xi32, #tpu.memory_space<vmem>>, vector<16xi32>,
      %get3A_710 = vector.shape_cast %get3A_709 : vector<16xi32> to vector<16xi32>
      %slice3A_711 = vector.extract_strided_slice %get3A_710 {offsets = [0], sizes = [1], strides = [1]} : vector<16xi32> to vector<1xi32>
      %squeeze3A_712 = vector.extract %slice3A_711[0] : i32 from vector<1xi32>
      %broadcast_in_dim3A_713 = vector.broadcast %squeeze3A_712 : i32 to vector<16xi32>
      %shift_right_arithmetic3A_714 = arith.shrsi %broadcast_in_dim3A_713, %iota3A : vector<16xi32>
      %and3A_715 = arith.constant 1 : i32
      %and3A_716 = vector.broadcast %and3A_715 : i32 to vector<16xi32>
      %and3A_717 = arith.andi %shift_right_arithmetic3A_714, %and3A_716 : vector<16xi32>
      %convert_element_type3A_718 = arith.sitofp %and3A_717 : vector<16xi32> to vector<16xf32>
      %swap3A_719 = arith.constant 720 : index
      %swap3A_720 = tpu.vector_load %arg8[%swap3A_719] {strides = array<i32>} : memref<1024xf32, #tpu.memory_space<vmem>>, vector<16xf32>,
      %swap3A_721 = vector.shape_cast %swap3A_720 : vector<16xf32> to vector<16xf32>
      %swap3A_722 = vector.shape_cast %convert_element_type3A_718 : vector<16xf32> to vector<16xf32>
      tpu.vector_store %arg8[%swap3A_719], %swap3A_722 {strides = array<i32>} : memref<1024xf32, #tpu.memory_space<vmem>>, vector<16xf32>,
      %get3A_723 = arith.constant 46 : index
      %get3A_724 = tpu.vector_load %arg6[%get3A_723] {strides = array<i32>} : memref<80xi32, #tpu.memory_space<vmem>>, vector<16xi32>,
      %get3A_725 = vector.shape_cast %get3A_724 : vector<16xi32> to vector<16xi32>
      %slice3A_726 = vector.extract_strided_slice %get3A_725 {offsets = [0], sizes = [1], strides = [1]} : vector<16xi32> to vector<1xi32>
      %squeeze3A_727 = vector.extract %slice3A_726[0] : i32 from vector<1xi32>
      %broadcast_in_dim3A_728 = vector.broadcast %squeeze3A_727 : i32 to vector<16xi32>
      %shift_right_arithmetic3A_729 = arith.shrsi %broadcast_in_dim3A_728, %iota3A : vector<16xi32>
      %and3A_730 = arith.constant 1 : i32
      %and3A_731 = vector.broadcast %and3A_730 : i32 to vector<16xi32>
      %and3A_732 = arith.andi %shift_right_arithmetic3A_729, %and3A_731 : vector<16xi32>
      %convert_element_type3A_733 = arith.sitofp %and3A_732 : vector<16xi32> to vector<16xf32>
      %swap3A_734 = arith.constant 736 : index
      %swap3A_735 = tpu.vector_load %arg8[%swap3A_734] {strides = array<i32>} : memref<1024xf32, #tpu.memory_space<vmem>>, vector<16xf32>,
      %swap3A_736 = vector.shape_cast %swap3A_735 : vector<16xf32> to vector<16xf32>
      %swap3A_737 = vector.shape_cast %convert_element_type3A_733 : vector<16xf32> to vector<16xf32>
      tpu.vector_store %arg8[%swap3A_734], %swap3A_737 {strides = array<i32>} : memref<1024xf32, #tpu.memory_space<vmem>>, vector<16xf32>,
      %get3A_738 = arith.constant 47 : index
      %get3A_739 = tpu.vector_load %arg6[%get3A_738] {strides = array<i32>} : memref<80xi32, #tpu.memory_space<vmem>>, vector<16xi32>,
      %get3A_740 = vector.shape_cast %get3A_739 : vector<16xi32> to vector<16xi32>
      %slice3A_741 = vector.extract_strided_slice %get3A_740 {offsets = [0], sizes = [1], strides = [1]} : vector<16xi32> to vector<1xi32>
      %squeeze3A_742 = vector.extract %slice3A_741[0] : i32 from vector<1xi32>
      %broadcast_in_dim3A_743 = vector.broadcast %squeeze3A_742 : i32 to vector<16xi32>
      %shift_right_arithmetic3A_744 = arith.shrsi %broadcast_in_dim3A_743, %iota3A : vector<16xi32>
      %and3A_745 = arith.constant 1 : i32
      %and3A_746 = vector.broadcast %and3A_745 : i32 to vector<16xi32>
      %and3A_747 = arith.andi %shift_right_arithmetic3A_744, %and3A_746 : vector<16xi32>
      %convert_element_type3A_748 = arith.sitofp %and3A_747 : vector<16xi32> to vector<16xf32>
      %swap3A_749 = arith.constant 752 : index
      %swap3A_750 = tpu.vector_load %arg8[%swap3A_749] {strides = array<i32>} : memref<1024xf32, #tpu.memory_space<vmem>>, vector<16xf32>,
      %swap3A_751 = vector.shape_cast %swap3A_750 : vector<16xf32> to vector<16xf32>
      %swap3A_752 = vector.shape_cast %convert_element_type3A_748 : vector<16xf32> to vector<16xf32>
      tpu.vector_store %arg8[%swap3A_749], %swap3A_752 {strides = array<i32>} : memref<1024xf32, #tpu.memory_space<vmem>>, vector<16xf32>,
      %get3A_753 = arith.constant 48 : index
      %get3A_754 = tpu.vector_load %arg6[%get3A_753] {strides = array<i32>} : memref<80xi32, #tpu.memory_space<vmem>>, vector<16xi32>,
      %get3A_755 = vector.shape_cast %get3A_754 : vector<16xi32> to vector<16xi32>
      %slice3A_756 = vector.extract_strided_slice %get3A_755 {offsets = [0], sizes = [1], strides = [1]} : vector<16xi32> to vector<1xi32>
      %squeeze3A_757 = vector.extract %slice3A_756[0] : i32 from vector<1xi32>
      %broadcast_in_dim3A_758 = vector.broadcast %squeeze3A_757 : i32 to vector<16xi32>
      %shift_right_arithmetic3A_759 = arith.shrsi %broadcast_in_dim3A_758, %iota3A : vector<16xi32>
      %and3A_760 = arith.constant 1 : i32
      %and3A_761 = vector.broadcast %and3A_760 : i32 to vector<16xi32>
      %and3A_762 = arith.andi %shift_right_arithmetic3A_759, %and3A_761 : vector<16xi32>
      %convert_element_type3A_763 = arith.sitofp %and3A_762 : vector<16xi32> to vector<16xf32>
      %swap3A_764 = arith.constant 768 : index
      %swap3A_765 = tpu.vector_load %arg8[%swap3A_764] {strides = array<i32>} : memref<1024xf32, #tpu.memory_space<vmem>>, vector<16xf32>,
      %swap3A_766 = vector.shape_cast %swap3A_765 : vector<16xf32> to vector<16xf32>
      %swap3A_767 = vector.shape_cast %convert_element_type3A_763 : vector<16xf32> to vector<16xf32>
      tpu.vector_store %arg8[%swap3A_764], %swap3A_767 {strides = array<i32>} : memref<1024xf32, #tpu.memory_space<vmem>>, vector<16xf32>,
      %get3A_768 = arith.constant 49 : index
      %get3A_769 = tpu.vector_load %arg6[%get3A_768] {strides = array<i32>} : memref<80xi32, #tpu.memory_space<vmem>>, vector<16xi32>,
      %get3A_770 = vector.shape_cast %get3A_769 : vector<16xi32> to vector<16xi32>
      %slice3A_771 = vector.extract_strided_slice %get3A_770 {offsets = [0], sizes = [1], strides = [1]} : vector<16xi32> to vector<1xi32>
      %squeeze3A_772 = vector.extract %slice3A_771[0] : i32 from vector<1xi32>
      %broadcast_in_dim3A_773 = vector.broadcast %squeeze3A_772 : i32 to vector<16xi32>
      %shift_right_arithmetic3A_774 = arith.shrsi %broadcast_in_dim3A_773, %iota3A : vector<16xi32>
      %and3A_775 = arith.constant 1 : i32
      %and3A_776 = vector.broadcast %and3A_775 : i32 to vector<16xi32>
      %and3A_777 = arith.andi %shift_right_arithmetic3A_774, %and3A_776 : vector<16xi32>
      %convert_element_type3A_778 = arith.sitofp %and3A_777 : vector<16xi32> to vector<16xf32>
      %swap3A_779 = arith.constant 784 : index
      %swap3A_780 = tpu.vector_load %arg8[%swap3A_779] {strides = array<i32>} : memref<1024xf32, #tpu.memory_space<vmem>>, vector<16xf32>,
      %swap3A_781 = vector.shape_cast %swap3A_780 : vector<16xf32> to vector<16xf32>
      %swap3A_782 = vector.shape_cast %convert_element_type3A_778 : vector<16xf32> to vector<16xf32>
      tpu.vector_store %arg8[%swap3A_779], %swap3A_782 {strides = array<i32>} : memref<1024xf32, #tpu.memory_space<vmem>>, vector<16xf32>,
      %get3A_783 = arith.constant 50 : index
      %get3A_784 = tpu.vector_load %arg6[%get3A_783] {strides = array<i32>} : memref<80xi32, #tpu.memory_space<vmem>>, vector<16xi32>,
      %get3A_785 = vector.shape_cast %get3A_784 : vector<16xi32> to vector<16xi32>
      %slice3A_786 = vector.extract_strided_slice %get3A_785 {offsets = [0], sizes = [1], strides = [1]} : vector<16xi32> to vector<1xi32>
      %squeeze3A_787 = vector.extract %slice3A_786[0] : i32 from vector<1xi32>
      %broadcast_in_dim3A_788 = vector.broadcast %squeeze3A_787 : i32 to vector<16xi32>
      %shift_right_arithmetic3A_789 = arith.shrsi %broadcast_in_dim3A_788, %iota3A : vector<16xi32>
      %and3A_790 = arith.constant 1 : i32
      %and3A_791 = vector.broadcast %and3A_790 : i32 to vector<16xi32>
      %and3A_792 = arith.andi %shift_right_arithmetic3A_789, %and3A_791 : vector<16xi32>
      %convert_element_type3A_793 = arith.sitofp %and3A_792 : vector<16xi32> to vector<16xf32>
      %swap3A_794 = arith.constant 800 : index
      %swap3A_795 = tpu.vector_load %arg8[%swap3A_794] {strides = array<i32>} : memref<1024xf32, #tpu.memory_space<vmem>>, vector<16xf32>,
      %swap3A_796 = vector.shape_cast %swap3A_795 : vector<16xf32> to vector<16xf32>
      %swap3A_797 = vector.shape_cast %convert_element_type3A_793 : vector<16xf32> to vector<16xf32>
      tpu.vector_store %arg8[%swap3A_794], %swap3A_797 {strides = array<i32>} : memref<1024xf32, #tpu.memory_space<vmem>>, vector<16xf32>,
      %get3A_798 = arith.constant 51 : index
      %get3A_799 = tpu.vector_load %arg6[%get3A_798] {strides = array<i32>} : memref<80xi32, #tpu.memory_space<vmem>>, vector<16xi32>,
      %get3A_800 = vector.shape_cast %get3A_799 : vector<16xi32> to vector<16xi32>
      %slice3A_801 = vector.extract_strided_slice %get3A_800 {offsets = [0], sizes = [1], strides = [1]} : vector<16xi32> to vector<1xi32>
      %squeeze3A_802 = vector.extract %slice3A_801[0] : i32 from vector<1xi32>
      %broadcast_in_dim3A_803 = vector.broadcast %squeeze3A_802 : i32 to vector<16xi32>
      %shift_right_arithmetic3A_804 = arith.shrsi %broadcast_in_dim3A_803, %iota3A : vector<16xi32>
      %and3A_805 = arith.constant 1 : i32
      %and3A_806 = vector.broadcast %and3A_805 : i32 to vector<16xi32>
      %and3A_807 = arith.andi %shift_right_arithmetic3A_804, %and3A_806 : vector<16xi32>
      %convert_element_type3A_808 = arith.sitofp %and3A_807 : vector<16xi32> to vector<16xf32>
      %swap3A_809 = arith.constant 816 : index
      %swap3A_810 = tpu.vector_load %arg8[%swap3A_809] {strides = array<i32>} : memref<1024xf32, #tpu.memory_space<vmem>>, vector<16xf32>,
      %swap3A_811 = vector.shape_cast %swap3A_810 : vector<16xf32> to vector<16xf32>
      %swap3A_812 = vector.shape_cast %convert_element_type3A_808 : vector<16xf32> to vector<16xf32>
      tpu.vector_store %arg8[%swap3A_809], %swap3A_812 {strides = array<i32>} : memref<1024xf32, #tpu.memory_space<vmem>>, vector<16xf32>,
      %get3A_813 = arith.constant 52 : index
      %get3A_814 = tpu.vector_load %arg6[%get3A_813] {strides = array<i32>} : memref<80xi32, #tpu.memory_space<vmem>>, vector<16xi32>,
      %get3A_815 = vector.shape_cast %get3A_814 : vector<16xi32> to vector<16xi32>
      %slice3A_816 = vector.extract_strided_slice %get3A_815 {offsets = [0], sizes = [1], strides = [1]} : vector<16xi32> to vector<1xi32>
      %squeeze3A_817 = vector.extract %slice3A_816[0] : i32 from vector<1xi32>
      %broadcast_in_dim3A_818 = vector.broadcast %squeeze3A_817 : i32 to vector<16xi32>
      %shift_right_arithmetic3A_819 = arith.shrsi %broadcast_in_dim3A_818, %iota3A : vector<16xi32>
      %and3A_820 = arith.constant 1 : i32
      %and3A_821 = vector.broadcast %and3A_820 : i32 to vector<16xi32>
      %and3A_822 = arith.andi %shift_right_arithmetic3A_819, %and3A_821 : vector<16xi32>
      %convert_element_type3A_823 = arith.sitofp %and3A_822 : vector<16xi32> to vector<16xf32>
      %swap3A_824 = arith.constant 832 : index
      %swap3A_825 = tpu.vector_load %arg8[%swap3A_824] {strides = array<i32>} : memref<1024xf32, #tpu.memory_space<vmem>>, vector<16xf32>,
      %swap3A_826 = vector.shape_cast %swap3A_825 : vector<16xf32> to vector<16xf32>
      %swap3A_827 = vector.shape_cast %convert_element_type3A_823 : vector<16xf32> to vector<16xf32>
      tpu.vector_store %arg8[%swap3A_824], %swap3A_827 {strides = array<i32>} : memref<1024xf32, #tpu.memory_space<vmem>>, vector<16xf32>,
      %get3A_828 = arith.constant 53 : index
      %get3A_829 = tpu.vector_load %arg6[%get3A_828] {strides = array<i32>} : memref<80xi32, #tpu.memory_space<vmem>>, vector<16xi32>,
      %get3A_830 = vector.shape_cast %get3A_829 : vector<16xi32> to vector<16xi32>
      %slice3A_831 = vector.extract_strided_slice %get3A_830 {offsets = [0], sizes = [1], strides = [1]} : vector<16xi32> to vector<1xi32>
      %squeeze3A_832 = vector.extract %slice3A_831[0] : i32 from vector<1xi32>
      %broadcast_in_dim3A_833 = vector.broadcast %squeeze3A_832 : i32 to vector<16xi32>
      %shift_right_arithmetic3A_834 = arith.shrsi %broadcast_in_dim3A_833, %iota3A : vector<16xi32>
      %and3A_835 = arith.constant 1 : i32
      %and3A_836 = vector.broadcast %and3A_835 : i32 to vector<16xi32>
      %and3A_837 = arith.andi %shift_right_arithmetic3A_834, %and3A_836 : vector<16xi32>
      %convert_element_type3A_838 = arith.sitofp %and3A_837 : vector<16xi32> to vector<16xf32>
      %swap3A_839 = arith.constant 848 : index
      %swap3A_840 = tpu.vector_load %arg8[%swap3A_839] {strides = array<i32>} : memref<1024xf32, #tpu.memory_space<vmem>>, vector<16xf32>,
      %swap3A_841 = vector.shape_cast %swap3A_840 : vector<16xf32> to vector<16xf32>
      %swap3A_842 = vector.shape_cast %convert_element_type3A_838 : vector<16xf32> to vector<16xf32>
      tpu.vector_store %arg8[%swap3A_839], %swap3A_842 {strides = array<i32>} : memref<1024xf32, #tpu.memory_space<vmem>>, vector<16xf32>,
      %get3A_843 = arith.constant 54 : index
      %get3A_844 = tpu.vector_load %arg6[%get3A_843] {strides = array<i32>} : memref<80xi32, #tpu.memory_space<vmem>>, vector<16xi32>,
      %get3A_845 = vector.shape_cast %get3A_844 : vector<16xi32> to vector<16xi32>
      %slice3A_846 = vector.extract_strided_slice %get3A_845 {offsets = [0], sizes = [1], strides = [1]} : vector<16xi32> to vector<1xi32>
      %squeeze3A_847 = vector.extract %slice3A_846[0] : i32 from vector<1xi32>
      %broadcast_in_dim3A_848 = vector.broadcast %squeeze3A_847 : i32 to vector<16xi32>
      %shift_right_arithmetic3A_849 = arith.shrsi %broadcast_in_dim3A_848, %iota3A : vector<16xi32>
      %and3A_850 = arith.constant 1 : i32
      %and3A_851 = vector.broadcast %and3A_850 : i32 to vector<16xi32>
      %and3A_852 = arith.andi %shift_right_arithmetic3A_849, %and3A_851 : vector<16xi32>
      %convert_element_type3A_853 = arith.sitofp %and3A_852 : vector<16xi32> to vector<16xf32>
      %swap3A_854 = arith.constant 864 : index
      %swap3A_855 = tpu.vector_load %arg8[%swap3A_854] {strides = array<i32>} : memref<1024xf32, #tpu.memory_space<vmem>>, vector<16xf32>,
      %swap3A_856 = vector.shape_cast %swap3A_855 : vector<16xf32> to vector<16xf32>
      %swap3A_857 = vector.shape_cast %convert_element_type3A_853 : vector<16xf32> to vector<16xf32>
      tpu.vector_store %arg8[%swap3A_854], %swap3A_857 {strides = array<i32>} : memref<1024xf32, #tpu.memory_space<vmem>>, vector<16xf32>,
      %get3A_858 = arith.constant 55 : index
      %get3A_859 = tpu.vector_load %arg6[%get3A_858] {strides = array<i32>} : memref<80xi32, #tpu.memory_space<vmem>>, vector<16xi32>,
      %get3A_860 = vector.shape_cast %get3A_859 : vector<16xi32> to vector<16xi32>
      %slice3A_861 = vector.extract_strided_slice %get3A_860 {offsets = [0], sizes = [1], strides = [1]} : vector<16xi32> to vector<1xi32>
      %squeeze3A_862 = vector.extract %slice3A_861[0] : i32 from vector<1xi32>
      %broadcast_in_dim3A_863 = vector.broadcast %squeeze3A_862 : i32 to vector<16xi32>
      %shift_right_arithmetic3A_864 = arith.shrsi %broadcast_in_dim3A_863, %iota3A : vector<16xi32>
      %and3A_865 = arith.constant 1 : i32
      %and3A_866 = vector.broadcast %and3A_865 : i32 to vector<16xi32>
      %and3A_867 = arith.andi %shift_right_arithmetic3A_864, %and3A_866 : vector<16xi32>
      %convert_element_type3A_868 = arith.sitofp %and3A_867 : vector<16xi32> to vector<16xf32>
      %swap3A_869 = arith.constant 880 : index
      %swap3A_870 = tpu.vector_load %arg8[%swap3A_869] {strides = array<i32>} : memref<1024xf32, #tpu.memory_space<vmem>>, vector<16xf32>,
      %swap3A_871 = vector.shape_cast %swap3A_870 : vector<16xf32> to vector<16xf32>
      %swap3A_872 = vector.shape_cast %convert_element_type3A_868 : vector<16xf32> to vector<16xf32>
      tpu.vector_store %arg8[%swap3A_869], %swap3A_872 {strides = array<i32>} : memref<1024xf32, #tpu.memory_space<vmem>>, vector<16xf32>,
      %get3A_873 = arith.constant 56 : index
      %get3A_874 = tpu.vector_load %arg6[%get3A_873] {strides = array<i32>} : memref<80xi32, #tpu.memory_space<vmem>>, vector<16xi32>,
      %get3A_875 = vector.shape_cast %get3A_874 : vector<16xi32> to vector<16xi32>
      %slice3A_876 = vector.extract_strided_slice %get3A_875 {offsets = [0], sizes = [1], strides = [1]} : vector<16xi32> to vector<1xi32>
      %squeeze3A_877 = vector.extract %slice3A_876[0] : i32 from vector<1xi32>
      %broadcast_in_dim3A_878 = vector.broadcast %squeeze3A_877 : i32 to vector<16xi32>
      %shift_right_arithmetic3A_879 = arith.shrsi %broadcast_in_dim3A_878, %iota3A : vector<16xi32>
      %and3A_880 = arith.constant 1 : i32
      %and3A_881 = vector.broadcast %and3A_880 : i32 to vector<16xi32>
      %and3A_882 = arith.andi %shift_right_arithmetic3A_879, %and3A_881 : vector<16xi32>
      %convert_element_type3A_883 = arith.sitofp %and3A_882 : vector<16xi32> to vector<16xf32>
      %swap3A_884 = arith.constant 896 : index
      %swap3A_885 = tpu.vector_load %arg8[%swap3A_884] {strides = array<i32>} : memref<1024xf32, #tpu.memory_space<vmem>>, vector<16xf32>,
      %swap3A_886 = vector.shape_cast %swap3A_885 : vector<16xf32> to vector<16xf32>
      %swap3A_887 = vector.shape_cast %convert_element_type3A_883 : vector<16xf32> to vector<16xf32>
      tpu.vector_store %arg8[%swap3A_884], %swap3A_887 {strides = array<i32>} : memref<1024xf32, #tpu.memory_space<vmem>>, vector<16xf32>,
      %get3A_888 = arith.constant 57 : index
      %get3A_889 = tpu.vector_load %arg6[%get3A_888] {strides = array<i32>} : memref<80xi32, #tpu.memory_space<vmem>>, vector<16xi32>,
      %get3A_890 = vector.shape_cast %get3A_889 : vector<16xi32> to vector<16xi32>
      %slice3A_891 = vector.extract_strided_slice %get3A_890 {offsets = [0], sizes = [1], strides = [1]} : vector<16xi32> to vector<1xi32>
      %squeeze3A_892 = vector.extract %slice3A_891[0] : i32 from vector<1xi32>
      %broadcast_in_dim3A_893 = vector.broadcast %squeeze3A_892 : i32 to vector<16xi32>
      %shift_right_arithmetic3A_894 = arith.shrsi %broadcast_in_dim3A_893, %iota3A : vector<16xi32>
      %and3A_895 = arith.constant 1 : i32
      %and3A_896 = vector.broadcast %and3A_895 : i32 to vector<16xi32>
      %and3A_897 = arith.andi %shift_right_arithmetic3A_894, %and3A_896 : vector<16xi32>
      %convert_element_type3A_898 = arith.sitofp %and3A_897 : vector<16xi32> to vector<16xf32>
      %swap3A_899 = arith.constant 912 : index
      %swap3A_900 = tpu.vector_load %arg8[%swap3A_899] {strides = array<i32>} : memref<1024xf32, #tpu.memory_space<vmem>>, vector<16xf32>,
      %swap3A_901 = vector.shape_cast %swap3A_900 : vector<16xf32> to vector<16xf32>
      %swap3A_902 = vector.shape_cast %convert_element_type3A_898 : vector<16xf32> to vector<16xf32>
      tpu.vector_store %arg8[%swap3A_899], %swap3A_902 {strides = array<i32>} : memref<1024xf32, #tpu.memory_space<vmem>>, vector<16xf32>,
      %get3A_903 = arith.constant 58 : index
      %get3A_904 = tpu.vector_load %arg6[%get3A_903] {strides = array<i32>} : memref<80xi32, #tpu.memory_space<vmem>>, vector<16xi32>,
      %get3A_905 = vector.shape_cast %get3A_904 : vector<16xi32> to vector<16xi32>
      %slice3A_906 = vector.extract_strided_slice %get3A_905 {offsets = [0], sizes = [1], strides = [1]} : vector<16xi32> to vector<1xi32>
      %squeeze3A_907 = vector.extract %slice3A_906[0] : i32 from vector<1xi32>
      %broadcast_in_dim3A_908 = vector.broadcast %squeeze3A_907 : i32 to vector<16xi32>
      %shift_right_arithmetic3A_909 = arith.shrsi %broadcast_in_dim3A_908, %iota3A : vector<16xi32>
      %and3A_910 = arith.constant 1 : i32
      %and3A_911 = vector.broadcast %and3A_910 : i32 to vector<16xi32>
      %and3A_912 = arith.andi %shift_right_arithmetic3A_909, %and3A_911 : vector<16xi32>
      %convert_element_type3A_913 = arith.sitofp %and3A_912 : vector<16xi32> to vector<16xf32>
      %swap3A_914 = arith.constant 928 : index
      %swap3A_915 = tpu.vector_load %arg8[%swap3A_914] {strides = array<i32>} : memref<1024xf32, #tpu.memory_space<vmem>>, vector<16xf32>,
      %swap3A_916 = vector.shape_cast %swap3A_915 : vector<16xf32> to vector<16xf32>
      %swap3A_917 = vector.shape_cast %convert_element_type3A_913 : vector<16xf32> to vector<16xf32>
      tpu.vector_store %arg8[%swap3A_914], %swap3A_917 {strides = array<i32>} : memref<1024xf32, #tpu.memory_space<vmem>>, vector<16xf32>,
      %get3A_918 = arith.constant 59 : index
      %get3A_919 = tpu.vector_load %arg6[%get3A_918] {strides = array<i32>} : memref<80xi32, #tpu.memory_space<vmem>>, vector<16xi32>,
      %get3A_920 = vector.shape_cast %get3A_919 : vector<16xi32> to vector<16xi32>
      %slice3A_921 = vector.extract_strided_slice %get3A_920 {offsets = [0], sizes = [1], strides = [1]} : vector<16xi32> to vector<1xi32>
      %squeeze3A_922 = vector.extract %slice3A_921[0] : i32 from vector<1xi32>
      %broadcast_in_dim3A_923 = vector.broadcast %squeeze3A_922 : i32 to vector<16xi32>
      %shift_right_arithmetic3A_924 = arith.shrsi %broadcast_in_dim3A_923, %iota3A : vector<16xi32>
      %and3A_925 = arith.constant 1 : i32
      %and3A_926 = vector.broadcast %and3A_925 : i32 to vector<16xi32>
      %and3A_927 = arith.andi %shift_right_arithmetic3A_924, %and3A_926 : vector<16xi32>
      %convert_element_type3A_928 = arith.sitofp %and3A_927 : vector<16xi32> to vector<16xf32>
      %swap3A_929 = arith.constant 944 : index
      %swap3A_930 = tpu.vector_load %arg8[%swap3A_929] {strides = array<i32>} : memref<1024xf32, #tpu.memory_space<vmem>>, vector<16xf32>,
      %swap3A_931 = vector.shape_cast %swap3A_930 : vector<16xf32> to vector<16xf32>
      %swap3A_932 = vector.shape_cast %convert_element_type3A_928 : vector<16xf32> to vector<16xf32>
      tpu.vector_store %arg8[%swap3A_929], %swap3A_932 {strides = array<i32>} : memref<1024xf32, #tpu.memory_space<vmem>>, vector<16xf32>,
      %get3A_933 = arith.constant 60 : index
      %get3A_934 = tpu.vector_load %arg6[%get3A_933] {strides = array<i32>} : memref<80xi32, #tpu.memory_space<vmem>>, vector<16xi32>,
      %get3A_935 = vector.shape_cast %get3A_934 : vector<16xi32> to vector<16xi32>
      %slice3A_936 = vector.extract_strided_slice %get3A_935 {offsets = [0], sizes = [1], strides = [1]} : vector<16xi32> to vector<1xi32>
      %squeeze3A_937 = vector.extract %slice3A_936[0] : i32 from vector<1xi32>
      %broadcast_in_dim3A_938 = vector.broadcast %squeeze3A_937 : i32 to vector<16xi32>
      %shift_right_arithmetic3A_939 = arith.shrsi %broadcast_in_dim3A_938, %iota3A : vector<16xi32>
      %and3A_940 = arith.constant 1 : i32
      %and3A_941 = vector.broadcast %and3A_940 : i32 to vector<16xi32>
      %and3A_942 = arith.andi %shift_right_arithmetic3A_939, %and3A_941 : vector<16xi32>
      %convert_element_type3A_943 = arith.sitofp %and3A_942 : vector<16xi32> to vector<16xf32>
      %swap3A_944 = arith.constant 960 : index
      %swap3A_945 = tpu.vector_load %arg8[%swap3A_944] {strides = array<i32>} : memref<1024xf32, #tpu.memory_space<vmem>>, vector<16xf32>,
      %swap3A_946 = vector.shape_cast %swap3A_945 : vector<16xf32> to vector<16xf32>
      %swap3A_947 = vector.shape_cast %convert_element_type3A_943 : vector<16xf32> to vector<16xf32>
      tpu.vector_store %arg8[%swap3A_944], %swap3A_947 {strides = array<i32>} : memref<1024xf32, #tpu.memory_space<vmem>>, vector<16xf32>,
      %get3A_948 = arith.constant 61 : index
      %get3A_949 = tpu.vector_load %arg6[%get3A_948] {strides = array<i32>} : memref<80xi32, #tpu.memory_space<vmem>>, vector<16xi32>,
      %get3A_950 = vector.shape_cast %get3A_949 : vector<16xi32> to vector<16xi32>
      %slice3A_951 = vector.extract_strided_slice %get3A_950 {offsets = [0], sizes = [1], strides = [1]} : vector<16xi32> to vector<1xi32>
      %squeeze3A_952 = vector.extract %slice3A_951[0] : i32 from vector<1xi32>
      %broadcast_in_dim3A_953 = vector.broadcast %squeeze3A_952 : i32 to vector<16xi32>
      %shift_right_arithmetic3A_954 = arith.shrsi %broadcast_in_dim3A_953, %iota3A : vector<16xi32>
      %and3A_955 = arith.constant 1 : i32
      %and3A_956 = vector.broadcast %and3A_955 : i32 to vector<16xi32>
      %and3A_957 = arith.andi %shift_right_arithmetic3A_954, %and3A_956 : vector<16xi32>
      %convert_element_type3A_958 = arith.sitofp %and3A_957 : vector<16xi32> to vector<16xf32>
      %swap3A_959 = arith.constant 976 : index
      %swap3A_960 = tpu.vector_load %arg8[%swap3A_959] {strides = array<i32>} : memref<1024xf32, #tpu.memory_space<vmem>>, vector<16xf32>,
      %swap3A_961 = vector.shape_cast %swap3A_960 : vector<16xf32> to vector<16xf32>
      %swap3A_962 = vector.shape_cast %convert_element_type3A_958 : vector<16xf32> to vector<16xf32>
      tpu.vector_store %arg8[%swap3A_959], %swap3A_962 {strides = array<i32>} : memref<1024xf32, #tpu.memory_space<vmem>>, vector<16xf32>,
      %get3A_963 = arith.constant 62 : index
      %get3A_964 = tpu.vector_load %arg6[%get3A_963] {strides = array<i32>} : memref<80xi32, #tpu.memory_space<vmem>>, vector<16xi32>,
      %get3A_965 = vector.shape_cast %get3A_964 : vector<16xi32> to vector<16xi32>
      %slice3A_966 = vector.extract_strided_slice %get3A_965 {offsets = [0], sizes = [1], strides = [1]} : vector<16xi32> to vector<1xi32>
      %squeeze3A_967 = vector.extract %slice3A_966[0] : i32 from vector<1xi32>
      %broadcast_in_dim3A_968 = vector.broadcast %squeeze3A_967 : i32 to vector<16xi32>
      %shift_right_arithmetic3A_969 = arith.shrsi %broadcast_in_dim3A_968, %iota3A : vector<16xi32>
      %and3A_970 = arith.constant 1 : i32
      %and3A_971 = vector.broadcast %and3A_970 : i32 to vector<16xi32>
      %and3A_972 = arith.andi %shift_right_arithmetic3A_969, %and3A_971 : vector<16xi32>
      %convert_element_type3A_973 = arith.sitofp %and3A_972 : vector<16xi32> to vector<16xf32>
      %swap3A_974 = arith.constant 992 : index
      %swap3A_975 = tpu.vector_load %arg8[%swap3A_974] {strides = array<i32>} : memref<1024xf32, #tpu.memory_space<vmem>>, vector<16xf32>,
      %swap3A_976 = vector.shape_cast %swap3A_975 : vector<16xf32> to vector<16xf32>
      %swap3A_977 = vector.shape_cast %convert_element_type3A_973 : vector<16xf32> to vector<16xf32>
      tpu.vector_store %arg8[%swap3A_974], %swap3A_977 {strides = array<i32>} : memref<1024xf32, #tpu.memory_space<vmem>>, vector<16xf32>,
      %get3A_978 = arith.constant 63 : index
      %get3A_979 = tpu.vector_load %arg6[%get3A_978] {strides = array<i32>} : memref<80xi32, #tpu.memory_space<vmem>>, vector<16xi32>,
      %get3A_980 = vector.shape_cast %get3A_979 : vector<16xi32> to vector<16xi32>
      %slice3A_981 = vector.extract_strided_slice %get3A_980 {offsets = [0], sizes = [1], strides = [1]} : vector<16xi32> to vector<1xi32>
      %squeeze3A_982 = vector.extract %slice3A_981[0] : i32 from vector<1xi32>
      %broadcast_in_dim3A_983 = vector.broadcast %squeeze3A_982 : i32 to vector<16xi32>
      %shift_right_arithmetic3A_984 = arith.shrsi %broadcast_in_dim3A_983, %iota3A : vector<16xi32>
      %and3A_985 = arith.constant 1 : i32
      %and3A_986 = vector.broadcast %and3A_985 : i32 to vector<16xi32>
      %and3A_987 = arith.andi %shift_right_arithmetic3A_984, %and3A_986 : vector<16xi32>
      %convert_element_type3A_988 = arith.sitofp %and3A_987 : vector<16xi32> to vector<16xf32>
      %swap3A_989 = arith.constant 1008 : index
      %swap3A_990 = tpu.vector_load %arg8[%swap3A_989] {strides = array<i32>} : memref<1024xf32, #tpu.memory_space<vmem>>, vector<16xf32>,
      %swap3A_991 = vector.shape_cast %swap3A_990 : vector<16xf32> to vector<16xf32>
      %swap3A_992 = vector.shape_cast %convert_element_type3A_988 : vector<16xf32> to vector<16xf32>
      tpu.vector_store %arg8[%swap3A_989], %swap3A_992 {strides = array<i32>} : memref<1024xf32, #tpu.memory_space<vmem>>, vector<16xf32>,
      "tpu.region"() ({
        %run_scoped3A = tpu.sem_alloc : memref<!tpu.dma_semaphore, #tpu.memory_space<semaphore_mem>>
        %dma_start3A = arith.constant 0 : i32
        %dma_start3A_993 = tpu.memref_slice %arg4[%add3A, %dma_start3A] : memref<8x1024xf32, #tpu.memory_space<hbm>> -> memref<1x1024xf32, #tpu.memory_space<hbm>>
        %dma_start3A_994 = tpu.memref_squeeze %dma_start3A_993 : memref<1x1024xf32, #tpu.memory_space<hbm>> -> memref<1024xf32, #tpu.memory_space<hbm>>
        %dma_start3A_995 = arith.constant 0 : i32
        %dma_start3A_996 = tpu.memref_slice %arg4[%add3A, %dma_start3A_995] : memref<8x1024xf32, #tpu.memory_space<hbm>> -> memref<1x1024xf32, #tpu.memory_space<hbm>>
        %dma_start3A_997 = tpu.memref_squeeze %dma_start3A_996 : memref<1x1024xf32, #tpu.memory_space<hbm>> -> memref<1024xf32, #tpu.memory_space<hbm>>
        tpu.enqueue_dma source(%arg8 : memref<1024xf32, #tpu.memory_space<vmem>>) target(%dma_start3A_997 : memref<1024xf32, #tpu.memory_space<hbm>>) target_semaphore(%run_scoped3A : memref<!tpu.dma_semaphore, #tpu.memory_space<semaphore_mem>>)
        %dma_wait3A = arith.constant 0 : i32
        %dma_wait3A_998 = tpu.memref_slice %arg4[%add3A, %dma_wait3A] : memref<8x1024xf32, #tpu.memory_space<hbm>> -> memref<1x1024xf32, #tpu.memory_space<hbm>>
        %dma_wait3A_999 = tpu.memref_squeeze %dma_wait3A_998 : memref<1x1024xf32, #tpu.memory_space<hbm>> -> memref<1024xf32, #tpu.memory_space<hbm>>
        %dma_wait3A_1000 = arith.constant 0 : i32
        %dma_wait3A_1001 = tpu.memref_slice %arg4[%add3A, %dma_wait3A_1000] : memref<8x1024xf32, #tpu.memory_space<hbm>> -> memref<1x1024xf32, #tpu.memory_space<hbm>>
        %dma_wait3A_1002 = tpu.memref_squeeze %dma_wait3A_1001 : memref<1x1024xf32, #tpu.memory_space<hbm>> -> memref<1024xf32, #tpu.memory_space<hbm>>
        tpu.wait_dma2 semaphore(%run_scoped3A : memref<!tpu.dma_semaphore, #tpu.memory_space<semaphore_mem>>) src(%arg8 : memref<1024xf32, #tpu.memory_space<vmem>>) dst(%dma_wait3A_1002 : memref<1024xf32, #tpu.memory_space<hbm>>)
        tpu.yield
      }) : () -> ()
    } else {
    }
    return
  }
}

module attributes {stable_mosaic.version = 14 : i64} {
  func.func @_tc2_body(%arg0: i32, %arg1: memref<1x1024x6xf32, #tpu.memory_space<vmem>>, %arg2: memref<1x1x1024xf32, #tpu.memory_space<vmem>>, %arg3: memref<1x300x6xf32, #tpu.memory_space<vmem>>, %arg4: memref<1024x1xf32, #tpu.memory_space<vmem>>, %arg5: memref<1024x1xf32, #tpu.memory_space<vmem>>, %arg6: memref<1024x128xi32, #tpu.memory_space<vmem>>) attributes {dimension_semantics = [#tpu.dimension_semantics<arbitrary>], iteration_bounds = array<i64: 8>, scalar_prefetch = 0 : i64, scratch_operands = 3 : i64, tpu.core_type = #tpu.core_type<tc>, window_params = [{transform_indices = @transform_0, window_bounds = array<i64: 1, 1024, 6>}, {transform_indices = @transform_1, window_bounds = array<i64: 1, 1, 1024>}, {transform_indices = @transform_2, window_bounds = array<i64: 1, 300, 6>}]} {
    %get3A = arith.constant 0 : index
    %get3A_0 = arith.constant 0 : index
    %get3A_1 = arith.constant 0 : index
    %get3A_2 = vector.load %arg1[%get3A, %get3A_0, %get3A_1] : memref<1x1024x6xf32, #tpu.memory_space<vmem>>, vector<1x1024x6xf32>
    %get3A_3 = vector.shape_cast %get3A_2 : vector<1x1024x6xf32> to vector<1024x6xf32>
    %get3A_4 = arith.constant 0 : index
    %get3A_5 = arith.constant 0 : index
    %get3A_6 = arith.constant 0 : index
    %get3A_7 = vector.load %arg2[%get3A_4, %get3A_5, %get3A_6] : memref<1x1x1024xf32, #tpu.memory_space<vmem>>, vector<1x1x1024xf32>
    %get3A_8 = vector.shape_cast %get3A_7 : vector<1x1x1024xf32> to vector<1x1024xf32>
    %slice3A = vector.extract_strided_slice %get3A_3 {offsets = [0, 5], sizes = [1024, 1], strides = [1, 1]} : vector<1024x6xf32> to vector<1024x1xf32>
    %slice3A_9 = vector.extract_strided_slice %get3A_3 {offsets = [0, 4], sizes = [1024, 1], strides = [1, 1]} : vector<1024x6xf32> to vector<1024x1xf32>
    %iota3A = tpu.iota {dimensions = array<i32: 0>} : vector<128x128xi32>
    %iota3A_10 = tpu.iota {dimensions = array<i32: 1>} : vector<128x128xi32>
    %eq3A = arith.cmpi eq, %iota3A, %iota3A_10 : vector<128x128xi32>
    %convert_element_type3A = arith.extui %eq3A : vector<128x128xi1> to vector<128x128xi32>
    %convert_element_type3A_11 = arith.sitofp %convert_element_type3A : vector<128x128xi32> to vector<128x128xf32>
    %slice3A_12 = vector.extract_strided_slice %slice3A_9 {offsets = [0, 0], sizes = [128, 1], strides = [1, 1]} : vector<1024x1xf32> to vector<128x1xf32>
    %mul3A = vector.broadcast %slice3A_12 : vector<128x1xf32> to vector<128x128xf32>
    %mul3A_13 = arith.mulf %mul3A, %convert_element_type3A_11 : vector<128x128xf32>
    %reduce_sum3A = arith.constant dense<0.000000e+00> : vector<128xf32>
    %reduce_sum3A_14 = vector.multi_reduction <add>, %mul3A_13, %reduce_sum3A [0] : vector<128x128xf32> to vector<128xf32>
    %broadcast_in_dim3A = vector.shape_cast %reduce_sum3A_14 : vector<128xf32> to vector<1x128xf32>
    %slice3A_15 = vector.extract_strided_slice %slice3A_9 {offsets = [128, 0], sizes = [128, 1], strides = [1, 1]} : vector<1024x1xf32> to vector<128x1xf32>
    %mul3A_16 = vector.broadcast %slice3A_15 : vector<128x1xf32> to vector<128x128xf32>
    %mul3A_17 = arith.mulf %mul3A_16, %convert_element_type3A_11 : vector<128x128xf32>
    %reduce_sum3A_18 = arith.constant dense<0.000000e+00> : vector<128xf32>
    %reduce_sum3A_19 = vector.multi_reduction <add>, %mul3A_17, %reduce_sum3A_18 [0] : vector<128x128xf32> to vector<128xf32>
    %broadcast_in_dim3A_20 = vector.shape_cast %reduce_sum3A_19 : vector<128xf32> to vector<1x128xf32>
    %slice3A_21 = vector.extract_strided_slice %slice3A_9 {offsets = [256, 0], sizes = [128, 1], strides = [1, 1]} : vector<1024x1xf32> to vector<128x1xf32>
    %mul3A_22 = vector.broadcast %slice3A_21 : vector<128x1xf32> to vector<128x128xf32>
    %mul3A_23 = arith.mulf %mul3A_22, %convert_element_type3A_11 : vector<128x128xf32>
    %reduce_sum3A_24 = arith.constant dense<0.000000e+00> : vector<128xf32>
    %reduce_sum3A_25 = vector.multi_reduction <add>, %mul3A_23, %reduce_sum3A_24 [0] : vector<128x128xf32> to vector<128xf32>
    %broadcast_in_dim3A_26 = vector.shape_cast %reduce_sum3A_25 : vector<128xf32> to vector<1x128xf32>
    %slice3A_27 = vector.extract_strided_slice %slice3A_9 {offsets = [384, 0], sizes = [128, 1], strides = [1, 1]} : vector<1024x1xf32> to vector<128x1xf32>
    %mul3A_28 = vector.broadcast %slice3A_27 : vector<128x1xf32> to vector<128x128xf32>
    %mul3A_29 = arith.mulf %mul3A_28, %convert_element_type3A_11 : vector<128x128xf32>
    %reduce_sum3A_30 = arith.constant dense<0.000000e+00> : vector<128xf32>
    %reduce_sum3A_31 = vector.multi_reduction <add>, %mul3A_29, %reduce_sum3A_30 [0] : vector<128x128xf32> to vector<128xf32>
    %broadcast_in_dim3A_32 = vector.shape_cast %reduce_sum3A_31 : vector<128xf32> to vector<1x128xf32>
    %slice3A_33 = vector.extract_strided_slice %slice3A_9 {offsets = [512, 0], sizes = [128, 1], strides = [1, 1]} : vector<1024x1xf32> to vector<128x1xf32>
    %mul3A_34 = vector.broadcast %slice3A_33 : vector<128x1xf32> to vector<128x128xf32>
    %mul3A_35 = arith.mulf %mul3A_34, %convert_element_type3A_11 : vector<128x128xf32>
    %reduce_sum3A_36 = arith.constant dense<0.000000e+00> : vector<128xf32>
    %reduce_sum3A_37 = vector.multi_reduction <add>, %mul3A_35, %reduce_sum3A_36 [0] : vector<128x128xf32> to vector<128xf32>
    %broadcast_in_dim3A_38 = vector.shape_cast %reduce_sum3A_37 : vector<128xf32> to vector<1x128xf32>
    %slice3A_39 = vector.extract_strided_slice %slice3A_9 {offsets = [640, 0], sizes = [128, 1], strides = [1, 1]} : vector<1024x1xf32> to vector<128x1xf32>
    %mul3A_40 = vector.broadcast %slice3A_39 : vector<128x1xf32> to vector<128x128xf32>
    %mul3A_41 = arith.mulf %mul3A_40, %convert_element_type3A_11 : vector<128x128xf32>
    %reduce_sum3A_42 = arith.constant dense<0.000000e+00> : vector<128xf32>
    %reduce_sum3A_43 = vector.multi_reduction <add>, %mul3A_41, %reduce_sum3A_42 [0] : vector<128x128xf32> to vector<128xf32>
    %broadcast_in_dim3A_44 = vector.shape_cast %reduce_sum3A_43 : vector<128xf32> to vector<1x128xf32>
    %slice3A_45 = vector.extract_strided_slice %slice3A_9 {offsets = [768, 0], sizes = [128, 1], strides = [1, 1]} : vector<1024x1xf32> to vector<128x1xf32>
    %mul3A_46 = vector.broadcast %slice3A_45 : vector<128x1xf32> to vector<128x128xf32>
    %mul3A_47 = arith.mulf %mul3A_46, %convert_element_type3A_11 : vector<128x128xf32>
    %reduce_sum3A_48 = arith.constant dense<0.000000e+00> : vector<128xf32>
    %reduce_sum3A_49 = vector.multi_reduction <add>, %mul3A_47, %reduce_sum3A_48 [0] : vector<128x128xf32> to vector<128xf32>
    %broadcast_in_dim3A_50 = vector.shape_cast %reduce_sum3A_49 : vector<128xf32> to vector<1x128xf32>
    %slice3A_51 = vector.extract_strided_slice %slice3A_9 {offsets = [896, 0], sizes = [128, 1], strides = [1, 1]} : vector<1024x1xf32> to vector<128x1xf32>
    %mul3A_52 = vector.broadcast %slice3A_51 : vector<128x1xf32> to vector<128x128xf32>
    %mul3A_53 = arith.mulf %mul3A_52, %convert_element_type3A_11 : vector<128x128xf32>
    %reduce_sum3A_54 = arith.constant dense<0.000000e+00> : vector<128xf32>
    %reduce_sum3A_55 = vector.multi_reduction <add>, %mul3A_53, %reduce_sum3A_54 [0] : vector<128x128xf32> to vector<128xf32>
    %broadcast_in_dim3A_56 = vector.shape_cast %reduce_sum3A_55 : vector<128xf32> to vector<1x128xf32>
    %concatenate3A = tpu.concatenate %broadcast_in_dim3A, %broadcast_in_dim3A_20, %broadcast_in_dim3A_26, %broadcast_in_dim3A_32, %broadcast_in_dim3A_38, %broadcast_in_dim3A_44, %broadcast_in_dim3A_50, %broadcast_in_dim3A_56 in 1 : vector<1x128xf32>, vector<1x128xf32>, vector<1x128xf32>, vector<1x128xf32>, vector<1x128xf32>, vector<1x128xf32>, vector<1x128xf32>, vector<1x128xf32> -> vector<1x1024xf32>
    %mul3A_57 = arith.mulf %get3A_8, %concatenate3A : vector<1x1024xf32>
    %iota3A_58 = tpu.iota {dimensions = array<i32: 0>} : vector<128x128xi32>
    %iota3A_59 = tpu.iota {dimensions = array<i32: 1>} : vector<128x128xi32>
    %eq3A_60 = arith.cmpi eq, %iota3A_58, %iota3A_59 : vector<128x128xi32>
    %convert_element_type3A_61 = arith.extui %eq3A_60 : vector<128x128xi1> to vector<128x128xi32>
    %convert_element_type3A_62 = arith.sitofp %convert_element_type3A_61 : vector<128x128xi32> to vector<128x128xf32>
    %slice3A_63 = vector.extract_strided_slice %mul3A_57 {offsets = [0, 0], sizes = [1, 128], strides = [1, 1]} : vector<1x1024xf32> to vector<1x128xf32>
    %mul3A_64 = vector.broadcast %slice3A_63 : vector<1x128xf32> to vector<128x128xf32>
    %mul3A_65 = arith.mulf %mul3A_64, %convert_element_type3A_62 : vector<128x128xf32>
    %reduce_sum3A_66 = arith.constant dense<0.000000e+00> : vector<128xf32>
    %reduce_sum3A_67 = vector.multi_reduction <add>, %mul3A_65, %reduce_sum3A_66 [1] : vector<128x128xf32> to vector<128xf32>
    %broadcast_in_dim3A_68 = vector.shape_cast %reduce_sum3A_67 : vector<128xf32> to vector<128x1xf32>
    %slice3A_69 = vector.extract_strided_slice %mul3A_57 {offsets = [0, 128], sizes = [1, 128], strides = [1, 1]} : vector<1x1024xf32> to vector<1x128xf32>
    %mul3A_70 = vector.broadcast %slice3A_69 : vector<1x128xf32> to vector<128x128xf32>
    %mul3A_71 = arith.mulf %mul3A_70, %convert_element_type3A_62 : vector<128x128xf32>
    %reduce_sum3A_72 = arith.constant dense<0.000000e+00> : vector<128xf32>
    %reduce_sum3A_73 = vector.multi_reduction <add>, %mul3A_71, %reduce_sum3A_72 [1] : vector<128x128xf32> to vector<128xf32>
    %broadcast_in_dim3A_74 = vector.shape_cast %reduce_sum3A_73 : vector<128xf32> to vector<128x1xf32>
    %slice3A_75 = vector.extract_strided_slice %mul3A_57 {offsets = [0, 256], sizes = [1, 128], strides = [1, 1]} : vector<1x1024xf32> to vector<1x128xf32>
    %mul3A_76 = vector.broadcast %slice3A_75 : vector<1x128xf32> to vector<128x128xf32>
    %mul3A_77 = arith.mulf %mul3A_76, %convert_element_type3A_62 : vector<128x128xf32>
    %reduce_sum3A_78 = arith.constant dense<0.000000e+00> : vector<128xf32>
    %reduce_sum3A_79 = vector.multi_reduction <add>, %mul3A_77, %reduce_sum3A_78 [1] : vector<128x128xf32> to vector<128xf32>
    %broadcast_in_dim3A_80 = vector.shape_cast %reduce_sum3A_79 : vector<128xf32> to vector<128x1xf32>
    %slice3A_81 = vector.extract_strided_slice %mul3A_57 {offsets = [0, 384], sizes = [1, 128], strides = [1, 1]} : vector<1x1024xf32> to vector<1x128xf32>
    %mul3A_82 = vector.broadcast %slice3A_81 : vector<1x128xf32> to vector<128x128xf32>
    %mul3A_83 = arith.mulf %mul3A_82, %convert_element_type3A_62 : vector<128x128xf32>
    %reduce_sum3A_84 = arith.constant dense<0.000000e+00> : vector<128xf32>
    %reduce_sum3A_85 = vector.multi_reduction <add>, %mul3A_83, %reduce_sum3A_84 [1] : vector<128x128xf32> to vector<128xf32>
    %broadcast_in_dim3A_86 = vector.shape_cast %reduce_sum3A_85 : vector<128xf32> to vector<128x1xf32>
    %slice3A_87 = vector.extract_strided_slice %mul3A_57 {offsets = [0, 512], sizes = [1, 128], strides = [1, 1]} : vector<1x1024xf32> to vector<1x128xf32>
    %mul3A_88 = vector.broadcast %slice3A_87 : vector<1x128xf32> to vector<128x128xf32>
    %mul3A_89 = arith.mulf %mul3A_88, %convert_element_type3A_62 : vector<128x128xf32>
    %reduce_sum3A_90 = arith.constant dense<0.000000e+00> : vector<128xf32>
    %reduce_sum3A_91 = vector.multi_reduction <add>, %mul3A_89, %reduce_sum3A_90 [1] : vector<128x128xf32> to vector<128xf32>
    %broadcast_in_dim3A_92 = vector.shape_cast %reduce_sum3A_91 : vector<128xf32> to vector<128x1xf32>
    %slice3A_93 = vector.extract_strided_slice %mul3A_57 {offsets = [0, 640], sizes = [1, 128], strides = [1, 1]} : vector<1x1024xf32> to vector<1x128xf32>
    %mul3A_94 = vector.broadcast %slice3A_93 : vector<1x128xf32> to vector<128x128xf32>
    %mul3A_95 = arith.mulf %mul3A_94, %convert_element_type3A_62 : vector<128x128xf32>
    %reduce_sum3A_96 = arith.constant dense<0.000000e+00> : vector<128xf32>
    %reduce_sum3A_97 = vector.multi_reduction <add>, %mul3A_95, %reduce_sum3A_96 [1] : vector<128x128xf32> to vector<128xf32>
    %broadcast_in_dim3A_98 = vector.shape_cast %reduce_sum3A_97 : vector<128xf32> to vector<128x1xf32>
    %slice3A_99 = vector.extract_strided_slice %mul3A_57 {offsets = [0, 768], sizes = [1, 128], strides = [1, 1]} : vector<1x1024xf32> to vector<1x128xf32>
    %mul3A_100 = vector.broadcast %slice3A_99 : vector<1x128xf32> to vector<128x128xf32>
    %mul3A_101 = arith.mulf %mul3A_100, %convert_element_type3A_62 : vector<128x128xf32>
    %reduce_sum3A_102 = arith.constant dense<0.000000e+00> : vector<128xf32>
    %reduce_sum3A_103 = vector.multi_reduction <add>, %mul3A_101, %reduce_sum3A_102 [1] : vector<128x128xf32> to vector<128xf32>
    %broadcast_in_dim3A_104 = vector.shape_cast %reduce_sum3A_103 : vector<128xf32> to vector<128x1xf32>
    %slice3A_105 = vector.extract_strided_slice %mul3A_57 {offsets = [0, 896], sizes = [1, 128], strides = [1, 1]} : vector<1x1024xf32> to vector<1x128xf32>
    %mul3A_106 = vector.broadcast %slice3A_105 : vector<1x128xf32> to vector<128x128xf32>
    %mul3A_107 = arith.mulf %mul3A_106, %convert_element_type3A_62 : vector<128x128xf32>
    %reduce_sum3A_108 = arith.constant dense<0.000000e+00> : vector<128xf32>
    %reduce_sum3A_109 = vector.multi_reduction <add>, %mul3A_107, %reduce_sum3A_108 [1] : vector<128x128xf32> to vector<128xf32>
    %broadcast_in_dim3A_110 = vector.shape_cast %reduce_sum3A_109 : vector<128xf32> to vector<128x1xf32>
    %concatenate3A_111 = tpu.concatenate %broadcast_in_dim3A_68, %broadcast_in_dim3A_74, %broadcast_in_dim3A_80, %broadcast_in_dim3A_86, %broadcast_in_dim3A_92, %broadcast_in_dim3A_98, %broadcast_in_dim3A_104, %broadcast_in_dim3A_110 in 0 : vector<128x1xf32>, vector<128x1xf32>, vector<128x1xf32>, vector<128x1xf32>, vector<128x1xf32>, vector<128x1xf32>, vector<128x1xf32>, vector<128x1xf32> -> vector<1024x1xf32>
    %swap3A = arith.constant 0 : index
    %swap3A_112 = arith.constant 0 : index
    %swap3A_113 = vector.load %arg4[%swap3A, %swap3A_112] : memref<1024x1xf32, #tpu.memory_space<vmem>>, vector<1024x1xf32>
    tpu.vector_store %arg4[%swap3A, %swap3A_112], %concatenate3A_111 {strides = array<i32>} : memref<1024x1xf32, #tpu.memory_space<vmem>>, vector<1024x1xf32>,
    %iota3A_114 = tpu.iota {dimensions = array<i32: 0>} : vector<128x128xi32>
    %iota3A_115 = tpu.iota {dimensions = array<i32: 1>} : vector<128x128xi32>
    %eq3A_116 = arith.cmpi eq, %iota3A_114, %iota3A_115 : vector<128x128xi32>
    %convert_element_type3A_117 = arith.extui %eq3A_116 : vector<128x128xi1> to vector<128x128xi32>
    %get3A_118 = arith.constant 0 : index
    %get3A_119 = arith.constant 0 : index
    %get3A_120 = vector.load %arg4[%get3A_118, %get3A_119] : memref<1024x1xf32, #tpu.memory_space<vmem>>, vector<1024x1xf32>
    %bitcast_convert_type3A = tpu.bitcast %get3A_120 : vector<1024x1xf32> -> vector<1024x1xi32>
    %iota3A_121 = tpu.iota {dimensions = array<i32: 0>} : vector<1024x128xi32>
    %iota3A_122 = tpu.iota {dimensions = array<i32: 1>} : vector<1024x128xi32>
    %broadcast_in_dim3A_123 = arith.constant 0 : i32
    %broadcast_in_dim3A_124 = vector.broadcast %broadcast_in_dim3A_123 : i32 to vector<1024x128xi32>
    %swap3A_125 = arith.constant 0 : index
    %swap3A_126 = arith.constant 0 : index
    %swap3A_127 = vector.load %arg6[%swap3A_125, %swap3A_126] : memref<1024x128xi32, #tpu.memory_space<vmem>>, vector<1024x128xi32>
    tpu.vector_store %arg6[%swap3A_125, %swap3A_126], %broadcast_in_dim3A_124 {strides = array<i32>} : memref<1024x128xi32, #tpu.memory_space<vmem>>, vector<1024x128xi32>,
    %scan3A = arith.constant 0 : i32
    %scan3A_128 = arith.constant 8 : i32
    %scan3A_129 = arith.addi %scan3A, %scan3A_128 : i32
    %scan3A_130 = arith.constant 1 : i32
    scf.for %scan3A_266 = %scan3A to %scan3A_129 step %scan3A_130  : i32 {
      %mul3A_267 = arith.constant 128 : i32
      %mul3A_268 = arith.muli %scan3A_266, %mul3A_267 : i32
      %multiple_of3A = tpu.assume_multiple %mul3A_268, 128 : i32
      %get3A_269 = arith.index_cast %multiple_of3A : i32 to index
      %get3A_270 = arith.constant 0 : index
      %get3A_271 = vector.load %arg4[%get3A_269, %get3A_270] : memref<1024x1xf32, #tpu.memory_space<vmem>>, vector<128x1xf32>
      %bitcast_convert_type3A_272 = tpu.bitcast %get3A_271 : vector<128x1xf32> -> vector<128x1xi32>
      %mul3A_273 = vector.broadcast %bitcast_convert_type3A_272 : vector<128x1xi32> to vector<128x128xi32>
      %mul3A_274 = arith.muli %mul3A_273, %convert_element_type3A_117 : vector<128x128xi32>
      %reduce_sum3A_275 = arith.constant dense<0> : vector<128xi32>
      %reduce_sum3A_276 = vector.multi_reduction <add>, %mul3A_274, %reduce_sum3A_275 [0] : vector<128x128xi32> to vector<128xi32>
      %broadcast_in_dim3A_277 = vector.shape_cast %reduce_sum3A_276 : vector<128xi32> to vector<1x128xi32>
      %gt3A_278 = vector.broadcast %broadcast_in_dim3A_277 : vector<1x128xi32> to vector<1024x128xi32>
      %gt3A_279 = vector.broadcast %bitcast_convert_type3A : vector<1024x1xi32> to vector<1024x128xi32>
      %gt3A_280 = arith.cmpi sgt, %gt3A_278, %gt3A_279 : vector<1024x128xi32>
      %ge3A = vector.broadcast %broadcast_in_dim3A_277 : vector<1x128xi32> to vector<1024x128xi32>
      %ge3A_281 = vector.broadcast %bitcast_convert_type3A : vector<1024x1xi32> to vector<1024x128xi32>
      %ge3A_282 = arith.cmpi sge, %ge3A, %ge3A_281 : vector<1024x128xi32>
      %mul3A_283 = arith.constant 128 : i32
      %mul3A_284 = arith.muli %scan3A_266, %mul3A_283 : i32
      %add3A_285 = vector.broadcast %mul3A_284 : i32 to vector<1024x128xi32>
      %add3A_286 = arith.addi %iota3A_122, %add3A_285 : vector<1024x128xi32>
      %lt3A = arith.cmpi slt, %add3A_286, %iota3A_121 : vector<1024x128xi32>
      %and3A = arith.andi %ge3A_282, %lt3A : vector<1024x128xi1>
      %or3A = arith.ori %gt3A_280, %and3A : vector<1024x128xi1>
      %get3A_287 = arith.constant 0 : index
      %get3A_288 = arith.constant 0 : index
      %get3A_289 = vector.load %arg6[%get3A_287, %get3A_288] : memref<1024x128xi32, #tpu.memory_space<vmem>>, vector<1024x128xi32>
      %convert_element_type3A_290 = arith.extui %or3A : vector<1024x128xi1> to vector<1024x128xi32>
      %add3A_291 = arith.addi %get3A_289, %convert_element_type3A_290 : vector<1024x128xi32>
      %swap3A_292 = arith.constant 0 : index
      %swap3A_293 = arith.constant 0 : index
      %swap3A_294 = vector.load %arg6[%swap3A_292, %swap3A_293] : memref<1024x128xi32, #tpu.memory_space<vmem>>, vector<1024x128xi32>
      tpu.vector_store %arg6[%swap3A_292, %swap3A_293], %add3A_291 {strides = array<i32>} : memref<1024x128xi32, #tpu.memory_space<vmem>>, vector<1024x128xi32>,
    }
    %scan3A_131 = arith.constant 8 : i32
    %get3A_132 = arith.constant 0 : index
    %get3A_133 = arith.constant 0 : index
    %get3A_134 = vector.load %arg6[%get3A_132, %get3A_133] : memref<1024x128xi32, #tpu.memory_space<vmem>>, vector<1024x128xi32>
    %reduce_sum3A_135 = arith.constant dense<0> : vector<1024xi32>
    %reduce_sum3A_136 = vector.multi_reduction <add>, %get3A_134, %reduce_sum3A_135 [1] : vector<1024x128xi32> to vector<1024xi32>
    %broadcast_in_dim3A_137 = vector.shape_cast %reduce_sum3A_136 : vector<1024xi32> to vector<1024x1xi32>
    %convert_element_type3A_138 = arith.sitofp %broadcast_in_dim3A_137 : vector<1024x1xi32> to vector<1024x1xf32>
    %swap3A_139 = arith.constant 0 : index
    %swap3A_140 = arith.constant 0 : index
    %swap3A_141 = vector.load %arg5[%swap3A_139, %swap3A_140] : memref<1024x1xf32, #tpu.memory_space<vmem>>, vector<1024x1xf32>
    tpu.vector_store %arg5[%swap3A_139, %swap3A_140], %convert_element_type3A_138 {strides = array<i32>} : memref<1024x1xf32, #tpu.memory_space<vmem>>, vector<1024x1xf32>,
    %get3A_142 = arith.constant 0 : index
    %get3A_143 = arith.constant 0 : index
    %get3A_144 = vector.load %arg5[%get3A_142, %get3A_143] : memref<1024x1xf32, #tpu.memory_space<vmem>>, vector<1024x1xf32>
    %iota3A_145 = tpu.iota {dimensions = array<i32: 0>} : vector<128x128xi32>
    %iota3A_146 = tpu.iota {dimensions = array<i32: 1>} : vector<128x128xi32>
    %eq3A_147 = arith.cmpi eq, %iota3A_145, %iota3A_146 : vector<128x128xi32>
    %convert_element_type3A_148 = arith.extui %eq3A_147 : vector<128x128xi1> to vector<128x128xi32>
    %convert_element_type3A_149 = arith.sitofp %convert_element_type3A_148 : vector<128x128xi32> to vector<128x128xf32>
    %slice3A_150 = vector.extract_strided_slice %get3A_144 {offsets = [0, 0], sizes = [128, 1], strides = [1, 1]} : vector<1024x1xf32> to vector<128x1xf32>
    %mul3A_151 = vector.broadcast %slice3A_150 : vector<128x1xf32> to vector<128x128xf32>
    %mul3A_152 = arith.mulf %mul3A_151, %convert_element_type3A_149 : vector<128x128xf32>
    %reduce_sum3A_153 = arith.constant dense<0.000000e+00> : vector<128xf32>
    %reduce_sum3A_154 = vector.multi_reduction <add>, %mul3A_152, %reduce_sum3A_153 [0] : vector<128x128xf32> to vector<128xf32>
    %broadcast_in_dim3A_155 = vector.shape_cast %reduce_sum3A_154 : vector<128xf32> to vector<1x128xf32>
    %slice3A_156 = vector.extract_strided_slice %get3A_144 {offsets = [128, 0], sizes = [128, 1], strides = [1, 1]} : vector<1024x1xf32> to vector<128x1xf32>
    %mul3A_157 = vector.broadcast %slice3A_156 : vector<128x1xf32> to vector<128x128xf32>
    %mul3A_158 = arith.mulf %mul3A_157, %convert_element_type3A_149 : vector<128x128xf32>
    %reduce_sum3A_159 = arith.constant dense<0.000000e+00> : vector<128xf32>
    %reduce_sum3A_160 = vector.multi_reduction <add>, %mul3A_158, %reduce_sum3A_159 [0] : vector<128x128xf32> to vector<128xf32>
    %broadcast_in_dim3A_161 = vector.shape_cast %reduce_sum3A_160 : vector<128xf32> to vector<1x128xf32>
    %slice3A_162 = vector.extract_strided_slice %get3A_144 {offsets = [256, 0], sizes = [128, 1], strides = [1, 1]} : vector<1024x1xf32> to vector<128x1xf32>
    %mul3A_163 = vector.broadcast %slice3A_162 : vector<128x1xf32> to vector<128x128xf32>
    %mul3A_164 = arith.mulf %mul3A_163, %convert_element_type3A_149 : vector<128x128xf32>
    %reduce_sum3A_165 = arith.constant dense<0.000000e+00> : vector<128xf32>
    %reduce_sum3A_166 = vector.multi_reduction <add>, %mul3A_164, %reduce_sum3A_165 [0] : vector<128x128xf32> to vector<128xf32>
    %broadcast_in_dim3A_167 = vector.shape_cast %reduce_sum3A_166 : vector<128xf32> to vector<1x128xf32>
    %slice3A_168 = vector.extract_strided_slice %get3A_144 {offsets = [384, 0], sizes = [128, 1], strides = [1, 1]} : vector<1024x1xf32> to vector<128x1xf32>
    %mul3A_169 = vector.broadcast %slice3A_168 : vector<128x1xf32> to vector<128x128xf32>
    %mul3A_170 = arith.mulf %mul3A_169, %convert_element_type3A_149 : vector<128x128xf32>
    %reduce_sum3A_171 = arith.constant dense<0.000000e+00> : vector<128xf32>
    %reduce_sum3A_172 = vector.multi_reduction <add>, %mul3A_170, %reduce_sum3A_171 [0] : vector<128x128xf32> to vector<128xf32>
    %broadcast_in_dim3A_173 = vector.shape_cast %reduce_sum3A_172 : vector<128xf32> to vector<1x128xf32>
    %slice3A_174 = vector.extract_strided_slice %get3A_144 {offsets = [512, 0], sizes = [128, 1], strides = [1, 1]} : vector<1024x1xf32> to vector<128x1xf32>
    %mul3A_175 = vector.broadcast %slice3A_174 : vector<128x1xf32> to vector<128x128xf32>
    %mul3A_176 = arith.mulf %mul3A_175, %convert_element_type3A_149 : vector<128x128xf32>
    %reduce_sum3A_177 = arith.constant dense<0.000000e+00> : vector<128xf32>
    %reduce_sum3A_178 = vector.multi_reduction <add>, %mul3A_176, %reduce_sum3A_177 [0] : vector<128x128xf32> to vector<128xf32>
    %broadcast_in_dim3A_179 = vector.shape_cast %reduce_sum3A_178 : vector<128xf32> to vector<1x128xf32>
    %slice3A_180 = vector.extract_strided_slice %get3A_144 {offsets = [640, 0], sizes = [128, 1], strides = [1, 1]} : vector<1024x1xf32> to vector<128x1xf32>
    %mul3A_181 = vector.broadcast %slice3A_180 : vector<128x1xf32> to vector<128x128xf32>
    %mul3A_182 = arith.mulf %mul3A_181, %convert_element_type3A_149 : vector<128x128xf32>
    %reduce_sum3A_183 = arith.constant dense<0.000000e+00> : vector<128xf32>
    %reduce_sum3A_184 = vector.multi_reduction <add>, %mul3A_182, %reduce_sum3A_183 [0] : vector<128x128xf32> to vector<128xf32>
    %broadcast_in_dim3A_185 = vector.shape_cast %reduce_sum3A_184 : vector<128xf32> to vector<1x128xf32>
    %slice3A_186 = vector.extract_strided_slice %get3A_144 {offsets = [768, 0], sizes = [128, 1], strides = [1, 1]} : vector<1024x1xf32> to vector<128x1xf32>
    %mul3A_187 = vector.broadcast %slice3A_186 : vector<128x1xf32> to vector<128x128xf32>
    %mul3A_188 = arith.mulf %mul3A_187, %convert_element_type3A_149 : vector<128x128xf32>
    %reduce_sum3A_189 = arith.constant dense<0.000000e+00> : vector<128xf32>
    %reduce_sum3A_190 = vector.multi_reduction <add>, %mul3A_188, %reduce_sum3A_189 [0] : vector<128x128xf32> to vector<128xf32>
    %broadcast_in_dim3A_191 = vector.shape_cast %reduce_sum3A_190 : vector<128xf32> to vector<1x128xf32>
    %slice3A_192 = vector.extract_strided_slice %get3A_144 {offsets = [896, 0], sizes = [128, 1], strides = [1, 1]} : vector<1024x1xf32> to vector<128x1xf32>
    %mul3A_193 = vector.broadcast %slice3A_192 : vector<128x1xf32> to vector<128x128xf32>
    %mul3A_194 = arith.mulf %mul3A_193, %convert_element_type3A_149 : vector<128x128xf32>
    %reduce_sum3A_195 = arith.constant dense<0.000000e+00> : vector<128xf32>
    %reduce_sum3A_196 = vector.multi_reduction <add>, %mul3A_194, %reduce_sum3A_195 [0] : vector<128x128xf32> to vector<128xf32>
    %broadcast_in_dim3A_197 = vector.shape_cast %reduce_sum3A_196 : vector<128xf32> to vector<1x128xf32>
    %concatenate3A_198 = tpu.concatenate %broadcast_in_dim3A_155, %broadcast_in_dim3A_161, %broadcast_in_dim3A_167, %broadcast_in_dim3A_173, %broadcast_in_dim3A_179, %broadcast_in_dim3A_185, %broadcast_in_dim3A_191, %broadcast_in_dim3A_197 in 1 : vector<1x128xf32>, vector<1x128xf32>, vector<1x128xf32>, vector<1x128xf32>, vector<1x128xf32>, vector<1x128xf32>, vector<1x128xf32>, vector<1x128xf32> -> vector<1x1024xf32>
    %slice3A_199 = vector.extract_strided_slice %get3A_3 {offsets = [0, 0], sizes = [1024, 4], strides = [1, 1]} : vector<1024x6xf32> to vector<1024x4xf32>
    %concatenate3A_200 = tpu.concatenate %slice3A_199, %concatenate3A_111, %slice3A in 1 : vector<1024x4xf32>, vector<1024x1xf32>, vector<1024x1xf32> -> vector<1024x6xf32>
    %iota3A_201 = tpu.iota {dimensions = array<i32: 0>} : vector<128x1024xi32>
    %convert_element_type3A_202 = arith.sitofp %iota3A_201 : vector<128x1024xi32> to vector<128x1024xf32>
    %add3A = arith.constant 0.000000e+00 : f32
    %add3A_203 = vector.broadcast %add3A : f32 to vector<128x1024xf32>
    %add3A_204 = arith.addf %add3A_203, %convert_element_type3A_202 : vector<128x1024xf32>
    %eq3A_205 = vector.broadcast %concatenate3A_198 : vector<1x1024xf32> to vector<128x1024xf32>
    %eq3A_206 = arith.cmpf oeq, %eq3A_205, %add3A_204 : vector<128x1024xf32>
    %convert_element_type3A_207 = arith.extui %eq3A_206 : vector<128x1024xi1> to vector<128x1024xi32>
    %convert_element_type3A_208 = arith.sitofp %convert_element_type3A_207 : vector<128x1024xi32> to vector<128x1024xf32>
    %dot_general3A = arith.constant dense<0.000000e+00> : vector<128x6xf32>
    %dot_general3A_209 = tpu.matmul %convert_element_type3A_208, %concatenate3A_200, %dot_general3A {dimension_numbers = #tpu.dot_dimension_numbers<[1], [0], [0], [1], [0, 0, 1, 1], [], []>, precision = #tpu.contract_precision<fp32>, transpose_lhs_hint = false} : vector<128x1024xf32>, vector<1024x6xf32>, vector<128x6xf32> -> vector<128x6xf32>
    %dot_general3A_210 = arith.constant dense<0.000000e+00> : vector<128x1xf32>
    %dot_general3A_211 = tpu.matmul %convert_element_type3A_208, %concatenate3A_111, %dot_general3A_210 {dimension_numbers = #tpu.dot_dimension_numbers<[1], [0], [0], [1], [0, 0, 1, 1], [], []>, precision = #tpu.contract_precision<fp32>, transpose_lhs_hint = false} : vector<128x1024xf32>, vector<1024x1xf32>, vector<128x1xf32> -> vector<128x1xf32>
    %gt3A = arith.constant 0.000000e+00 : f32
    %gt3A_212 = vector.broadcast %gt3A : f32 to vector<128x1xf32>
    %gt3A_213 = arith.cmpf ogt, %dot_general3A_211, %gt3A_212 : vector<128x1xf32>
    %convert_element_type3A_214 = arith.extui %gt3A_213 : vector<128x1xi1> to vector<128x1xi32>
    %convert_element_type3A_215 = arith.sitofp %convert_element_type3A_214 : vector<128x1xi32> to vector<128x1xf32>
    %mul3A_216 = vector.broadcast %convert_element_type3A_215 : vector<128x1xf32> to vector<128x6xf32>
    %mul3A_217 = arith.mulf %dot_general3A_209, %mul3A_216 : vector<128x6xf32>
    %iota3A_218 = tpu.iota {dimensions = array<i32: 0>} : vector<128x1024xi32>
    %convert_element_type3A_219 = arith.sitofp %iota3A_218 : vector<128x1024xi32> to vector<128x1024xf32>
    %add3A_220 = arith.constant 1.280000e+02 : f32
    %add3A_221 = vector.broadcast %add3A_220 : f32 to vector<128x1024xf32>
    %add3A_222 = arith.addf %add3A_221, %convert_element_type3A_219 : vector<128x1024xf32>
    %eq3A_223 = vector.broadcast %concatenate3A_198 : vector<1x1024xf32> to vector<128x1024xf32>
    %eq3A_224 = arith.cmpf oeq, %eq3A_223, %add3A_222 : vector<128x1024xf32>
    %convert_element_type3A_225 = arith.extui %eq3A_224 : vector<128x1024xi1> to vector<128x1024xi32>
    %convert_element_type3A_226 = arith.sitofp %convert_element_type3A_225 : vector<128x1024xi32> to vector<128x1024xf32>
    %dot_general3A_227 = arith.constant dense<0.000000e+00> : vector<128x6xf32>
    %dot_general3A_228 = tpu.matmul %convert_element_type3A_226, %concatenate3A_200, %dot_general3A_227 {dimension_numbers = #tpu.dot_dimension_numbers<[1], [0], [0], [1], [0, 0, 1, 1], [], []>, precision = #tpu.contract_precision<fp32>, transpose_lhs_hint = false} : vector<128x1024xf32>, vector<1024x6xf32>, vector<128x6xf32> -> vector<128x6xf32>
    %dot_general3A_229 = arith.constant dense<0.000000e+00> : vector<128x1xf32>
    %dot_general3A_230 = tpu.matmul %convert_element_type3A_226, %concatenate3A_111, %dot_general3A_229 {dimension_numbers = #tpu.dot_dimension_numbers<[1], [0], [0], [1], [0, 0, 1, 1], [], []>, precision = #tpu.contract_precision<fp32>, transpose_lhs_hint = false} : vector<128x1024xf32>, vector<1024x1xf32>, vector<128x1xf32> -> vector<128x1xf32>
    %gt3A_231 = arith.constant 0.000000e+00 : f32
    %gt3A_232 = vector.broadcast %gt3A_231 : f32 to vector<128x1xf32>
    %gt3A_233 = arith.cmpf ogt, %dot_general3A_230, %gt3A_232 : vector<128x1xf32>
    %convert_element_type3A_234 = arith.extui %gt3A_233 : vector<128x1xi1> to vector<128x1xi32>
    %convert_element_type3A_235 = arith.sitofp %convert_element_type3A_234 : vector<128x1xi32> to vector<128x1xf32>
    %mul3A_236 = vector.broadcast %convert_element_type3A_235 : vector<128x1xf32> to vector<128x6xf32>
    %mul3A_237 = arith.mulf %dot_general3A_228, %mul3A_236 : vector<128x6xf32>
    %iota3A_238 = tpu.iota {dimensions = array<i32: 0>} : vector<128x1024xi32>
    %convert_element_type3A_239 = arith.sitofp %iota3A_238 : vector<128x1024xi32> to vector<128x1024xf32>
    %add3A_240 = arith.constant 2.560000e+02 : f32
    %add3A_241 = vector.broadcast %add3A_240 : f32 to vector<128x1024xf32>
    %add3A_242 = arith.addf %add3A_241, %convert_element_type3A_239 : vector<128x1024xf32>
    %eq3A_243 = vector.broadcast %concatenate3A_198 : vector<1x1024xf32> to vector<128x1024xf32>
    %eq3A_244 = arith.cmpf oeq, %eq3A_243, %add3A_242 : vector<128x1024xf32>
    %convert_element_type3A_245 = arith.extui %eq3A_244 : vector<128x1024xi1> to vector<128x1024xi32>
    %convert_element_type3A_246 = arith.sitofp %convert_element_type3A_245 : vector<128x1024xi32> to vector<128x1024xf32>
    %dot_general3A_247 = arith.constant dense<0.000000e+00> : vector<128x6xf32>
    %dot_general3A_248 = tpu.matmul %convert_element_type3A_246, %concatenate3A_200, %dot_general3A_247 {dimension_numbers = #tpu.dot_dimension_numbers<[1], [0], [0], [1], [0, 0, 1, 1], [], []>, precision = #tpu.contract_precision<fp32>, transpose_lhs_hint = false} : vector<128x1024xf32>, vector<1024x6xf32>, vector<128x6xf32> -> vector<128x6xf32>
    %dot_general3A_249 = arith.constant dense<0.000000e+00> : vector<128x1xf32>
    %dot_general3A_250 = tpu.matmul %convert_element_type3A_246, %concatenate3A_111, %dot_general3A_249 {dimension_numbers = #tpu.dot_dimension_numbers<[1], [0], [0], [1], [0, 0, 1, 1], [], []>, precision = #tpu.contract_precision<fp32>, transpose_lhs_hint = false} : vector<128x1024xf32>, vector<1024x1xf32>, vector<128x1xf32> -> vector<128x1xf32>
    %gt3A_251 = arith.constant 0.000000e+00 : f32
    %gt3A_252 = vector.broadcast %gt3A_251 : f32 to vector<128x1xf32>
    %gt3A_253 = arith.cmpf ogt, %dot_general3A_250, %gt3A_252 : vector<128x1xf32>
    %convert_element_type3A_254 = arith.extui %gt3A_253 : vector<128x1xi1> to vector<128x1xi32>
    %convert_element_type3A_255 = arith.sitofp %convert_element_type3A_254 : vector<128x1xi32> to vector<128x1xf32>
    %mul3A_256 = vector.broadcast %convert_element_type3A_255 : vector<128x1xf32> to vector<128x6xf32>
    %mul3A_257 = arith.mulf %dot_general3A_248, %mul3A_256 : vector<128x6xf32>
    %concatenate3A_258 = tpu.concatenate %mul3A_217, %mul3A_237, %mul3A_257 in 0 : vector<128x6xf32>, vector<128x6xf32>, vector<128x6xf32> -> vector<384x6xf32>
    %slice3A_259 = vector.extract_strided_slice %concatenate3A_258 {offsets = [0, 0], sizes = [300, 6], strides = [1, 1]} : vector<384x6xf32> to vector<300x6xf32>
    %swap3A_260 = arith.constant 0 : index
    %swap3A_261 = arith.constant 0 : index
    %swap3A_262 = arith.constant 0 : index
    %swap3A_263 = vector.load %arg3[%swap3A_260, %swap3A_261, %swap3A_262] : memref<1x300x6xf32, #tpu.memory_space<vmem>>, vector<1x300x6xf32>
    %swap3A_264 = vector.shape_cast %swap3A_263 : vector<1x300x6xf32> to vector<300x6xf32>
    %swap3A_265 = vector.shape_cast %slice3A_259 : vector<300x6xf32> to vector<1x300x6xf32>
    tpu.vector_store %arg3[%swap3A_260, %swap3A_261, %swap3A_262], %swap3A_265 {strides = array<i32>} : memref<1x300x6xf32, #tpu.memory_space<vmem>>, vector<1x300x6xf32>,
    return
  }
  func.func @transform_0(%arg0: i32) -> (i32, i32, i32) {
    %c0_i32 = arith.constant 0 : i32
    %c0_i32_0 = arith.constant 0 : i32
    %c0_i32_1 = arith.constant 0 : i32
    return %arg0, %c0_i32, %c0_i32_0 : i32, i32, i32
  }
  func.func @transform_1(%arg0: i32) -> (i32, i32, i32) {
    %c0_i32 = arith.constant 0 : i32
    %c0_i32_0 = arith.constant 0 : i32
    %c0_i32_1 = arith.constant 0 : i32
    return %arg0, %c0_i32, %c0_i32_0 : i32, i32, i32
  }
  func.func @transform_2(%arg0: i32) -> (i32, i32, i32) {
    %c0_i32 = arith.constant 0 : i32
    %c0_i32_0 = arith.constant 0 : i32
    %c0_i32_1 = arith.constant 0 : i32
    return %arg0, %c0_i32, %c0_i32_0 : i32, i32, i32
  }
}

module attributes {stable_mosaic.version = 14 : i64} {
  func.func @_tc1_body(%arg0: i32, %arg1: memref<1x5000x85xf32, #tpu.memory_space<vmem>>, %arg2: memref<1x1024x6xf32, #tpu.memory_space<vmem>>, %arg3: memref<1x1024x64xf32, #tpu.memory_space<vmem>>, %arg4: memref<1x1x64xf32, #tpu.memory_space<vmem>>, %arg5: memref<5120x1xf32, #tpu.memory_space<vmem>>, %arg6: memref<5120x1xf32, #tpu.memory_space<vmem>>, %arg7: memref<5120x128xi32, #tpu.memory_space<vmem>>) attributes {dimension_semantics = [#tpu.dimension_semantics<arbitrary>], iteration_bounds = array<i64: 8>, scalar_prefetch = 0 : i64, scratch_operands = 3 : i64, tpu.core_type = #tpu.core_type<tc>, window_params = [{transform_indices = @transform_0, window_bounds = array<i64: 1, 5000, 85>}, {transform_indices = @transform_1, window_bounds = array<i64: 1, 1024, 6>}, {transform_indices = @transform_2, window_bounds = array<i64: 1, 1024, 64>}, {transform_indices = @transform_3, window_bounds = array<i64: 1, 1, 64>}]} {
    %get3A = arith.constant 0 : index
    %get3A_0 = arith.constant 0 : index
    %get3A_1 = arith.constant 0 : index
    %get3A_2 = vector.load %arg1[%get3A, %get3A_0, %get3A_1] : memref<1x5000x85xf32, #tpu.memory_space<vmem>>, vector<1x5000x85xf32>
    %get3A_3 = vector.shape_cast %get3A_2 : vector<1x5000x85xf32> to vector<5000x85xf32>
    %slice3A = vector.extract_strided_slice %get3A_3 {offsets = [0, 4], sizes = [5000, 1], strides = [1, 1]} : vector<5000x85xf32> to vector<5000x1xf32>
    %slice3A_4 = vector.extract_strided_slice %get3A_3 {offsets = [0, 5], sizes = [5000, 80], strides = [1, 1]} : vector<5000x85xf32> to vector<5000x80xf32>
    %mul3A = vector.broadcast %slice3A : vector<5000x1xf32> to vector<5000x80xf32>
    %mul3A_5 = arith.mulf %slice3A_4, %mul3A : vector<5000x80xf32>
    %reduce_max3A = arith.constant dense<0xFF800000> : vector<5000xf32>
    %reduce_max3A_6 = vector.multi_reduction <maximumf>, %mul3A_5, %reduce_max3A [1] : vector<5000x80xf32> to vector<5000xf32>
    %broadcast_in_dim3A = vector.shape_cast %reduce_max3A_6 : vector<5000xf32> to vector<5000x1xf32>
    %iota3A = tpu.iota {dimensions = array<i32: 1>} : vector<5000x80xi32>
    %convert_element_type3A = arith.sitofp %iota3A : vector<5000x80xi32> to vector<5000x80xf32>
    %eq3A = vector.broadcast %broadcast_in_dim3A : vector<5000x1xf32> to vector<5000x80xf32>
    %eq3A_7 = arith.cmpf oeq, %mul3A_5, %eq3A : vector<5000x80xf32>
    %jit3A = arith.constant 1.000000e+09 : f32
    %broadcast_in_dim3A_8 = vector.broadcast %jit3A : f32 to vector<5000x80xf32>
    %select_n3A = arith.select %eq3A_7, %convert_element_type3A, %broadcast_in_dim3A_8 : vector<5000x80xi1>, vector<5000x80xf32>
    %reduce_min3A = arith.constant dense<0x7F800000> : vector<5000xf32>
    %reduce_min3A_9 = vector.multi_reduction <minimumf>, %select_n3A, %reduce_min3A [1] : vector<5000x80xf32> to vector<5000xf32>
    %broadcast_in_dim3A_10 = vector.shape_cast %reduce_min3A_9 : vector<5000xf32> to vector<5000x1xf32>
    %gt3A = arith.constant 2.500000e-01 : f32
    %gt3A_11 = vector.broadcast %gt3A : f32 to vector<5000x1xf32>
    %gt3A_12 = arith.cmpf ogt, %broadcast_in_dim3A, %gt3A_11 : vector<5000x1xf32>
    %jit3A_13 = arith.constant 0.000000e+00 : f32
    %broadcast_in_dim3A_14 = vector.broadcast %jit3A_13 : f32 to vector<5000x1xf32>
    %select_n3A_15 = arith.select %gt3A_12, %broadcast_in_dim3A, %broadcast_in_dim3A_14 : vector<5000x1xi1>, vector<5000x1xf32>
    %broadcast_in_dim3A_16 = arith.constant -1.000000e+00 : f32
    %broadcast_in_dim3A_17 = vector.broadcast %broadcast_in_dim3A_16 : f32 to vector<120x1xf32>
    %concatenate3A = tpu.concatenate %select_n3A_15, %broadcast_in_dim3A_17 in 0 : vector<5000x1xf32>, vector<120x1xf32> -> vector<5120x1xf32>
    %swap3A = arith.constant 0 : index
    %swap3A_18 = arith.constant 0 : index
    %swap3A_19 = vector.load %arg5[%swap3A, %swap3A_18] : memref<5120x1xf32, #tpu.memory_space<vmem>>, vector<5120x1xf32>
    tpu.vector_store %arg5[%swap3A, %swap3A_18], %concatenate3A {strides = array<i32>} : memref<5120x1xf32, #tpu.memory_space<vmem>>, vector<5120x1xf32>,
    %iota3A_20 = tpu.iota {dimensions = array<i32: 0>} : vector<128x128xi32>
    %iota3A_21 = tpu.iota {dimensions = array<i32: 1>} : vector<128x128xi32>
    %eq3A_22 = arith.cmpi eq, %iota3A_20, %iota3A_21 : vector<128x128xi32>
    %convert_element_type3A_23 = arith.extui %eq3A_22 : vector<128x128xi1> to vector<128x128xi32>
    %get3A_24 = arith.constant 0 : index
    %get3A_25 = arith.constant 0 : index
    %get3A_26 = vector.load %arg5[%get3A_24, %get3A_25] : memref<5120x1xf32, #tpu.memory_space<vmem>>, vector<5120x1xf32>
    %bitcast_convert_type3A = tpu.bitcast %get3A_26 : vector<5120x1xf32> -> vector<5120x1xi32>
    %iota3A_27 = tpu.iota {dimensions = array<i32: 0>} : vector<5120x128xi32>
    %iota3A_28 = tpu.iota {dimensions = array<i32: 1>} : vector<5120x128xi32>
    %broadcast_in_dim3A_29 = arith.constant 0 : i32
    %broadcast_in_dim3A_30 = vector.broadcast %broadcast_in_dim3A_29 : i32 to vector<5120x128xi32>
    %swap3A_31 = arith.constant 0 : index
    %swap3A_32 = arith.constant 0 : index
    %swap3A_33 = vector.load %arg7[%swap3A_31, %swap3A_32] : memref<5120x128xi32, #tpu.memory_space<vmem>>, vector<5120x128xi32>
    tpu.vector_store %arg7[%swap3A_31, %swap3A_32], %broadcast_in_dim3A_30 {strides = array<i32>} : memref<5120x128xi32, #tpu.memory_space<vmem>>, vector<5120x128xi32>,
    %scan3A = arith.constant 0 : i32
    %scan3A_34 = arith.constant 40 : i32
    %scan3A_35 = arith.addi %scan3A, %scan3A_34 : i32
    %scan3A_36 = arith.constant 1 : i32
    scf.for %scan3A_1225 = %scan3A to %scan3A_35 step %scan3A_36  : i32 {
      %mul3A_1226 = arith.constant 128 : i32
      %mul3A_1227 = arith.muli %scan3A_1225, %mul3A_1226 : i32
      %multiple_of3A = tpu.assume_multiple %mul3A_1227, 128 : i32
      %get3A_1228 = arith.index_cast %multiple_of3A : i32 to index
      %get3A_1229 = arith.constant 0 : index
      %get3A_1230 = vector.load %arg5[%get3A_1228, %get3A_1229] : memref<5120x1xf32, #tpu.memory_space<vmem>>, vector<128x1xf32>
      %bitcast_convert_type3A_1231 = tpu.bitcast %get3A_1230 : vector<128x1xf32> -> vector<128x1xi32>
      %mul3A_1232 = vector.broadcast %bitcast_convert_type3A_1231 : vector<128x1xi32> to vector<128x128xi32>
      %mul3A_1233 = arith.muli %mul3A_1232, %convert_element_type3A_23 : vector<128x128xi32>
      %reduce_sum3A_1234 = arith.constant dense<0> : vector<128xi32>
      %reduce_sum3A_1235 = vector.multi_reduction <add>, %mul3A_1233, %reduce_sum3A_1234 [0] : vector<128x128xi32> to vector<128xi32>
      %broadcast_in_dim3A_1236 = vector.shape_cast %reduce_sum3A_1235 : vector<128xi32> to vector<1x128xi32>
      %gt3A_1237 = vector.broadcast %broadcast_in_dim3A_1236 : vector<1x128xi32> to vector<5120x128xi32>
      %gt3A_1238 = vector.broadcast %bitcast_convert_type3A : vector<5120x1xi32> to vector<5120x128xi32>
      %gt3A_1239 = arith.cmpi sgt, %gt3A_1237, %gt3A_1238 : vector<5120x128xi32>
      %ge3A = vector.broadcast %broadcast_in_dim3A_1236 : vector<1x128xi32> to vector<5120x128xi32>
      %ge3A_1240 = vector.broadcast %bitcast_convert_type3A : vector<5120x1xi32> to vector<5120x128xi32>
      %ge3A_1241 = arith.cmpi sge, %ge3A, %ge3A_1240 : vector<5120x128xi32>
      %mul3A_1242 = arith.constant 128 : i32
      %mul3A_1243 = arith.muli %scan3A_1225, %mul3A_1242 : i32
      %add3A_1244 = vector.broadcast %mul3A_1243 : i32 to vector<5120x128xi32>
      %add3A_1245 = arith.addi %iota3A_28, %add3A_1244 : vector<5120x128xi32>
      %lt3A_1246 = arith.cmpi slt, %add3A_1245, %iota3A_27 : vector<5120x128xi32>
      %and3A_1247 = arith.andi %ge3A_1241, %lt3A_1246 : vector<5120x128xi1>
      %or3A = arith.ori %gt3A_1239, %and3A_1247 : vector<5120x128xi1>
      %get3A_1248 = arith.constant 0 : index
      %get3A_1249 = arith.constant 0 : index
      %get3A_1250 = vector.load %arg7[%get3A_1248, %get3A_1249] : memref<5120x128xi32, #tpu.memory_space<vmem>>, vector<5120x128xi32>
      %convert_element_type3A_1251 = arith.extui %or3A : vector<5120x128xi1> to vector<5120x128xi32>
      %add3A_1252 = arith.addi %get3A_1250, %convert_element_type3A_1251 : vector<5120x128xi32>
      %swap3A_1253 = arith.constant 0 : index
      %swap3A_1254 = arith.constant 0 : index
      %swap3A_1255 = vector.load %arg7[%swap3A_1253, %swap3A_1254] : memref<5120x128xi32, #tpu.memory_space<vmem>>, vector<5120x128xi32>
      tpu.vector_store %arg7[%swap3A_1253, %swap3A_1254], %add3A_1252 {strides = array<i32>} : memref<5120x128xi32, #tpu.memory_space<vmem>>, vector<5120x128xi32>,
    }
    %scan3A_37 = arith.constant 40 : i32
    %get3A_38 = arith.constant 0 : index
    %get3A_39 = arith.constant 0 : index
    %get3A_40 = vector.load %arg7[%get3A_38, %get3A_39] : memref<5120x128xi32, #tpu.memory_space<vmem>>, vector<5120x128xi32>
    %reduce_sum3A = arith.constant dense<0> : vector<5120xi32>
    %reduce_sum3A_41 = vector.multi_reduction <add>, %get3A_40, %reduce_sum3A [1] : vector<5120x128xi32> to vector<5120xi32>
    %broadcast_in_dim3A_42 = vector.shape_cast %reduce_sum3A_41 : vector<5120xi32> to vector<5120x1xi32>
    %convert_element_type3A_43 = arith.sitofp %broadcast_in_dim3A_42 : vector<5120x1xi32> to vector<5120x1xf32>
    %swap3A_44 = arith.constant 0 : index
    %swap3A_45 = arith.constant 0 : index
    %swap3A_46 = vector.load %arg6[%swap3A_44, %swap3A_45] : memref<5120x1xf32, #tpu.memory_space<vmem>>, vector<5120x1xf32>
    tpu.vector_store %arg6[%swap3A_44, %swap3A_45], %convert_element_type3A_43 {strides = array<i32>} : memref<5120x1xf32, #tpu.memory_space<vmem>>, vector<5120x1xf32>,
    %get3A_47 = arith.constant 0 : index
    %get3A_48 = arith.constant 0 : index
    %get3A_49 = vector.load %arg6[%get3A_47, %get3A_48] : memref<5120x1xf32, #tpu.memory_space<vmem>>, vector<5120x1xf32>
    %iota3A_50 = tpu.iota {dimensions = array<i32: 0>} : vector<128x128xi32>
    %iota3A_51 = tpu.iota {dimensions = array<i32: 1>} : vector<128x128xi32>
    %eq3A_52 = arith.cmpi eq, %iota3A_50, %iota3A_51 : vector<128x128xi32>
    %convert_element_type3A_53 = arith.extui %eq3A_52 : vector<128x128xi1> to vector<128x128xi32>
    %convert_element_type3A_54 = arith.sitofp %convert_element_type3A_53 : vector<128x128xi32> to vector<128x128xf32>
    %slice3A_55 = vector.extract_strided_slice %get3A_49 {offsets = [0, 0], sizes = [128, 1], strides = [1, 1]} : vector<5120x1xf32> to vector<128x1xf32>
    %mul3A_56 = vector.broadcast %slice3A_55 : vector<128x1xf32> to vector<128x128xf32>
    %mul3A_57 = arith.mulf %mul3A_56, %convert_element_type3A_54 : vector<128x128xf32>
    %reduce_sum3A_58 = arith.constant dense<0.000000e+00> : vector<128xf32>
    %reduce_sum3A_59 = vector.multi_reduction <add>, %mul3A_57, %reduce_sum3A_58 [0] : vector<128x128xf32> to vector<128xf32>
    %broadcast_in_dim3A_60 = vector.shape_cast %reduce_sum3A_59 : vector<128xf32> to vector<1x128xf32>
    %slice3A_61 = vector.extract_strided_slice %get3A_49 {offsets = [128, 0], sizes = [128, 1], strides = [1, 1]} : vector<5120x1xf32> to vector<128x1xf32>
    %mul3A_62 = vector.broadcast %slice3A_61 : vector<128x1xf32> to vector<128x128xf32>
    %mul3A_63 = arith.mulf %mul3A_62, %convert_element_type3A_54 : vector<128x128xf32>
    %reduce_sum3A_64 = arith.constant dense<0.000000e+00> : vector<128xf32>
    %reduce_sum3A_65 = vector.multi_reduction <add>, %mul3A_63, %reduce_sum3A_64 [0] : vector<128x128xf32> to vector<128xf32>
    %broadcast_in_dim3A_66 = vector.shape_cast %reduce_sum3A_65 : vector<128xf32> to vector<1x128xf32>
    %slice3A_67 = vector.extract_strided_slice %get3A_49 {offsets = [256, 0], sizes = [128, 1], strides = [1, 1]} : vector<5120x1xf32> to vector<128x1xf32>
    %mul3A_68 = vector.broadcast %slice3A_67 : vector<128x1xf32> to vector<128x128xf32>
    %mul3A_69 = arith.mulf %mul3A_68, %convert_element_type3A_54 : vector<128x128xf32>
    %reduce_sum3A_70 = arith.constant dense<0.000000e+00> : vector<128xf32>
    %reduce_sum3A_71 = vector.multi_reduction <add>, %mul3A_69, %reduce_sum3A_70 [0] : vector<128x128xf32> to vector<128xf32>
    %broadcast_in_dim3A_72 = vector.shape_cast %reduce_sum3A_71 : vector<128xf32> to vector<1x128xf32>
    %slice3A_73 = vector.extract_strided_slice %get3A_49 {offsets = [384, 0], sizes = [128, 1], strides = [1, 1]} : vector<5120x1xf32> to vector<128x1xf32>
    %mul3A_74 = vector.broadcast %slice3A_73 : vector<128x1xf32> to vector<128x128xf32>
    %mul3A_75 = arith.mulf %mul3A_74, %convert_element_type3A_54 : vector<128x128xf32>
    %reduce_sum3A_76 = arith.constant dense<0.000000e+00> : vector<128xf32>
    %reduce_sum3A_77 = vector.multi_reduction <add>, %mul3A_75, %reduce_sum3A_76 [0] : vector<128x128xf32> to vector<128xf32>
    %broadcast_in_dim3A_78 = vector.shape_cast %reduce_sum3A_77 : vector<128xf32> to vector<1x128xf32>
    %slice3A_79 = vector.extract_strided_slice %get3A_49 {offsets = [512, 0], sizes = [128, 1], strides = [1, 1]} : vector<5120x1xf32> to vector<128x1xf32>
    %mul3A_80 = vector.broadcast %slice3A_79 : vector<128x1xf32> to vector<128x128xf32>
    %mul3A_81 = arith.mulf %mul3A_80, %convert_element_type3A_54 : vector<128x128xf32>
    %reduce_sum3A_82 = arith.constant dense<0.000000e+00> : vector<128xf32>
    %reduce_sum3A_83 = vector.multi_reduction <add>, %mul3A_81, %reduce_sum3A_82 [0] : vector<128x128xf32> to vector<128xf32>
    %broadcast_in_dim3A_84 = vector.shape_cast %reduce_sum3A_83 : vector<128xf32> to vector<1x128xf32>
    %slice3A_85 = vector.extract_strided_slice %get3A_49 {offsets = [640, 0], sizes = [128, 1], strides = [1, 1]} : vector<5120x1xf32> to vector<128x1xf32>
    %mul3A_86 = vector.broadcast %slice3A_85 : vector<128x1xf32> to vector<128x128xf32>
    %mul3A_87 = arith.mulf %mul3A_86, %convert_element_type3A_54 : vector<128x128xf32>
    %reduce_sum3A_88 = arith.constant dense<0.000000e+00> : vector<128xf32>
    %reduce_sum3A_89 = vector.multi_reduction <add>, %mul3A_87, %reduce_sum3A_88 [0] : vector<128x128xf32> to vector<128xf32>
    %broadcast_in_dim3A_90 = vector.shape_cast %reduce_sum3A_89 : vector<128xf32> to vector<1x128xf32>
    %slice3A_91 = vector.extract_strided_slice %get3A_49 {offsets = [768, 0], sizes = [128, 1], strides = [1, 1]} : vector<5120x1xf32> to vector<128x1xf32>
    %mul3A_92 = vector.broadcast %slice3A_91 : vector<128x1xf32> to vector<128x128xf32>
    %mul3A_93 = arith.mulf %mul3A_92, %convert_element_type3A_54 : vector<128x128xf32>
    %reduce_sum3A_94 = arith.constant dense<0.000000e+00> : vector<128xf32>
    %reduce_sum3A_95 = vector.multi_reduction <add>, %mul3A_93, %reduce_sum3A_94 [0] : vector<128x128xf32> to vector<128xf32>
    %broadcast_in_dim3A_96 = vector.shape_cast %reduce_sum3A_95 : vector<128xf32> to vector<1x128xf32>
    %slice3A_97 = vector.extract_strided_slice %get3A_49 {offsets = [896, 0], sizes = [128, 1], strides = [1, 1]} : vector<5120x1xf32> to vector<128x1xf32>
    %mul3A_98 = vector.broadcast %slice3A_97 : vector<128x1xf32> to vector<128x128xf32>
    %mul3A_99 = arith.mulf %mul3A_98, %convert_element_type3A_54 : vector<128x128xf32>
    %reduce_sum3A_100 = arith.constant dense<0.000000e+00> : vector<128xf32>
    %reduce_sum3A_101 = vector.multi_reduction <add>, %mul3A_99, %reduce_sum3A_100 [0] : vector<128x128xf32> to vector<128xf32>
    %broadcast_in_dim3A_102 = vector.shape_cast %reduce_sum3A_101 : vector<128xf32> to vector<1x128xf32>
    %slice3A_103 = vector.extract_strided_slice %get3A_49 {offsets = [1024, 0], sizes = [128, 1], strides = [1, 1]} : vector<5120x1xf32> to vector<128x1xf32>
    %mul3A_104 = vector.broadcast %slice3A_103 : vector<128x1xf32> to vector<128x128xf32>
    %mul3A_105 = arith.mulf %mul3A_104, %convert_element_type3A_54 : vector<128x128xf32>
    %reduce_sum3A_106 = arith.constant dense<0.000000e+00> : vector<128xf32>
    %reduce_sum3A_107 = vector.multi_reduction <add>, %mul3A_105, %reduce_sum3A_106 [0] : vector<128x128xf32> to vector<128xf32>
    %broadcast_in_dim3A_108 = vector.shape_cast %reduce_sum3A_107 : vector<128xf32> to vector<1x128xf32>
    %slice3A_109 = vector.extract_strided_slice %get3A_49 {offsets = [1152, 0], sizes = [128, 1], strides = [1, 1]} : vector<5120x1xf32> to vector<128x1xf32>
    %mul3A_110 = vector.broadcast %slice3A_109 : vector<128x1xf32> to vector<128x128xf32>
    %mul3A_111 = arith.mulf %mul3A_110, %convert_element_type3A_54 : vector<128x128xf32>
    %reduce_sum3A_112 = arith.constant dense<0.000000e+00> : vector<128xf32>
    %reduce_sum3A_113 = vector.multi_reduction <add>, %mul3A_111, %reduce_sum3A_112 [0] : vector<128x128xf32> to vector<128xf32>
    %broadcast_in_dim3A_114 = vector.shape_cast %reduce_sum3A_113 : vector<128xf32> to vector<1x128xf32>
    %slice3A_115 = vector.extract_strided_slice %get3A_49 {offsets = [1280, 0], sizes = [128, 1], strides = [1, 1]} : vector<5120x1xf32> to vector<128x1xf32>
    %mul3A_116 = vector.broadcast %slice3A_115 : vector<128x1xf32> to vector<128x128xf32>
    %mul3A_117 = arith.mulf %mul3A_116, %convert_element_type3A_54 : vector<128x128xf32>
    %reduce_sum3A_118 = arith.constant dense<0.000000e+00> : vector<128xf32>
    %reduce_sum3A_119 = vector.multi_reduction <add>, %mul3A_117, %reduce_sum3A_118 [0] : vector<128x128xf32> to vector<128xf32>
    %broadcast_in_dim3A_120 = vector.shape_cast %reduce_sum3A_119 : vector<128xf32> to vector<1x128xf32>
    %slice3A_121 = vector.extract_strided_slice %get3A_49 {offsets = [1408, 0], sizes = [128, 1], strides = [1, 1]} : vector<5120x1xf32> to vector<128x1xf32>
    %mul3A_122 = vector.broadcast %slice3A_121 : vector<128x1xf32> to vector<128x128xf32>
    %mul3A_123 = arith.mulf %mul3A_122, %convert_element_type3A_54 : vector<128x128xf32>
    %reduce_sum3A_124 = arith.constant dense<0.000000e+00> : vector<128xf32>
    %reduce_sum3A_125 = vector.multi_reduction <add>, %mul3A_123, %reduce_sum3A_124 [0] : vector<128x128xf32> to vector<128xf32>
    %broadcast_in_dim3A_126 = vector.shape_cast %reduce_sum3A_125 : vector<128xf32> to vector<1x128xf32>
    %slice3A_127 = vector.extract_strided_slice %get3A_49 {offsets = [1536, 0], sizes = [128, 1], strides = [1, 1]} : vector<5120x1xf32> to vector<128x1xf32>
    %mul3A_128 = vector.broadcast %slice3A_127 : vector<128x1xf32> to vector<128x128xf32>
    %mul3A_129 = arith.mulf %mul3A_128, %convert_element_type3A_54 : vector<128x128xf32>
    %reduce_sum3A_130 = arith.constant dense<0.000000e+00> : vector<128xf32>
    %reduce_sum3A_131 = vector.multi_reduction <add>, %mul3A_129, %reduce_sum3A_130 [0] : vector<128x128xf32> to vector<128xf32>
    %broadcast_in_dim3A_132 = vector.shape_cast %reduce_sum3A_131 : vector<128xf32> to vector<1x128xf32>
    %slice3A_133 = vector.extract_strided_slice %get3A_49 {offsets = [1664, 0], sizes = [128, 1], strides = [1, 1]} : vector<5120x1xf32> to vector<128x1xf32>
    %mul3A_134 = vector.broadcast %slice3A_133 : vector<128x1xf32> to vector<128x128xf32>
    %mul3A_135 = arith.mulf %mul3A_134, %convert_element_type3A_54 : vector<128x128xf32>
    %reduce_sum3A_136 = arith.constant dense<0.000000e+00> : vector<128xf32>
    %reduce_sum3A_137 = vector.multi_reduction <add>, %mul3A_135, %reduce_sum3A_136 [0] : vector<128x128xf32> to vector<128xf32>
    %broadcast_in_dim3A_138 = vector.shape_cast %reduce_sum3A_137 : vector<128xf32> to vector<1x128xf32>
    %slice3A_139 = vector.extract_strided_slice %get3A_49 {offsets = [1792, 0], sizes = [128, 1], strides = [1, 1]} : vector<5120x1xf32> to vector<128x1xf32>
    %mul3A_140 = vector.broadcast %slice3A_139 : vector<128x1xf32> to vector<128x128xf32>
    %mul3A_141 = arith.mulf %mul3A_140, %convert_element_type3A_54 : vector<128x128xf32>
    %reduce_sum3A_142 = arith.constant dense<0.000000e+00> : vector<128xf32>
    %reduce_sum3A_143 = vector.multi_reduction <add>, %mul3A_141, %reduce_sum3A_142 [0] : vector<128x128xf32> to vector<128xf32>
    %broadcast_in_dim3A_144 = vector.shape_cast %reduce_sum3A_143 : vector<128xf32> to vector<1x128xf32>
    %slice3A_145 = vector.extract_strided_slice %get3A_49 {offsets = [1920, 0], sizes = [128, 1], strides = [1, 1]} : vector<5120x1xf32> to vector<128x1xf32>
    %mul3A_146 = vector.broadcast %slice3A_145 : vector<128x1xf32> to vector<128x128xf32>
    %mul3A_147 = arith.mulf %mul3A_146, %convert_element_type3A_54 : vector<128x128xf32>
    %reduce_sum3A_148 = arith.constant dense<0.000000e+00> : vector<128xf32>
    %reduce_sum3A_149 = vector.multi_reduction <add>, %mul3A_147, %reduce_sum3A_148 [0] : vector<128x128xf32> to vector<128xf32>
    %broadcast_in_dim3A_150 = vector.shape_cast %reduce_sum3A_149 : vector<128xf32> to vector<1x128xf32>
    %slice3A_151 = vector.extract_strided_slice %get3A_49 {offsets = [2048, 0], sizes = [128, 1], strides = [1, 1]} : vector<5120x1xf32> to vector<128x1xf32>
    %mul3A_152 = vector.broadcast %slice3A_151 : vector<128x1xf32> to vector<128x128xf32>
    %mul3A_153 = arith.mulf %mul3A_152, %convert_element_type3A_54 : vector<128x128xf32>
    %reduce_sum3A_154 = arith.constant dense<0.000000e+00> : vector<128xf32>
    %reduce_sum3A_155 = vector.multi_reduction <add>, %mul3A_153, %reduce_sum3A_154 [0] : vector<128x128xf32> to vector<128xf32>
    %broadcast_in_dim3A_156 = vector.shape_cast %reduce_sum3A_155 : vector<128xf32> to vector<1x128xf32>
    %slice3A_157 = vector.extract_strided_slice %get3A_49 {offsets = [2176, 0], sizes = [128, 1], strides = [1, 1]} : vector<5120x1xf32> to vector<128x1xf32>
    %mul3A_158 = vector.broadcast %slice3A_157 : vector<128x1xf32> to vector<128x128xf32>
    %mul3A_159 = arith.mulf %mul3A_158, %convert_element_type3A_54 : vector<128x128xf32>
    %reduce_sum3A_160 = arith.constant dense<0.000000e+00> : vector<128xf32>
    %reduce_sum3A_161 = vector.multi_reduction <add>, %mul3A_159, %reduce_sum3A_160 [0] : vector<128x128xf32> to vector<128xf32>
    %broadcast_in_dim3A_162 = vector.shape_cast %reduce_sum3A_161 : vector<128xf32> to vector<1x128xf32>
    %slice3A_163 = vector.extract_strided_slice %get3A_49 {offsets = [2304, 0], sizes = [128, 1], strides = [1, 1]} : vector<5120x1xf32> to vector<128x1xf32>
    %mul3A_164 = vector.broadcast %slice3A_163 : vector<128x1xf32> to vector<128x128xf32>
    %mul3A_165 = arith.mulf %mul3A_164, %convert_element_type3A_54 : vector<128x128xf32>
    %reduce_sum3A_166 = arith.constant dense<0.000000e+00> : vector<128xf32>
    %reduce_sum3A_167 = vector.multi_reduction <add>, %mul3A_165, %reduce_sum3A_166 [0] : vector<128x128xf32> to vector<128xf32>
    %broadcast_in_dim3A_168 = vector.shape_cast %reduce_sum3A_167 : vector<128xf32> to vector<1x128xf32>
    %slice3A_169 = vector.extract_strided_slice %get3A_49 {offsets = [2432, 0], sizes = [128, 1], strides = [1, 1]} : vector<5120x1xf32> to vector<128x1xf32>
    %mul3A_170 = vector.broadcast %slice3A_169 : vector<128x1xf32> to vector<128x128xf32>
    %mul3A_171 = arith.mulf %mul3A_170, %convert_element_type3A_54 : vector<128x128xf32>
    %reduce_sum3A_172 = arith.constant dense<0.000000e+00> : vector<128xf32>
    %reduce_sum3A_173 = vector.multi_reduction <add>, %mul3A_171, %reduce_sum3A_172 [0] : vector<128x128xf32> to vector<128xf32>
    %broadcast_in_dim3A_174 = vector.shape_cast %reduce_sum3A_173 : vector<128xf32> to vector<1x128xf32>
    %slice3A_175 = vector.extract_strided_slice %get3A_49 {offsets = [2560, 0], sizes = [128, 1], strides = [1, 1]} : vector<5120x1xf32> to vector<128x1xf32>
    %mul3A_176 = vector.broadcast %slice3A_175 : vector<128x1xf32> to vector<128x128xf32>
    %mul3A_177 = arith.mulf %mul3A_176, %convert_element_type3A_54 : vector<128x128xf32>
    %reduce_sum3A_178 = arith.constant dense<0.000000e+00> : vector<128xf32>
    %reduce_sum3A_179 = vector.multi_reduction <add>, %mul3A_177, %reduce_sum3A_178 [0] : vector<128x128xf32> to vector<128xf32>
    %broadcast_in_dim3A_180 = vector.shape_cast %reduce_sum3A_179 : vector<128xf32> to vector<1x128xf32>
    %slice3A_181 = vector.extract_strided_slice %get3A_49 {offsets = [2688, 0], sizes = [128, 1], strides = [1, 1]} : vector<5120x1xf32> to vector<128x1xf32>
    %mul3A_182 = vector.broadcast %slice3A_181 : vector<128x1xf32> to vector<128x128xf32>
    %mul3A_183 = arith.mulf %mul3A_182, %convert_element_type3A_54 : vector<128x128xf32>
    %reduce_sum3A_184 = arith.constant dense<0.000000e+00> : vector<128xf32>
    %reduce_sum3A_185 = vector.multi_reduction <add>, %mul3A_183, %reduce_sum3A_184 [0] : vector<128x128xf32> to vector<128xf32>
    %broadcast_in_dim3A_186 = vector.shape_cast %reduce_sum3A_185 : vector<128xf32> to vector<1x128xf32>
    %slice3A_187 = vector.extract_strided_slice %get3A_49 {offsets = [2816, 0], sizes = [128, 1], strides = [1, 1]} : vector<5120x1xf32> to vector<128x1xf32>
    %mul3A_188 = vector.broadcast %slice3A_187 : vector<128x1xf32> to vector<128x128xf32>
    %mul3A_189 = arith.mulf %mul3A_188, %convert_element_type3A_54 : vector<128x128xf32>
    %reduce_sum3A_190 = arith.constant dense<0.000000e+00> : vector<128xf32>
    %reduce_sum3A_191 = vector.multi_reduction <add>, %mul3A_189, %reduce_sum3A_190 [0] : vector<128x128xf32> to vector<128xf32>
    %broadcast_in_dim3A_192 = vector.shape_cast %reduce_sum3A_191 : vector<128xf32> to vector<1x128xf32>
    %slice3A_193 = vector.extract_strided_slice %get3A_49 {offsets = [2944, 0], sizes = [128, 1], strides = [1, 1]} : vector<5120x1xf32> to vector<128x1xf32>
    %mul3A_194 = vector.broadcast %slice3A_193 : vector<128x1xf32> to vector<128x128xf32>
    %mul3A_195 = arith.mulf %mul3A_194, %convert_element_type3A_54 : vector<128x128xf32>
    %reduce_sum3A_196 = arith.constant dense<0.000000e+00> : vector<128xf32>
    %reduce_sum3A_197 = vector.multi_reduction <add>, %mul3A_195, %reduce_sum3A_196 [0] : vector<128x128xf32> to vector<128xf32>
    %broadcast_in_dim3A_198 = vector.shape_cast %reduce_sum3A_197 : vector<128xf32> to vector<1x128xf32>
    %slice3A_199 = vector.extract_strided_slice %get3A_49 {offsets = [3072, 0], sizes = [128, 1], strides = [1, 1]} : vector<5120x1xf32> to vector<128x1xf32>
    %mul3A_200 = vector.broadcast %slice3A_199 : vector<128x1xf32> to vector<128x128xf32>
    %mul3A_201 = arith.mulf %mul3A_200, %convert_element_type3A_54 : vector<128x128xf32>
    %reduce_sum3A_202 = arith.constant dense<0.000000e+00> : vector<128xf32>
    %reduce_sum3A_203 = vector.multi_reduction <add>, %mul3A_201, %reduce_sum3A_202 [0] : vector<128x128xf32> to vector<128xf32>
    %broadcast_in_dim3A_204 = vector.shape_cast %reduce_sum3A_203 : vector<128xf32> to vector<1x128xf32>
    %slice3A_205 = vector.extract_strided_slice %get3A_49 {offsets = [3200, 0], sizes = [128, 1], strides = [1, 1]} : vector<5120x1xf32> to vector<128x1xf32>
    %mul3A_206 = vector.broadcast %slice3A_205 : vector<128x1xf32> to vector<128x128xf32>
    %mul3A_207 = arith.mulf %mul3A_206, %convert_element_type3A_54 : vector<128x128xf32>
    %reduce_sum3A_208 = arith.constant dense<0.000000e+00> : vector<128xf32>
    %reduce_sum3A_209 = vector.multi_reduction <add>, %mul3A_207, %reduce_sum3A_208 [0] : vector<128x128xf32> to vector<128xf32>
    %broadcast_in_dim3A_210 = vector.shape_cast %reduce_sum3A_209 : vector<128xf32> to vector<1x128xf32>
    %slice3A_211 = vector.extract_strided_slice %get3A_49 {offsets = [3328, 0], sizes = [128, 1], strides = [1, 1]} : vector<5120x1xf32> to vector<128x1xf32>
    %mul3A_212 = vector.broadcast %slice3A_211 : vector<128x1xf32> to vector<128x128xf32>
    %mul3A_213 = arith.mulf %mul3A_212, %convert_element_type3A_54 : vector<128x128xf32>
    %reduce_sum3A_214 = arith.constant dense<0.000000e+00> : vector<128xf32>
    %reduce_sum3A_215 = vector.multi_reduction <add>, %mul3A_213, %reduce_sum3A_214 [0] : vector<128x128xf32> to vector<128xf32>
    %broadcast_in_dim3A_216 = vector.shape_cast %reduce_sum3A_215 : vector<128xf32> to vector<1x128xf32>
    %slice3A_217 = vector.extract_strided_slice %get3A_49 {offsets = [3456, 0], sizes = [128, 1], strides = [1, 1]} : vector<5120x1xf32> to vector<128x1xf32>
    %mul3A_218 = vector.broadcast %slice3A_217 : vector<128x1xf32> to vector<128x128xf32>
    %mul3A_219 = arith.mulf %mul3A_218, %convert_element_type3A_54 : vector<128x128xf32>
    %reduce_sum3A_220 = arith.constant dense<0.000000e+00> : vector<128xf32>
    %reduce_sum3A_221 = vector.multi_reduction <add>, %mul3A_219, %reduce_sum3A_220 [0] : vector<128x128xf32> to vector<128xf32>
    %broadcast_in_dim3A_222 = vector.shape_cast %reduce_sum3A_221 : vector<128xf32> to vector<1x128xf32>
    %slice3A_223 = vector.extract_strided_slice %get3A_49 {offsets = [3584, 0], sizes = [128, 1], strides = [1, 1]} : vector<5120x1xf32> to vector<128x1xf32>
    %mul3A_224 = vector.broadcast %slice3A_223 : vector<128x1xf32> to vector<128x128xf32>
    %mul3A_225 = arith.mulf %mul3A_224, %convert_element_type3A_54 : vector<128x128xf32>
    %reduce_sum3A_226 = arith.constant dense<0.000000e+00> : vector<128xf32>
    %reduce_sum3A_227 = vector.multi_reduction <add>, %mul3A_225, %reduce_sum3A_226 [0] : vector<128x128xf32> to vector<128xf32>
    %broadcast_in_dim3A_228 = vector.shape_cast %reduce_sum3A_227 : vector<128xf32> to vector<1x128xf32>
    %slice3A_229 = vector.extract_strided_slice %get3A_49 {offsets = [3712, 0], sizes = [128, 1], strides = [1, 1]} : vector<5120x1xf32> to vector<128x1xf32>
    %mul3A_230 = vector.broadcast %slice3A_229 : vector<128x1xf32> to vector<128x128xf32>
    %mul3A_231 = arith.mulf %mul3A_230, %convert_element_type3A_54 : vector<128x128xf32>
    %reduce_sum3A_232 = arith.constant dense<0.000000e+00> : vector<128xf32>
    %reduce_sum3A_233 = vector.multi_reduction <add>, %mul3A_231, %reduce_sum3A_232 [0] : vector<128x128xf32> to vector<128xf32>
    %broadcast_in_dim3A_234 = vector.shape_cast %reduce_sum3A_233 : vector<128xf32> to vector<1x128xf32>
    %slice3A_235 = vector.extract_strided_slice %get3A_49 {offsets = [3840, 0], sizes = [128, 1], strides = [1, 1]} : vector<5120x1xf32> to vector<128x1xf32>
    %mul3A_236 = vector.broadcast %slice3A_235 : vector<128x1xf32> to vector<128x128xf32>
    %mul3A_237 = arith.mulf %mul3A_236, %convert_element_type3A_54 : vector<128x128xf32>
    %reduce_sum3A_238 = arith.constant dense<0.000000e+00> : vector<128xf32>
    %reduce_sum3A_239 = vector.multi_reduction <add>, %mul3A_237, %reduce_sum3A_238 [0] : vector<128x128xf32> to vector<128xf32>
    %broadcast_in_dim3A_240 = vector.shape_cast %reduce_sum3A_239 : vector<128xf32> to vector<1x128xf32>
    %slice3A_241 = vector.extract_strided_slice %get3A_49 {offsets = [3968, 0], sizes = [128, 1], strides = [1, 1]} : vector<5120x1xf32> to vector<128x1xf32>
    %mul3A_242 = vector.broadcast %slice3A_241 : vector<128x1xf32> to vector<128x128xf32>
    %mul3A_243 = arith.mulf %mul3A_242, %convert_element_type3A_54 : vector<128x128xf32>
    %reduce_sum3A_244 = arith.constant dense<0.000000e+00> : vector<128xf32>
    %reduce_sum3A_245 = vector.multi_reduction <add>, %mul3A_243, %reduce_sum3A_244 [0] : vector<128x128xf32> to vector<128xf32>
    %broadcast_in_dim3A_246 = vector.shape_cast %reduce_sum3A_245 : vector<128xf32> to vector<1x128xf32>
    %slice3A_247 = vector.extract_strided_slice %get3A_49 {offsets = [4096, 0], sizes = [128, 1], strides = [1, 1]} : vector<5120x1xf32> to vector<128x1xf32>
    %mul3A_248 = vector.broadcast %slice3A_247 : vector<128x1xf32> to vector<128x128xf32>
    %mul3A_249 = arith.mulf %mul3A_248, %convert_element_type3A_54 : vector<128x128xf32>
    %reduce_sum3A_250 = arith.constant dense<0.000000e+00> : vector<128xf32>
    %reduce_sum3A_251 = vector.multi_reduction <add>, %mul3A_249, %reduce_sum3A_250 [0] : vector<128x128xf32> to vector<128xf32>
    %broadcast_in_dim3A_252 = vector.shape_cast %reduce_sum3A_251 : vector<128xf32> to vector<1x128xf32>
    %slice3A_253 = vector.extract_strided_slice %get3A_49 {offsets = [4224, 0], sizes = [128, 1], strides = [1, 1]} : vector<5120x1xf32> to vector<128x1xf32>
    %mul3A_254 = vector.broadcast %slice3A_253 : vector<128x1xf32> to vector<128x128xf32>
    %mul3A_255 = arith.mulf %mul3A_254, %convert_element_type3A_54 : vector<128x128xf32>
    %reduce_sum3A_256 = arith.constant dense<0.000000e+00> : vector<128xf32>
    %reduce_sum3A_257 = vector.multi_reduction <add>, %mul3A_255, %reduce_sum3A_256 [0] : vector<128x128xf32> to vector<128xf32>
    %broadcast_in_dim3A_258 = vector.shape_cast %reduce_sum3A_257 : vector<128xf32> to vector<1x128xf32>
    %slice3A_259 = vector.extract_strided_slice %get3A_49 {offsets = [4352, 0], sizes = [128, 1], strides = [1, 1]} : vector<5120x1xf32> to vector<128x1xf32>
    %mul3A_260 = vector.broadcast %slice3A_259 : vector<128x1xf32> to vector<128x128xf32>
    %mul3A_261 = arith.mulf %mul3A_260, %convert_element_type3A_54 : vector<128x128xf32>
    %reduce_sum3A_262 = arith.constant dense<0.000000e+00> : vector<128xf32>
    %reduce_sum3A_263 = vector.multi_reduction <add>, %mul3A_261, %reduce_sum3A_262 [0] : vector<128x128xf32> to vector<128xf32>
    %broadcast_in_dim3A_264 = vector.shape_cast %reduce_sum3A_263 : vector<128xf32> to vector<1x128xf32>
    %slice3A_265 = vector.extract_strided_slice %get3A_49 {offsets = [4480, 0], sizes = [128, 1], strides = [1, 1]} : vector<5120x1xf32> to vector<128x1xf32>
    %mul3A_266 = vector.broadcast %slice3A_265 : vector<128x1xf32> to vector<128x128xf32>
    %mul3A_267 = arith.mulf %mul3A_266, %convert_element_type3A_54 : vector<128x128xf32>
    %reduce_sum3A_268 = arith.constant dense<0.000000e+00> : vector<128xf32>
    %reduce_sum3A_269 = vector.multi_reduction <add>, %mul3A_267, %reduce_sum3A_268 [0] : vector<128x128xf32> to vector<128xf32>
    %broadcast_in_dim3A_270 = vector.shape_cast %reduce_sum3A_269 : vector<128xf32> to vector<1x128xf32>
    %slice3A_271 = vector.extract_strided_slice %get3A_49 {offsets = [4608, 0], sizes = [128, 1], strides = [1, 1]} : vector<5120x1xf32> to vector<128x1xf32>
    %mul3A_272 = vector.broadcast %slice3A_271 : vector<128x1xf32> to vector<128x128xf32>
    %mul3A_273 = arith.mulf %mul3A_272, %convert_element_type3A_54 : vector<128x128xf32>
    %reduce_sum3A_274 = arith.constant dense<0.000000e+00> : vector<128xf32>
    %reduce_sum3A_275 = vector.multi_reduction <add>, %mul3A_273, %reduce_sum3A_274 [0] : vector<128x128xf32> to vector<128xf32>
    %broadcast_in_dim3A_276 = vector.shape_cast %reduce_sum3A_275 : vector<128xf32> to vector<1x128xf32>
    %slice3A_277 = vector.extract_strided_slice %get3A_49 {offsets = [4736, 0], sizes = [128, 1], strides = [1, 1]} : vector<5120x1xf32> to vector<128x1xf32>
    %mul3A_278 = vector.broadcast %slice3A_277 : vector<128x1xf32> to vector<128x128xf32>
    %mul3A_279 = arith.mulf %mul3A_278, %convert_element_type3A_54 : vector<128x128xf32>
    %reduce_sum3A_280 = arith.constant dense<0.000000e+00> : vector<128xf32>
    %reduce_sum3A_281 = vector.multi_reduction <add>, %mul3A_279, %reduce_sum3A_280 [0] : vector<128x128xf32> to vector<128xf32>
    %broadcast_in_dim3A_282 = vector.shape_cast %reduce_sum3A_281 : vector<128xf32> to vector<1x128xf32>
    %slice3A_283 = vector.extract_strided_slice %get3A_49 {offsets = [4864, 0], sizes = [128, 1], strides = [1, 1]} : vector<5120x1xf32> to vector<128x1xf32>
    %mul3A_284 = vector.broadcast %slice3A_283 : vector<128x1xf32> to vector<128x128xf32>
    %mul3A_285 = arith.mulf %mul3A_284, %convert_element_type3A_54 : vector<128x128xf32>
    %reduce_sum3A_286 = arith.constant dense<0.000000e+00> : vector<128xf32>
    %reduce_sum3A_287 = vector.multi_reduction <add>, %mul3A_285, %reduce_sum3A_286 [0] : vector<128x128xf32> to vector<128xf32>
    %broadcast_in_dim3A_288 = vector.shape_cast %reduce_sum3A_287 : vector<128xf32> to vector<1x128xf32>
    %slice3A_289 = vector.extract_strided_slice %get3A_49 {offsets = [4992, 0], sizes = [128, 1], strides = [1, 1]} : vector<5120x1xf32> to vector<128x1xf32>
    %mul3A_290 = vector.broadcast %slice3A_289 : vector<128x1xf32> to vector<128x128xf32>
    %mul3A_291 = arith.mulf %mul3A_290, %convert_element_type3A_54 : vector<128x128xf32>
    %reduce_sum3A_292 = arith.constant dense<0.000000e+00> : vector<128xf32>
    %reduce_sum3A_293 = vector.multi_reduction <add>, %mul3A_291, %reduce_sum3A_292 [0] : vector<128x128xf32> to vector<128xf32>
    %broadcast_in_dim3A_294 = vector.shape_cast %reduce_sum3A_293 : vector<128xf32> to vector<1x128xf32>
    %concatenate3A_295 = tpu.concatenate %broadcast_in_dim3A_60, %broadcast_in_dim3A_66, %broadcast_in_dim3A_72, %broadcast_in_dim3A_78, %broadcast_in_dim3A_84, %broadcast_in_dim3A_90, %broadcast_in_dim3A_96, %broadcast_in_dim3A_102, %broadcast_in_dim3A_108, %broadcast_in_dim3A_114, %broadcast_in_dim3A_120, %broadcast_in_dim3A_126, %broadcast_in_dim3A_132, %broadcast_in_dim3A_138, %broadcast_in_dim3A_144, %broadcast_in_dim3A_150, %broadcast_in_dim3A_156, %broadcast_in_dim3A_162, %broadcast_in_dim3A_168, %broadcast_in_dim3A_174, %broadcast_in_dim3A_180, %broadcast_in_dim3A_186, %broadcast_in_dim3A_192, %broadcast_in_dim3A_198, %broadcast_in_dim3A_204, %broadcast_in_dim3A_210, %broadcast_in_dim3A_216, %broadcast_in_dim3A_222, %broadcast_in_dim3A_228, %broadcast_in_dim3A_234, %broadcast_in_dim3A_240, %broadcast_in_dim3A_246, %broadcast_in_dim3A_252, %broadcast_in_dim3A_258, %broadcast_in_dim3A_264, %broadcast_in_dim3A_270, %broadcast_in_dim3A_276, %broadcast_in_dim3A_282, %broadcast_in_dim3A_288, %broadcast_in_dim3A_294 in 1 : vector<1x128xf32>, vector<1x128xf32>, vector<1x128xf32>, vector<1x128xf32>, vector<1x128xf32>, vector<1x128xf32>, vector<1x128xf32>, vector<1x128xf32>, vector<1x128xf32>, vector<1x128xf32>, vector<1x128xf32>, vector<1x128xf32>, vector<1x128xf32>, vector<1x128xf32>, vector<1x128xf32>, vector<1x128xf32>, vector<1x128xf32>, vector<1x128xf32>, vector<1x128xf32>, vector<1x128xf32>, vector<1x128xf32>, vector<1x128xf32>, vector<1x128xf32>, vector<1x128xf32>, vector<1x128xf32>, vector<1x128xf32>, vector<1x128xf32>, vector<1x128xf32>, vector<1x128xf32>, vector<1x128xf32>, vector<1x128xf32>, vector<1x128xf32>, vector<1x128xf32>, vector<1x128xf32>, vector<1x128xf32>, vector<1x128xf32>, vector<1x128xf32>, vector<1x128xf32>, vector<1x128xf32>, vector<1x128xf32> -> vector<1x5120xf32>
    %slice3A_296 = vector.extract_strided_slice %get3A_3 {offsets = [0, 0], sizes = [5000, 2], strides = [1, 1]} : vector<5000x85xf32> to vector<5000x2xf32>
    %slice3A_297 = vector.extract_strided_slice %get3A_3 {offsets = [0, 2], sizes = [5000, 2], strides = [1, 1]} : vector<5000x85xf32> to vector<5000x2xf32>
    %div3A = arith.constant 2.000000e+00 : f32
    %div3A_298 = vector.broadcast %div3A : f32 to vector<5000x2xf32>
    %div3A_299 = arith.divf %slice3A_297, %div3A_298 : vector<5000x2xf32>
    %sub3A = arith.subf %slice3A_296, %div3A_299 : vector<5000x2xf32>
    %div3A_300 = arith.constant 2.000000e+00 : f32
    %div3A_301 = vector.broadcast %div3A_300 : f32 to vector<5000x2xf32>
    %div3A_302 = arith.divf %slice3A_297, %div3A_301 : vector<5000x2xf32>
    %add3A = arith.addf %slice3A_296, %div3A_302 : vector<5000x2xf32>
    %concatenate3A_303 = tpu.concatenate %sub3A, %add3A in 1 : vector<5000x2xf32>, vector<5000x2xf32> -> vector<5000x4xf32>
    %concatenate3A_304 = tpu.concatenate %concatenate3A_303, %select_n3A_15, %broadcast_in_dim3A_10 in 1 : vector<5000x4xf32>, vector<5000x1xf32>, vector<5000x1xf32> -> vector<5000x6xf32>
    %broadcast_in_dim3A_305 = arith.constant 0.000000e+00 : f32
    %broadcast_in_dim3A_306 = vector.broadcast %broadcast_in_dim3A_305 : f32 to vector<120x6xf32>
    %concatenate3A_307 = tpu.concatenate %concatenate3A_304, %broadcast_in_dim3A_306 in 0 : vector<5000x6xf32>, vector<120x6xf32> -> vector<5120x6xf32>
    %iota3A_308 = tpu.iota {dimensions = array<i32: 0>} : vector<128x5120xi32>
    %convert_element_type3A_309 = arith.sitofp %iota3A_308 : vector<128x5120xi32> to vector<128x5120xf32>
    %add3A_310 = arith.constant 0.000000e+00 : f32
    %add3A_311 = vector.broadcast %add3A_310 : f32 to vector<128x5120xf32>
    %add3A_312 = arith.addf %add3A_311, %convert_element_type3A_309 : vector<128x5120xf32>
    %eq3A_313 = vector.broadcast %concatenate3A_295 : vector<1x5120xf32> to vector<128x5120xf32>
    %eq3A_314 = arith.cmpf oeq, %eq3A_313, %add3A_312 : vector<128x5120xf32>
    %convert_element_type3A_315 = arith.extui %eq3A_314 : vector<128x5120xi1> to vector<128x5120xi32>
    %convert_element_type3A_316 = arith.sitofp %convert_element_type3A_315 : vector<128x5120xi32> to vector<128x5120xf32>
    %dot_general3A = arith.constant dense<0.000000e+00> : vector<128x6xf32>
    %dot_general3A_317 = tpu.matmul %convert_element_type3A_316, %concatenate3A_307, %dot_general3A {dimension_numbers = #tpu.dot_dimension_numbers<[1], [0], [0], [1], [0, 0, 1, 1], [], []>, precision = #tpu.contract_precision<fp32>, transpose_lhs_hint = false} : vector<128x5120xf32>, vector<5120x6xf32>, vector<128x6xf32> -> vector<128x6xf32>
    %iota3A_318 = tpu.iota {dimensions = array<i32: 0>} : vector<128x5120xi32>
    %convert_element_type3A_319 = arith.sitofp %iota3A_318 : vector<128x5120xi32> to vector<128x5120xf32>
    %add3A_320 = arith.constant 1.280000e+02 : f32
    %add3A_321 = vector.broadcast %add3A_320 : f32 to vector<128x5120xf32>
    %add3A_322 = arith.addf %add3A_321, %convert_element_type3A_319 : vector<128x5120xf32>
    %eq3A_323 = vector.broadcast %concatenate3A_295 : vector<1x5120xf32> to vector<128x5120xf32>
    %eq3A_324 = arith.cmpf oeq, %eq3A_323, %add3A_322 : vector<128x5120xf32>
    %convert_element_type3A_325 = arith.extui %eq3A_324 : vector<128x5120xi1> to vector<128x5120xi32>
    %convert_element_type3A_326 = arith.sitofp %convert_element_type3A_325 : vector<128x5120xi32> to vector<128x5120xf32>
    %dot_general3A_327 = arith.constant dense<0.000000e+00> : vector<128x6xf32>
    %dot_general3A_328 = tpu.matmul %convert_element_type3A_326, %concatenate3A_307, %dot_general3A_327 {dimension_numbers = #tpu.dot_dimension_numbers<[1], [0], [0], [1], [0, 0, 1, 1], [], []>, precision = #tpu.contract_precision<fp32>, transpose_lhs_hint = false} : vector<128x5120xf32>, vector<5120x6xf32>, vector<128x6xf32> -> vector<128x6xf32>
    %iota3A_329 = tpu.iota {dimensions = array<i32: 0>} : vector<128x5120xi32>
    %convert_element_type3A_330 = arith.sitofp %iota3A_329 : vector<128x5120xi32> to vector<128x5120xf32>
    %add3A_331 = arith.constant 2.560000e+02 : f32
    %add3A_332 = vector.broadcast %add3A_331 : f32 to vector<128x5120xf32>
    %add3A_333 = arith.addf %add3A_332, %convert_element_type3A_330 : vector<128x5120xf32>
    %eq3A_334 = vector.broadcast %concatenate3A_295 : vector<1x5120xf32> to vector<128x5120xf32>
    %eq3A_335 = arith.cmpf oeq, %eq3A_334, %add3A_333 : vector<128x5120xf32>
    %convert_element_type3A_336 = arith.extui %eq3A_335 : vector<128x5120xi1> to vector<128x5120xi32>
    %convert_element_type3A_337 = arith.sitofp %convert_element_type3A_336 : vector<128x5120xi32> to vector<128x5120xf32>
    %dot_general3A_338 = arith.constant dense<0.000000e+00> : vector<128x6xf32>
    %dot_general3A_339 = tpu.matmul %convert_element_type3A_337, %concatenate3A_307, %dot_general3A_338 {dimension_numbers = #tpu.dot_dimension_numbers<[1], [0], [0], [1], [0, 0, 1, 1], [], []>, precision = #tpu.contract_precision<fp32>, transpose_lhs_hint = false} : vector<128x5120xf32>, vector<5120x6xf32>, vector<128x6xf32> -> vector<128x6xf32>
    %iota3A_340 = tpu.iota {dimensions = array<i32: 0>} : vector<128x5120xi32>
    %convert_element_type3A_341 = arith.sitofp %iota3A_340 : vector<128x5120xi32> to vector<128x5120xf32>
    %add3A_342 = arith.constant 3.840000e+02 : f32
    %add3A_343 = vector.broadcast %add3A_342 : f32 to vector<128x5120xf32>
    %add3A_344 = arith.addf %add3A_343, %convert_element_type3A_341 : vector<128x5120xf32>
    %eq3A_345 = vector.broadcast %concatenate3A_295 : vector<1x5120xf32> to vector<128x5120xf32>
    %eq3A_346 = arith.cmpf oeq, %eq3A_345, %add3A_344 : vector<128x5120xf32>
    %convert_element_type3A_347 = arith.extui %eq3A_346 : vector<128x5120xi1> to vector<128x5120xi32>
    %convert_element_type3A_348 = arith.sitofp %convert_element_type3A_347 : vector<128x5120xi32> to vector<128x5120xf32>
    %dot_general3A_349 = arith.constant dense<0.000000e+00> : vector<128x6xf32>
    %dot_general3A_350 = tpu.matmul %convert_element_type3A_348, %concatenate3A_307, %dot_general3A_349 {dimension_numbers = #tpu.dot_dimension_numbers<[1], [0], [0], [1], [0, 0, 1, 1], [], []>, precision = #tpu.contract_precision<fp32>, transpose_lhs_hint = false} : vector<128x5120xf32>, vector<5120x6xf32>, vector<128x6xf32> -> vector<128x6xf32>
    %iota3A_351 = tpu.iota {dimensions = array<i32: 0>} : vector<128x5120xi32>
    %convert_element_type3A_352 = arith.sitofp %iota3A_351 : vector<128x5120xi32> to vector<128x5120xf32>
    %add3A_353 = arith.constant 5.120000e+02 : f32
    %add3A_354 = vector.broadcast %add3A_353 : f32 to vector<128x5120xf32>
    %add3A_355 = arith.addf %add3A_354, %convert_element_type3A_352 : vector<128x5120xf32>
    %eq3A_356 = vector.broadcast %concatenate3A_295 : vector<1x5120xf32> to vector<128x5120xf32>
    %eq3A_357 = arith.cmpf oeq, %eq3A_356, %add3A_355 : vector<128x5120xf32>
    %convert_element_type3A_358 = arith.extui %eq3A_357 : vector<128x5120xi1> to vector<128x5120xi32>
    %convert_element_type3A_359 = arith.sitofp %convert_element_type3A_358 : vector<128x5120xi32> to vector<128x5120xf32>
    %dot_general3A_360 = arith.constant dense<0.000000e+00> : vector<128x6xf32>
    %dot_general3A_361 = tpu.matmul %convert_element_type3A_359, %concatenate3A_307, %dot_general3A_360 {dimension_numbers = #tpu.dot_dimension_numbers<[1], [0], [0], [1], [0, 0, 1, 1], [], []>, precision = #tpu.contract_precision<fp32>, transpose_lhs_hint = false} : vector<128x5120xf32>, vector<5120x6xf32>, vector<128x6xf32> -> vector<128x6xf32>
    %iota3A_362 = tpu.iota {dimensions = array<i32: 0>} : vector<128x5120xi32>
    %convert_element_type3A_363 = arith.sitofp %iota3A_362 : vector<128x5120xi32> to vector<128x5120xf32>
    %add3A_364 = arith.constant 6.400000e+02 : f32
    %add3A_365 = vector.broadcast %add3A_364 : f32 to vector<128x5120xf32>
    %add3A_366 = arith.addf %add3A_365, %convert_element_type3A_363 : vector<128x5120xf32>
    %eq3A_367 = vector.broadcast %concatenate3A_295 : vector<1x5120xf32> to vector<128x5120xf32>
    %eq3A_368 = arith.cmpf oeq, %eq3A_367, %add3A_366 : vector<128x5120xf32>
    %convert_element_type3A_369 = arith.extui %eq3A_368 : vector<128x5120xi1> to vector<128x5120xi32>
    %convert_element_type3A_370 = arith.sitofp %convert_element_type3A_369 : vector<128x5120xi32> to vector<128x5120xf32>
    %dot_general3A_371 = arith.constant dense<0.000000e+00> : vector<128x6xf32>
    %dot_general3A_372 = tpu.matmul %convert_element_type3A_370, %concatenate3A_307, %dot_general3A_371 {dimension_numbers = #tpu.dot_dimension_numbers<[1], [0], [0], [1], [0, 0, 1, 1], [], []>, precision = #tpu.contract_precision<fp32>, transpose_lhs_hint = false} : vector<128x5120xf32>, vector<5120x6xf32>, vector<128x6xf32> -> vector<128x6xf32>
    %iota3A_373 = tpu.iota {dimensions = array<i32: 0>} : vector<128x5120xi32>
    %convert_element_type3A_374 = arith.sitofp %iota3A_373 : vector<128x5120xi32> to vector<128x5120xf32>
    %add3A_375 = arith.constant 7.680000e+02 : f32
    %add3A_376 = vector.broadcast %add3A_375 : f32 to vector<128x5120xf32>
    %add3A_377 = arith.addf %add3A_376, %convert_element_type3A_374 : vector<128x5120xf32>
    %eq3A_378 = vector.broadcast %concatenate3A_295 : vector<1x5120xf32> to vector<128x5120xf32>
    %eq3A_379 = arith.cmpf oeq, %eq3A_378, %add3A_377 : vector<128x5120xf32>
    %convert_element_type3A_380 = arith.extui %eq3A_379 : vector<128x5120xi1> to vector<128x5120xi32>
    %convert_element_type3A_381 = arith.sitofp %convert_element_type3A_380 : vector<128x5120xi32> to vector<128x5120xf32>
    %dot_general3A_382 = arith.constant dense<0.000000e+00> : vector<128x6xf32>
    %dot_general3A_383 = tpu.matmul %convert_element_type3A_381, %concatenate3A_307, %dot_general3A_382 {dimension_numbers = #tpu.dot_dimension_numbers<[1], [0], [0], [1], [0, 0, 1, 1], [], []>, precision = #tpu.contract_precision<fp32>, transpose_lhs_hint = false} : vector<128x5120xf32>, vector<5120x6xf32>, vector<128x6xf32> -> vector<128x6xf32>
    %iota3A_384 = tpu.iota {dimensions = array<i32: 0>} : vector<128x5120xi32>
    %convert_element_type3A_385 = arith.sitofp %iota3A_384 : vector<128x5120xi32> to vector<128x5120xf32>
    %add3A_386 = arith.constant 8.960000e+02 : f32
    %add3A_387 = vector.broadcast %add3A_386 : f32 to vector<128x5120xf32>
    %add3A_388 = arith.addf %add3A_387, %convert_element_type3A_385 : vector<128x5120xf32>
    %eq3A_389 = vector.broadcast %concatenate3A_295 : vector<1x5120xf32> to vector<128x5120xf32>
    %eq3A_390 = arith.cmpf oeq, %eq3A_389, %add3A_388 : vector<128x5120xf32>
    %convert_element_type3A_391 = arith.extui %eq3A_390 : vector<128x5120xi1> to vector<128x5120xi32>
    %convert_element_type3A_392 = arith.sitofp %convert_element_type3A_391 : vector<128x5120xi32> to vector<128x5120xf32>
    %dot_general3A_393 = arith.constant dense<0.000000e+00> : vector<128x6xf32>
    %dot_general3A_394 = tpu.matmul %convert_element_type3A_392, %concatenate3A_307, %dot_general3A_393 {dimension_numbers = #tpu.dot_dimension_numbers<[1], [0], [0], [1], [0, 0, 1, 1], [], []>, precision = #tpu.contract_precision<fp32>, transpose_lhs_hint = false} : vector<128x5120xf32>, vector<5120x6xf32>, vector<128x6xf32> -> vector<128x6xf32>
    %concatenate3A_395 = tpu.concatenate %dot_general3A_317, %dot_general3A_328, %dot_general3A_339, %dot_general3A_350, %dot_general3A_361, %dot_general3A_372, %dot_general3A_383, %dot_general3A_394 in 0 : vector<128x6xf32>, vector<128x6xf32>, vector<128x6xf32>, vector<128x6xf32>, vector<128x6xf32>, vector<128x6xf32>, vector<128x6xf32>, vector<128x6xf32> -> vector<1024x6xf32>
    %swap3A_396 = arith.constant 0 : index
    %swap3A_397 = arith.constant 0 : index
    %swap3A_398 = arith.constant 0 : index
    %swap3A_399 = vector.load %arg2[%swap3A_396, %swap3A_397, %swap3A_398] : memref<1x1024x6xf32, #tpu.memory_space<vmem>>, vector<1x1024x6xf32>
    %swap3A_400 = vector.shape_cast %swap3A_399 : vector<1x1024x6xf32> to vector<1024x6xf32>
    %swap3A_401 = vector.shape_cast %concatenate3A_395 : vector<1024x6xf32> to vector<1x1024x6xf32>
    tpu.vector_store %arg2[%swap3A_396, %swap3A_397, %swap3A_398], %swap3A_401 {strides = array<i32>} : memref<1x1024x6xf32, #tpu.memory_space<vmem>>, vector<1x1024x6xf32>,
    %slice3A_402 = vector.extract_strided_slice %concatenate3A_395 {offsets = [0, 5], sizes = [1024, 1], strides = [1, 1]} : vector<1024x6xf32> to vector<1024x1xf32>
    %mul3A_403 = arith.constant 4.096000e+03 : f32
    %mul3A_404 = vector.broadcast %mul3A_403 : f32 to vector<1024x1xf32>
    %mul3A_405 = arith.mulf %slice3A_402, %mul3A_404 : vector<1024x1xf32>
    %slice3A_406 = vector.extract_strided_slice %concatenate3A_395 {offsets = [0, 0], sizes = [1024, 1], strides = [1, 1]} : vector<1024x6xf32> to vector<1024x1xf32>
    %add3A_407 = arith.addf %slice3A_406, %mul3A_405 : vector<1024x1xf32>
    %slice3A_408 = vector.extract_strided_slice %concatenate3A_395 {offsets = [0, 1], sizes = [1024, 1], strides = [1, 1]} : vector<1024x6xf32> to vector<1024x1xf32>
    %add3A_409 = arith.addf %slice3A_408, %mul3A_405 : vector<1024x1xf32>
    %slice3A_410 = vector.extract_strided_slice %concatenate3A_395 {offsets = [0, 2], sizes = [1024, 1], strides = [1, 1]} : vector<1024x6xf32> to vector<1024x1xf32>
    %add3A_411 = arith.addf %slice3A_410, %mul3A_405 : vector<1024x1xf32>
    %slice3A_412 = vector.extract_strided_slice %concatenate3A_395 {offsets = [0, 3], sizes = [1024, 1], strides = [1, 1]} : vector<1024x6xf32> to vector<1024x1xf32>
    %add3A_413 = arith.addf %slice3A_412, %mul3A_405 : vector<1024x1xf32>
    %sub3A_414 = arith.subf %add3A_411, %add3A_407 : vector<1024x1xf32>
    %sub3A_415 = arith.subf %add3A_413, %add3A_409 : vector<1024x1xf32>
    %mul3A_416 = arith.mulf %sub3A_414, %sub3A_415 : vector<1024x1xf32>
    %iota3A_417 = tpu.iota {dimensions = array<i32: 0>} : vector<128x128xi32>
    %iota3A_418 = tpu.iota {dimensions = array<i32: 1>} : vector<128x128xi32>
    %eq3A_419 = arith.cmpi eq, %iota3A_417, %iota3A_418 : vector<128x128xi32>
    %convert_element_type3A_420 = arith.extui %eq3A_419 : vector<128x128xi1> to vector<128x128xi32>
    %convert_element_type3A_421 = arith.sitofp %convert_element_type3A_420 : vector<128x128xi32> to vector<128x128xf32>
    %slice3A_422 = vector.extract_strided_slice %add3A_407 {offsets = [0, 0], sizes = [128, 1], strides = [1, 1]} : vector<1024x1xf32> to vector<128x1xf32>
    %mul3A_423 = vector.broadcast %slice3A_422 : vector<128x1xf32> to vector<128x128xf32>
    %mul3A_424 = arith.mulf %mul3A_423, %convert_element_type3A_421 : vector<128x128xf32>
    %reduce_sum3A_425 = arith.constant dense<0.000000e+00> : vector<128xf32>
    %reduce_sum3A_426 = vector.multi_reduction <add>, %mul3A_424, %reduce_sum3A_425 [0] : vector<128x128xf32> to vector<128xf32>
    %broadcast_in_dim3A_427 = vector.shape_cast %reduce_sum3A_426 : vector<128xf32> to vector<1x128xf32>
    %slice3A_428 = vector.extract_strided_slice %add3A_407 {offsets = [128, 0], sizes = [128, 1], strides = [1, 1]} : vector<1024x1xf32> to vector<128x1xf32>
    %mul3A_429 = vector.broadcast %slice3A_428 : vector<128x1xf32> to vector<128x128xf32>
    %mul3A_430 = arith.mulf %mul3A_429, %convert_element_type3A_421 : vector<128x128xf32>
    %reduce_sum3A_431 = arith.constant dense<0.000000e+00> : vector<128xf32>
    %reduce_sum3A_432 = vector.multi_reduction <add>, %mul3A_430, %reduce_sum3A_431 [0] : vector<128x128xf32> to vector<128xf32>
    %broadcast_in_dim3A_433 = vector.shape_cast %reduce_sum3A_432 : vector<128xf32> to vector<1x128xf32>
    %slice3A_434 = vector.extract_strided_slice %add3A_407 {offsets = [256, 0], sizes = [128, 1], strides = [1, 1]} : vector<1024x1xf32> to vector<128x1xf32>
    %mul3A_435 = vector.broadcast %slice3A_434 : vector<128x1xf32> to vector<128x128xf32>
    %mul3A_436 = arith.mulf %mul3A_435, %convert_element_type3A_421 : vector<128x128xf32>
    %reduce_sum3A_437 = arith.constant dense<0.000000e+00> : vector<128xf32>
    %reduce_sum3A_438 = vector.multi_reduction <add>, %mul3A_436, %reduce_sum3A_437 [0] : vector<128x128xf32> to vector<128xf32>
    %broadcast_in_dim3A_439 = vector.shape_cast %reduce_sum3A_438 : vector<128xf32> to vector<1x128xf32>
    %slice3A_440 = vector.extract_strided_slice %add3A_407 {offsets = [384, 0], sizes = [128, 1], strides = [1, 1]} : vector<1024x1xf32> to vector<128x1xf32>
    %mul3A_441 = vector.broadcast %slice3A_440 : vector<128x1xf32> to vector<128x128xf32>
    %mul3A_442 = arith.mulf %mul3A_441, %convert_element_type3A_421 : vector<128x128xf32>
    %reduce_sum3A_443 = arith.constant dense<0.000000e+00> : vector<128xf32>
    %reduce_sum3A_444 = vector.multi_reduction <add>, %mul3A_442, %reduce_sum3A_443 [0] : vector<128x128xf32> to vector<128xf32>
    %broadcast_in_dim3A_445 = vector.shape_cast %reduce_sum3A_444 : vector<128xf32> to vector<1x128xf32>
    %slice3A_446 = vector.extract_strided_slice %add3A_407 {offsets = [512, 0], sizes = [128, 1], strides = [1, 1]} : vector<1024x1xf32> to vector<128x1xf32>
    %mul3A_447 = vector.broadcast %slice3A_446 : vector<128x1xf32> to vector<128x128xf32>
    %mul3A_448 = arith.mulf %mul3A_447, %convert_element_type3A_421 : vector<128x128xf32>
    %reduce_sum3A_449 = arith.constant dense<0.000000e+00> : vector<128xf32>
    %reduce_sum3A_450 = vector.multi_reduction <add>, %mul3A_448, %reduce_sum3A_449 [0] : vector<128x128xf32> to vector<128xf32>
    %broadcast_in_dim3A_451 = vector.shape_cast %reduce_sum3A_450 : vector<128xf32> to vector<1x128xf32>
    %slice3A_452 = vector.extract_strided_slice %add3A_407 {offsets = [640, 0], sizes = [128, 1], strides = [1, 1]} : vector<1024x1xf32> to vector<128x1xf32>
    %mul3A_453 = vector.broadcast %slice3A_452 : vector<128x1xf32> to vector<128x128xf32>
    %mul3A_454 = arith.mulf %mul3A_453, %convert_element_type3A_421 : vector<128x128xf32>
    %reduce_sum3A_455 = arith.constant dense<0.000000e+00> : vector<128xf32>
    %reduce_sum3A_456 = vector.multi_reduction <add>, %mul3A_454, %reduce_sum3A_455 [0] : vector<128x128xf32> to vector<128xf32>
    %broadcast_in_dim3A_457 = vector.shape_cast %reduce_sum3A_456 : vector<128xf32> to vector<1x128xf32>
    %slice3A_458 = vector.extract_strided_slice %add3A_407 {offsets = [768, 0], sizes = [128, 1], strides = [1, 1]} : vector<1024x1xf32> to vector<128x1xf32>
    %mul3A_459 = vector.broadcast %slice3A_458 : vector<128x1xf32> to vector<128x128xf32>
    %mul3A_460 = arith.mulf %mul3A_459, %convert_element_type3A_421 : vector<128x128xf32>
    %reduce_sum3A_461 = arith.constant dense<0.000000e+00> : vector<128xf32>
    %reduce_sum3A_462 = vector.multi_reduction <add>, %mul3A_460, %reduce_sum3A_461 [0] : vector<128x128xf32> to vector<128xf32>
    %broadcast_in_dim3A_463 = vector.shape_cast %reduce_sum3A_462 : vector<128xf32> to vector<1x128xf32>
    %slice3A_464 = vector.extract_strided_slice %add3A_407 {offsets = [896, 0], sizes = [128, 1], strides = [1, 1]} : vector<1024x1xf32> to vector<128x1xf32>
    %mul3A_465 = vector.broadcast %slice3A_464 : vector<128x1xf32> to vector<128x128xf32>
    %mul3A_466 = arith.mulf %mul3A_465, %convert_element_type3A_421 : vector<128x128xf32>
    %reduce_sum3A_467 = arith.constant dense<0.000000e+00> : vector<128xf32>
    %reduce_sum3A_468 = vector.multi_reduction <add>, %mul3A_466, %reduce_sum3A_467 [0] : vector<128x128xf32> to vector<128xf32>
    %broadcast_in_dim3A_469 = vector.shape_cast %reduce_sum3A_468 : vector<128xf32> to vector<1x128xf32>
    %concatenate3A_470 = tpu.concatenate %broadcast_in_dim3A_427, %broadcast_in_dim3A_433, %broadcast_in_dim3A_439, %broadcast_in_dim3A_445, %broadcast_in_dim3A_451, %broadcast_in_dim3A_457, %broadcast_in_dim3A_463, %broadcast_in_dim3A_469 in 1 : vector<1x128xf32>, vector<1x128xf32>, vector<1x128xf32>, vector<1x128xf32>, vector<1x128xf32>, vector<1x128xf32>, vector<1x128xf32>, vector<1x128xf32> -> vector<1x1024xf32>
    %iota3A_471 = tpu.iota {dimensions = array<i32: 0>} : vector<128x128xi32>
    %iota3A_472 = tpu.iota {dimensions = array<i32: 1>} : vector<128x128xi32>
    %eq3A_473 = arith.cmpi eq, %iota3A_471, %iota3A_472 : vector<128x128xi32>
    %convert_element_type3A_474 = arith.extui %eq3A_473 : vector<128x128xi1> to vector<128x128xi32>
    %convert_element_type3A_475 = arith.sitofp %convert_element_type3A_474 : vector<128x128xi32> to vector<128x128xf32>
    %slice3A_476 = vector.extract_strided_slice %add3A_409 {offsets = [0, 0], sizes = [128, 1], strides = [1, 1]} : vector<1024x1xf32> to vector<128x1xf32>
    %mul3A_477 = vector.broadcast %slice3A_476 : vector<128x1xf32> to vector<128x128xf32>
    %mul3A_478 = arith.mulf %mul3A_477, %convert_element_type3A_475 : vector<128x128xf32>
    %reduce_sum3A_479 = arith.constant dense<0.000000e+00> : vector<128xf32>
    %reduce_sum3A_480 = vector.multi_reduction <add>, %mul3A_478, %reduce_sum3A_479 [0] : vector<128x128xf32> to vector<128xf32>
    %broadcast_in_dim3A_481 = vector.shape_cast %reduce_sum3A_480 : vector<128xf32> to vector<1x128xf32>
    %slice3A_482 = vector.extract_strided_slice %add3A_409 {offsets = [128, 0], sizes = [128, 1], strides = [1, 1]} : vector<1024x1xf32> to vector<128x1xf32>
    %mul3A_483 = vector.broadcast %slice3A_482 : vector<128x1xf32> to vector<128x128xf32>
    %mul3A_484 = arith.mulf %mul3A_483, %convert_element_type3A_475 : vector<128x128xf32>
    %reduce_sum3A_485 = arith.constant dense<0.000000e+00> : vector<128xf32>
    %reduce_sum3A_486 = vector.multi_reduction <add>, %mul3A_484, %reduce_sum3A_485 [0] : vector<128x128xf32> to vector<128xf32>
    %broadcast_in_dim3A_487 = vector.shape_cast %reduce_sum3A_486 : vector<128xf32> to vector<1x128xf32>
    %slice3A_488 = vector.extract_strided_slice %add3A_409 {offsets = [256, 0], sizes = [128, 1], strides = [1, 1]} : vector<1024x1xf32> to vector<128x1xf32>
    %mul3A_489 = vector.broadcast %slice3A_488 : vector<128x1xf32> to vector<128x128xf32>
    %mul3A_490 = arith.mulf %mul3A_489, %convert_element_type3A_475 : vector<128x128xf32>
    %reduce_sum3A_491 = arith.constant dense<0.000000e+00> : vector<128xf32>
    %reduce_sum3A_492 = vector.multi_reduction <add>, %mul3A_490, %reduce_sum3A_491 [0] : vector<128x128xf32> to vector<128xf32>
    %broadcast_in_dim3A_493 = vector.shape_cast %reduce_sum3A_492 : vector<128xf32> to vector<1x128xf32>
    %slice3A_494 = vector.extract_strided_slice %add3A_409 {offsets = [384, 0], sizes = [128, 1], strides = [1, 1]} : vector<1024x1xf32> to vector<128x1xf32>
    %mul3A_495 = vector.broadcast %slice3A_494 : vector<128x1xf32> to vector<128x128xf32>
    %mul3A_496 = arith.mulf %mul3A_495, %convert_element_type3A_475 : vector<128x128xf32>
    %reduce_sum3A_497 = arith.constant dense<0.000000e+00> : vector<128xf32>
    %reduce_sum3A_498 = vector.multi_reduction <add>, %mul3A_496, %reduce_sum3A_497 [0] : vector<128x128xf32> to vector<128xf32>
    %broadcast_in_dim3A_499 = vector.shape_cast %reduce_sum3A_498 : vector<128xf32> to vector<1x128xf32>
    %slice3A_500 = vector.extract_strided_slice %add3A_409 {offsets = [512, 0], sizes = [128, 1], strides = [1, 1]} : vector<1024x1xf32> to vector<128x1xf32>
    %mul3A_501 = vector.broadcast %slice3A_500 : vector<128x1xf32> to vector<128x128xf32>
    %mul3A_502 = arith.mulf %mul3A_501, %convert_element_type3A_475 : vector<128x128xf32>
    %reduce_sum3A_503 = arith.constant dense<0.000000e+00> : vector<128xf32>
    %reduce_sum3A_504 = vector.multi_reduction <add>, %mul3A_502, %reduce_sum3A_503 [0] : vector<128x128xf32> to vector<128xf32>
    %broadcast_in_dim3A_505 = vector.shape_cast %reduce_sum3A_504 : vector<128xf32> to vector<1x128xf32>
    %slice3A_506 = vector.extract_strided_slice %add3A_409 {offsets = [640, 0], sizes = [128, 1], strides = [1, 1]} : vector<1024x1xf32> to vector<128x1xf32>
    %mul3A_507 = vector.broadcast %slice3A_506 : vector<128x1xf32> to vector<128x128xf32>
    %mul3A_508 = arith.mulf %mul3A_507, %convert_element_type3A_475 : vector<128x128xf32>
    %reduce_sum3A_509 = arith.constant dense<0.000000e+00> : vector<128xf32>
    %reduce_sum3A_510 = vector.multi_reduction <add>, %mul3A_508, %reduce_sum3A_509 [0] : vector<128x128xf32> to vector<128xf32>
    %broadcast_in_dim3A_511 = vector.shape_cast %reduce_sum3A_510 : vector<128xf32> to vector<1x128xf32>
    %slice3A_512 = vector.extract_strided_slice %add3A_409 {offsets = [768, 0], sizes = [128, 1], strides = [1, 1]} : vector<1024x1xf32> to vector<128x1xf32>
    %mul3A_513 = vector.broadcast %slice3A_512 : vector<128x1xf32> to vector<128x128xf32>
    %mul3A_514 = arith.mulf %mul3A_513, %convert_element_type3A_475 : vector<128x128xf32>
    %reduce_sum3A_515 = arith.constant dense<0.000000e+00> : vector<128xf32>
    %reduce_sum3A_516 = vector.multi_reduction <add>, %mul3A_514, %reduce_sum3A_515 [0] : vector<128x128xf32> to vector<128xf32>
    %broadcast_in_dim3A_517 = vector.shape_cast %reduce_sum3A_516 : vector<128xf32> to vector<1x128xf32>
    %slice3A_518 = vector.extract_strided_slice %add3A_409 {offsets = [896, 0], sizes = [128, 1], strides = [1, 1]} : vector<1024x1xf32> to vector<128x1xf32>
    %mul3A_519 = vector.broadcast %slice3A_518 : vector<128x1xf32> to vector<128x128xf32>
    %mul3A_520 = arith.mulf %mul3A_519, %convert_element_type3A_475 : vector<128x128xf32>
    %reduce_sum3A_521 = arith.constant dense<0.000000e+00> : vector<128xf32>
    %reduce_sum3A_522 = vector.multi_reduction <add>, %mul3A_520, %reduce_sum3A_521 [0] : vector<128x128xf32> to vector<128xf32>
    %broadcast_in_dim3A_523 = vector.shape_cast %reduce_sum3A_522 : vector<128xf32> to vector<1x128xf32>
    %concatenate3A_524 = tpu.concatenate %broadcast_in_dim3A_481, %broadcast_in_dim3A_487, %broadcast_in_dim3A_493, %broadcast_in_dim3A_499, %broadcast_in_dim3A_505, %broadcast_in_dim3A_511, %broadcast_in_dim3A_517, %broadcast_in_dim3A_523 in 1 : vector<1x128xf32>, vector<1x128xf32>, vector<1x128xf32>, vector<1x128xf32>, vector<1x128xf32>, vector<1x128xf32>, vector<1x128xf32>, vector<1x128xf32> -> vector<1x1024xf32>
    %iota3A_525 = tpu.iota {dimensions = array<i32: 0>} : vector<128x128xi32>
    %iota3A_526 = tpu.iota {dimensions = array<i32: 1>} : vector<128x128xi32>
    %eq3A_527 = arith.cmpi eq, %iota3A_525, %iota3A_526 : vector<128x128xi32>
    %convert_element_type3A_528 = arith.extui %eq3A_527 : vector<128x128xi1> to vector<128x128xi32>
    %convert_element_type3A_529 = arith.sitofp %convert_element_type3A_528 : vector<128x128xi32> to vector<128x128xf32>
    %slice3A_530 = vector.extract_strided_slice %add3A_411 {offsets = [0, 0], sizes = [128, 1], strides = [1, 1]} : vector<1024x1xf32> to vector<128x1xf32>
    %mul3A_531 = vector.broadcast %slice3A_530 : vector<128x1xf32> to vector<128x128xf32>
    %mul3A_532 = arith.mulf %mul3A_531, %convert_element_type3A_529 : vector<128x128xf32>
    %reduce_sum3A_533 = arith.constant dense<0.000000e+00> : vector<128xf32>
    %reduce_sum3A_534 = vector.multi_reduction <add>, %mul3A_532, %reduce_sum3A_533 [0] : vector<128x128xf32> to vector<128xf32>
    %broadcast_in_dim3A_535 = vector.shape_cast %reduce_sum3A_534 : vector<128xf32> to vector<1x128xf32>
    %slice3A_536 = vector.extract_strided_slice %add3A_411 {offsets = [128, 0], sizes = [128, 1], strides = [1, 1]} : vector<1024x1xf32> to vector<128x1xf32>
    %mul3A_537 = vector.broadcast %slice3A_536 : vector<128x1xf32> to vector<128x128xf32>
    %mul3A_538 = arith.mulf %mul3A_537, %convert_element_type3A_529 : vector<128x128xf32>
    %reduce_sum3A_539 = arith.constant dense<0.000000e+00> : vector<128xf32>
    %reduce_sum3A_540 = vector.multi_reduction <add>, %mul3A_538, %reduce_sum3A_539 [0] : vector<128x128xf32> to vector<128xf32>
    %broadcast_in_dim3A_541 = vector.shape_cast %reduce_sum3A_540 : vector<128xf32> to vector<1x128xf32>
    %slice3A_542 = vector.extract_strided_slice %add3A_411 {offsets = [256, 0], sizes = [128, 1], strides = [1, 1]} : vector<1024x1xf32> to vector<128x1xf32>
    %mul3A_543 = vector.broadcast %slice3A_542 : vector<128x1xf32> to vector<128x128xf32>
    %mul3A_544 = arith.mulf %mul3A_543, %convert_element_type3A_529 : vector<128x128xf32>
    %reduce_sum3A_545 = arith.constant dense<0.000000e+00> : vector<128xf32>
    %reduce_sum3A_546 = vector.multi_reduction <add>, %mul3A_544, %reduce_sum3A_545 [0] : vector<128x128xf32> to vector<128xf32>
    %broadcast_in_dim3A_547 = vector.shape_cast %reduce_sum3A_546 : vector<128xf32> to vector<1x128xf32>
    %slice3A_548 = vector.extract_strided_slice %add3A_411 {offsets = [384, 0], sizes = [128, 1], strides = [1, 1]} : vector<1024x1xf32> to vector<128x1xf32>
    %mul3A_549 = vector.broadcast %slice3A_548 : vector<128x1xf32> to vector<128x128xf32>
    %mul3A_550 = arith.mulf %mul3A_549, %convert_element_type3A_529 : vector<128x128xf32>
    %reduce_sum3A_551 = arith.constant dense<0.000000e+00> : vector<128xf32>
    %reduce_sum3A_552 = vector.multi_reduction <add>, %mul3A_550, %reduce_sum3A_551 [0] : vector<128x128xf32> to vector<128xf32>
    %broadcast_in_dim3A_553 = vector.shape_cast %reduce_sum3A_552 : vector<128xf32> to vector<1x128xf32>
    %slice3A_554 = vector.extract_strided_slice %add3A_411 {offsets = [512, 0], sizes = [128, 1], strides = [1, 1]} : vector<1024x1xf32> to vector<128x1xf32>
    %mul3A_555 = vector.broadcast %slice3A_554 : vector<128x1xf32> to vector<128x128xf32>
    %mul3A_556 = arith.mulf %mul3A_555, %convert_element_type3A_529 : vector<128x128xf32>
    %reduce_sum3A_557 = arith.constant dense<0.000000e+00> : vector<128xf32>
    %reduce_sum3A_558 = vector.multi_reduction <add>, %mul3A_556, %reduce_sum3A_557 [0] : vector<128x128xf32> to vector<128xf32>
    %broadcast_in_dim3A_559 = vector.shape_cast %reduce_sum3A_558 : vector<128xf32> to vector<1x128xf32>
    %slice3A_560 = vector.extract_strided_slice %add3A_411 {offsets = [640, 0], sizes = [128, 1], strides = [1, 1]} : vector<1024x1xf32> to vector<128x1xf32>
    %mul3A_561 = vector.broadcast %slice3A_560 : vector<128x1xf32> to vector<128x128xf32>
    %mul3A_562 = arith.mulf %mul3A_561, %convert_element_type3A_529 : vector<128x128xf32>
    %reduce_sum3A_563 = arith.constant dense<0.000000e+00> : vector<128xf32>
    %reduce_sum3A_564 = vector.multi_reduction <add>, %mul3A_562, %reduce_sum3A_563 [0] : vector<128x128xf32> to vector<128xf32>
    %broadcast_in_dim3A_565 = vector.shape_cast %reduce_sum3A_564 : vector<128xf32> to vector<1x128xf32>
    %slice3A_566 = vector.extract_strided_slice %add3A_411 {offsets = [768, 0], sizes = [128, 1], strides = [1, 1]} : vector<1024x1xf32> to vector<128x1xf32>
    %mul3A_567 = vector.broadcast %slice3A_566 : vector<128x1xf32> to vector<128x128xf32>
    %mul3A_568 = arith.mulf %mul3A_567, %convert_element_type3A_529 : vector<128x128xf32>
    %reduce_sum3A_569 = arith.constant dense<0.000000e+00> : vector<128xf32>
    %reduce_sum3A_570 = vector.multi_reduction <add>, %mul3A_568, %reduce_sum3A_569 [0] : vector<128x128xf32> to vector<128xf32>
    %broadcast_in_dim3A_571 = vector.shape_cast %reduce_sum3A_570 : vector<128xf32> to vector<1x128xf32>
    %slice3A_572 = vector.extract_strided_slice %add3A_411 {offsets = [896, 0], sizes = [128, 1], strides = [1, 1]} : vector<1024x1xf32> to vector<128x1xf32>
    %mul3A_573 = vector.broadcast %slice3A_572 : vector<128x1xf32> to vector<128x128xf32>
    %mul3A_574 = arith.mulf %mul3A_573, %convert_element_type3A_529 : vector<128x128xf32>
    %reduce_sum3A_575 = arith.constant dense<0.000000e+00> : vector<128xf32>
    %reduce_sum3A_576 = vector.multi_reduction <add>, %mul3A_574, %reduce_sum3A_575 [0] : vector<128x128xf32> to vector<128xf32>
    %broadcast_in_dim3A_577 = vector.shape_cast %reduce_sum3A_576 : vector<128xf32> to vector<1x128xf32>
    %concatenate3A_578 = tpu.concatenate %broadcast_in_dim3A_535, %broadcast_in_dim3A_541, %broadcast_in_dim3A_547, %broadcast_in_dim3A_553, %broadcast_in_dim3A_559, %broadcast_in_dim3A_565, %broadcast_in_dim3A_571, %broadcast_in_dim3A_577 in 1 : vector<1x128xf32>, vector<1x128xf32>, vector<1x128xf32>, vector<1x128xf32>, vector<1x128xf32>, vector<1x128xf32>, vector<1x128xf32>, vector<1x128xf32> -> vector<1x1024xf32>
    %iota3A_579 = tpu.iota {dimensions = array<i32: 0>} : vector<128x128xi32>
    %iota3A_580 = tpu.iota {dimensions = array<i32: 1>} : vector<128x128xi32>
    %eq3A_581 = arith.cmpi eq, %iota3A_579, %iota3A_580 : vector<128x128xi32>
    %convert_element_type3A_582 = arith.extui %eq3A_581 : vector<128x128xi1> to vector<128x128xi32>
    %convert_element_type3A_583 = arith.sitofp %convert_element_type3A_582 : vector<128x128xi32> to vector<128x128xf32>
    %slice3A_584 = vector.extract_strided_slice %add3A_413 {offsets = [0, 0], sizes = [128, 1], strides = [1, 1]} : vector<1024x1xf32> to vector<128x1xf32>
    %mul3A_585 = vector.broadcast %slice3A_584 : vector<128x1xf32> to vector<128x128xf32>
    %mul3A_586 = arith.mulf %mul3A_585, %convert_element_type3A_583 : vector<128x128xf32>
    %reduce_sum3A_587 = arith.constant dense<0.000000e+00> : vector<128xf32>
    %reduce_sum3A_588 = vector.multi_reduction <add>, %mul3A_586, %reduce_sum3A_587 [0] : vector<128x128xf32> to vector<128xf32>
    %broadcast_in_dim3A_589 = vector.shape_cast %reduce_sum3A_588 : vector<128xf32> to vector<1x128xf32>
    %slice3A_590 = vector.extract_strided_slice %add3A_413 {offsets = [128, 0], sizes = [128, 1], strides = [1, 1]} : vector<1024x1xf32> to vector<128x1xf32>
    %mul3A_591 = vector.broadcast %slice3A_590 : vector<128x1xf32> to vector<128x128xf32>
    %mul3A_592 = arith.mulf %mul3A_591, %convert_element_type3A_583 : vector<128x128xf32>
    %reduce_sum3A_593 = arith.constant dense<0.000000e+00> : vector<128xf32>
    %reduce_sum3A_594 = vector.multi_reduction <add>, %mul3A_592, %reduce_sum3A_593 [0] : vector<128x128xf32> to vector<128xf32>
    %broadcast_in_dim3A_595 = vector.shape_cast %reduce_sum3A_594 : vector<128xf32> to vector<1x128xf32>
    %slice3A_596 = vector.extract_strided_slice %add3A_413 {offsets = [256, 0], sizes = [128, 1], strides = [1, 1]} : vector<1024x1xf32> to vector<128x1xf32>
    %mul3A_597 = vector.broadcast %slice3A_596 : vector<128x1xf32> to vector<128x128xf32>
    %mul3A_598 = arith.mulf %mul3A_597, %convert_element_type3A_583 : vector<128x128xf32>
    %reduce_sum3A_599 = arith.constant dense<0.000000e+00> : vector<128xf32>
    %reduce_sum3A_600 = vector.multi_reduction <add>, %mul3A_598, %reduce_sum3A_599 [0] : vector<128x128xf32> to vector<128xf32>
    %broadcast_in_dim3A_601 = vector.shape_cast %reduce_sum3A_600 : vector<128xf32> to vector<1x128xf32>
    %slice3A_602 = vector.extract_strided_slice %add3A_413 {offsets = [384, 0], sizes = [128, 1], strides = [1, 1]} : vector<1024x1xf32> to vector<128x1xf32>
    %mul3A_603 = vector.broadcast %slice3A_602 : vector<128x1xf32> to vector<128x128xf32>
    %mul3A_604 = arith.mulf %mul3A_603, %convert_element_type3A_583 : vector<128x128xf32>
    %reduce_sum3A_605 = arith.constant dense<0.000000e+00> : vector<128xf32>
    %reduce_sum3A_606 = vector.multi_reduction <add>, %mul3A_604, %reduce_sum3A_605 [0] : vector<128x128xf32> to vector<128xf32>
    %broadcast_in_dim3A_607 = vector.shape_cast %reduce_sum3A_606 : vector<128xf32> to vector<1x128xf32>
    %slice3A_608 = vector.extract_strided_slice %add3A_413 {offsets = [512, 0], sizes = [128, 1], strides = [1, 1]} : vector<1024x1xf32> to vector<128x1xf32>
    %mul3A_609 = vector.broadcast %slice3A_608 : vector<128x1xf32> to vector<128x128xf32>
    %mul3A_610 = arith.mulf %mul3A_609, %convert_element_type3A_583 : vector<128x128xf32>
    %reduce_sum3A_611 = arith.constant dense<0.000000e+00> : vector<128xf32>
    %reduce_sum3A_612 = vector.multi_reduction <add>, %mul3A_610, %reduce_sum3A_611 [0] : vector<128x128xf32> to vector<128xf32>
    %broadcast_in_dim3A_613 = vector.shape_cast %reduce_sum3A_612 : vector<128xf32> to vector<1x128xf32>
    %slice3A_614 = vector.extract_strided_slice %add3A_413 {offsets = [640, 0], sizes = [128, 1], strides = [1, 1]} : vector<1024x1xf32> to vector<128x1xf32>
    %mul3A_615 = vector.broadcast %slice3A_614 : vector<128x1xf32> to vector<128x128xf32>
    %mul3A_616 = arith.mulf %mul3A_615, %convert_element_type3A_583 : vector<128x128xf32>
    %reduce_sum3A_617 = arith.constant dense<0.000000e+00> : vector<128xf32>
    %reduce_sum3A_618 = vector.multi_reduction <add>, %mul3A_616, %reduce_sum3A_617 [0] : vector<128x128xf32> to vector<128xf32>
    %broadcast_in_dim3A_619 = vector.shape_cast %reduce_sum3A_618 : vector<128xf32> to vector<1x128xf32>
    %slice3A_620 = vector.extract_strided_slice %add3A_413 {offsets = [768, 0], sizes = [128, 1], strides = [1, 1]} : vector<1024x1xf32> to vector<128x1xf32>
    %mul3A_621 = vector.broadcast %slice3A_620 : vector<128x1xf32> to vector<128x128xf32>
    %mul3A_622 = arith.mulf %mul3A_621, %convert_element_type3A_583 : vector<128x128xf32>
    %reduce_sum3A_623 = arith.constant dense<0.000000e+00> : vector<128xf32>
    %reduce_sum3A_624 = vector.multi_reduction <add>, %mul3A_622, %reduce_sum3A_623 [0] : vector<128x128xf32> to vector<128xf32>
    %broadcast_in_dim3A_625 = vector.shape_cast %reduce_sum3A_624 : vector<128xf32> to vector<1x128xf32>
    %slice3A_626 = vector.extract_strided_slice %add3A_413 {offsets = [896, 0], sizes = [128, 1], strides = [1, 1]} : vector<1024x1xf32> to vector<128x1xf32>
    %mul3A_627 = vector.broadcast %slice3A_626 : vector<128x1xf32> to vector<128x128xf32>
    %mul3A_628 = arith.mulf %mul3A_627, %convert_element_type3A_583 : vector<128x128xf32>
    %reduce_sum3A_629 = arith.constant dense<0.000000e+00> : vector<128xf32>
    %reduce_sum3A_630 = vector.multi_reduction <add>, %mul3A_628, %reduce_sum3A_629 [0] : vector<128x128xf32> to vector<128xf32>
    %broadcast_in_dim3A_631 = vector.shape_cast %reduce_sum3A_630 : vector<128xf32> to vector<1x128xf32>
    %concatenate3A_632 = tpu.concatenate %broadcast_in_dim3A_589, %broadcast_in_dim3A_595, %broadcast_in_dim3A_601, %broadcast_in_dim3A_607, %broadcast_in_dim3A_613, %broadcast_in_dim3A_619, %broadcast_in_dim3A_625, %broadcast_in_dim3A_631 in 1 : vector<1x128xf32>, vector<1x128xf32>, vector<1x128xf32>, vector<1x128xf32>, vector<1x128xf32>, vector<1x128xf32>, vector<1x128xf32>, vector<1x128xf32> -> vector<1x1024xf32>
    %iota3A_633 = tpu.iota {dimensions = array<i32: 0>} : vector<128x128xi32>
    %iota3A_634 = tpu.iota {dimensions = array<i32: 1>} : vector<128x128xi32>
    %eq3A_635 = arith.cmpi eq, %iota3A_633, %iota3A_634 : vector<128x128xi32>
    %convert_element_type3A_636 = arith.extui %eq3A_635 : vector<128x128xi1> to vector<128x128xi32>
    %convert_element_type3A_637 = arith.sitofp %convert_element_type3A_636 : vector<128x128xi32> to vector<128x128xf32>
    %slice3A_638 = vector.extract_strided_slice %mul3A_416 {offsets = [0, 0], sizes = [128, 1], strides = [1, 1]} : vector<1024x1xf32> to vector<128x1xf32>
    %mul3A_639 = vector.broadcast %slice3A_638 : vector<128x1xf32> to vector<128x128xf32>
    %mul3A_640 = arith.mulf %mul3A_639, %convert_element_type3A_637 : vector<128x128xf32>
    %reduce_sum3A_641 = arith.constant dense<0.000000e+00> : vector<128xf32>
    %reduce_sum3A_642 = vector.multi_reduction <add>, %mul3A_640, %reduce_sum3A_641 [0] : vector<128x128xf32> to vector<128xf32>
    %broadcast_in_dim3A_643 = vector.shape_cast %reduce_sum3A_642 : vector<128xf32> to vector<1x128xf32>
    %slice3A_644 = vector.extract_strided_slice %mul3A_416 {offsets = [128, 0], sizes = [128, 1], strides = [1, 1]} : vector<1024x1xf32> to vector<128x1xf32>
    %mul3A_645 = vector.broadcast %slice3A_644 : vector<128x1xf32> to vector<128x128xf32>
    %mul3A_646 = arith.mulf %mul3A_645, %convert_element_type3A_637 : vector<128x128xf32>
    %reduce_sum3A_647 = arith.constant dense<0.000000e+00> : vector<128xf32>
    %reduce_sum3A_648 = vector.multi_reduction <add>, %mul3A_646, %reduce_sum3A_647 [0] : vector<128x128xf32> to vector<128xf32>
    %broadcast_in_dim3A_649 = vector.shape_cast %reduce_sum3A_648 : vector<128xf32> to vector<1x128xf32>
    %slice3A_650 = vector.extract_strided_slice %mul3A_416 {offsets = [256, 0], sizes = [128, 1], strides = [1, 1]} : vector<1024x1xf32> to vector<128x1xf32>
    %mul3A_651 = vector.broadcast %slice3A_650 : vector<128x1xf32> to vector<128x128xf32>
    %mul3A_652 = arith.mulf %mul3A_651, %convert_element_type3A_637 : vector<128x128xf32>
    %reduce_sum3A_653 = arith.constant dense<0.000000e+00> : vector<128xf32>
    %reduce_sum3A_654 = vector.multi_reduction <add>, %mul3A_652, %reduce_sum3A_653 [0] : vector<128x128xf32> to vector<128xf32>
    %broadcast_in_dim3A_655 = vector.shape_cast %reduce_sum3A_654 : vector<128xf32> to vector<1x128xf32>
    %slice3A_656 = vector.extract_strided_slice %mul3A_416 {offsets = [384, 0], sizes = [128, 1], strides = [1, 1]} : vector<1024x1xf32> to vector<128x1xf32>
    %mul3A_657 = vector.broadcast %slice3A_656 : vector<128x1xf32> to vector<128x128xf32>
    %mul3A_658 = arith.mulf %mul3A_657, %convert_element_type3A_637 : vector<128x128xf32>
    %reduce_sum3A_659 = arith.constant dense<0.000000e+00> : vector<128xf32>
    %reduce_sum3A_660 = vector.multi_reduction <add>, %mul3A_658, %reduce_sum3A_659 [0] : vector<128x128xf32> to vector<128xf32>
    %broadcast_in_dim3A_661 = vector.shape_cast %reduce_sum3A_660 : vector<128xf32> to vector<1x128xf32>
    %slice3A_662 = vector.extract_strided_slice %mul3A_416 {offsets = [512, 0], sizes = [128, 1], strides = [1, 1]} : vector<1024x1xf32> to vector<128x1xf32>
    %mul3A_663 = vector.broadcast %slice3A_662 : vector<128x1xf32> to vector<128x128xf32>
    %mul3A_664 = arith.mulf %mul3A_663, %convert_element_type3A_637 : vector<128x128xf32>
    %reduce_sum3A_665 = arith.constant dense<0.000000e+00> : vector<128xf32>
    %reduce_sum3A_666 = vector.multi_reduction <add>, %mul3A_664, %reduce_sum3A_665 [0] : vector<128x128xf32> to vector<128xf32>
    %broadcast_in_dim3A_667 = vector.shape_cast %reduce_sum3A_666 : vector<128xf32> to vector<1x128xf32>
    %slice3A_668 = vector.extract_strided_slice %mul3A_416 {offsets = [640, 0], sizes = [128, 1], strides = [1, 1]} : vector<1024x1xf32> to vector<128x1xf32>
    %mul3A_669 = vector.broadcast %slice3A_668 : vector<128x1xf32> to vector<128x128xf32>
    %mul3A_670 = arith.mulf %mul3A_669, %convert_element_type3A_637 : vector<128x128xf32>
    %reduce_sum3A_671 = arith.constant dense<0.000000e+00> : vector<128xf32>
    %reduce_sum3A_672 = vector.multi_reduction <add>, %mul3A_670, %reduce_sum3A_671 [0] : vector<128x128xf32> to vector<128xf32>
    %broadcast_in_dim3A_673 = vector.shape_cast %reduce_sum3A_672 : vector<128xf32> to vector<1x128xf32>
    %slice3A_674 = vector.extract_strided_slice %mul3A_416 {offsets = [768, 0], sizes = [128, 1], strides = [1, 1]} : vector<1024x1xf32> to vector<128x1xf32>
    %mul3A_675 = vector.broadcast %slice3A_674 : vector<128x1xf32> to vector<128x128xf32>
    %mul3A_676 = arith.mulf %mul3A_675, %convert_element_type3A_637 : vector<128x128xf32>
    %reduce_sum3A_677 = arith.constant dense<0.000000e+00> : vector<128xf32>
    %reduce_sum3A_678 = vector.multi_reduction <add>, %mul3A_676, %reduce_sum3A_677 [0] : vector<128x128xf32> to vector<128xf32>
    %broadcast_in_dim3A_679 = vector.shape_cast %reduce_sum3A_678 : vector<128xf32> to vector<1x128xf32>
    %slice3A_680 = vector.extract_strided_slice %mul3A_416 {offsets = [896, 0], sizes = [128, 1], strides = [1, 1]} : vector<1024x1xf32> to vector<128x1xf32>
    %mul3A_681 = vector.broadcast %slice3A_680 : vector<128x1xf32> to vector<128x128xf32>
    %mul3A_682 = arith.mulf %mul3A_681, %convert_element_type3A_637 : vector<128x128xf32>
    %reduce_sum3A_683 = arith.constant dense<0.000000e+00> : vector<128xf32>
    %reduce_sum3A_684 = vector.multi_reduction <add>, %mul3A_682, %reduce_sum3A_683 [0] : vector<128x128xf32> to vector<128xf32>
    %broadcast_in_dim3A_685 = vector.shape_cast %reduce_sum3A_684 : vector<128xf32> to vector<1x128xf32>
    %concatenate3A_686 = tpu.concatenate %broadcast_in_dim3A_643, %broadcast_in_dim3A_649, %broadcast_in_dim3A_655, %broadcast_in_dim3A_661, %broadcast_in_dim3A_667, %broadcast_in_dim3A_673, %broadcast_in_dim3A_679, %broadcast_in_dim3A_685 in 1 : vector<1x128xf32>, vector<1x128xf32>, vector<1x128xf32>, vector<1x128xf32>, vector<1x128xf32>, vector<1x128xf32>, vector<1x128xf32>, vector<1x128xf32> -> vector<1x1024xf32>
    %iota3A_687 = tpu.iota {dimensions = array<i32: 0>} : vector<1024x1xi32>
    %iota3A_688 = tpu.iota {dimensions = array<i32: 1>} : vector<1x64xi32>
    %and3A = arith.constant 15 : i32
    %and3A_689 = vector.broadcast %and3A : i32 to vector<1024x1xi32>
    %and3A_690 = arith.andi %iota3A_687, %and3A_689 : vector<1024x1xi32>
    %add3A_691 = arith.constant 127 : i32
    %add3A_692 = vector.broadcast %add3A_691 : i32 to vector<1024x1xi32>
    %add3A_693 = arith.addi %and3A_690, %add3A_692 : vector<1024x1xi32>
    %shift_left3A = arith.constant 23 : i32
    %shift_left3A_694 = vector.broadcast %shift_left3A : i32 to vector<1024x1xi32>
    %shift_left3A_695 = arith.shli %add3A_693, %shift_left3A_694 : vector<1024x1xi32>
    %bitcast_convert_type3A_696 = tpu.bitcast %shift_left3A_695 : vector<1024x1xi32> -> vector<1024x1xf32>
    %shift_right_arithmetic3A = arith.constant 4 : i32
    %shift_right_arithmetic3A_697 = vector.broadcast %shift_right_arithmetic3A : i32 to vector<1024x1xi32>
    %shift_right_arithmetic3A_698 = arith.shrsi %iota3A_687, %shift_right_arithmetic3A_697 : vector<1024x1xi32>
    %eq3A_699 = vector.broadcast %shift_right_arithmetic3A_698 : vector<1024x1xi32> to vector<1024x64xi32>
    %eq3A_700 = vector.broadcast %iota3A_688 : vector<1x64xi32> to vector<1024x64xi32>
    %eq3A_701 = arith.cmpi eq, %eq3A_699, %eq3A_700 : vector<1024x64xi32>
    %jit3A_702 = arith.constant 0.000000e+00 : f32
    %broadcast_in_dim3A_703 = vector.shape_cast %bitcast_convert_type3A_696 : vector<1024x1xf32> to vector<1024x1xf32>
    %broadcast_in_dim3A_704 = vector.broadcast %broadcast_in_dim3A_703 : vector<1024x1xf32> to vector<1024x64xf32>
    %broadcast_in_dim3A_705 = vector.broadcast %jit3A_702 : f32 to vector<1024x64xf32>
    %select_n3A_706 = arith.select %eq3A_701, %broadcast_in_dim3A_704, %broadcast_in_dim3A_705 : vector<1024x64xi1>, vector<1024x64xf32>
    %slice3A_707 = vector.extract_strided_slice %add3A_407 {offsets = [0, 0], sizes = [128, 1], strides = [1, 1]} : vector<1024x1xf32> to vector<128x1xf32>
    %slice3A_708 = vector.extract_strided_slice %add3A_409 {offsets = [0, 0], sizes = [128, 1], strides = [1, 1]} : vector<1024x1xf32> to vector<128x1xf32>
    %slice3A_709 = vector.extract_strided_slice %add3A_411 {offsets = [0, 0], sizes = [128, 1], strides = [1, 1]} : vector<1024x1xf32> to vector<128x1xf32>
    %slice3A_710 = vector.extract_strided_slice %add3A_413 {offsets = [0, 0], sizes = [128, 1], strides = [1, 1]} : vector<1024x1xf32> to vector<128x1xf32>
    %slice3A_711 = vector.extract_strided_slice %mul3A_416 {offsets = [0, 0], sizes = [128, 1], strides = [1, 1]} : vector<1024x1xf32> to vector<128x1xf32>
    %max3A = vector.broadcast %slice3A_707 : vector<128x1xf32> to vector<128x1024xf32>
    %max3A_712 = vector.broadcast %concatenate3A_470 : vector<1x1024xf32> to vector<128x1024xf32>
    %max3A_713 = arith.maximumf %max3A, %max3A_712 : vector<128x1024xf32>
    %max3A_714 = vector.broadcast %slice3A_708 : vector<128x1xf32> to vector<128x1024xf32>
    %max3A_715 = vector.broadcast %concatenate3A_524 : vector<1x1024xf32> to vector<128x1024xf32>
    %max3A_716 = arith.maximumf %max3A_714, %max3A_715 : vector<128x1024xf32>
    %min3A = vector.broadcast %slice3A_709 : vector<128x1xf32> to vector<128x1024xf32>
    %min3A_717 = vector.broadcast %concatenate3A_578 : vector<1x1024xf32> to vector<128x1024xf32>
    %min3A_718 = arith.minimumf %min3A, %min3A_717 : vector<128x1024xf32>
    %min3A_719 = vector.broadcast %slice3A_710 : vector<128x1xf32> to vector<128x1024xf32>
    %min3A_720 = vector.broadcast %concatenate3A_632 : vector<1x1024xf32> to vector<128x1024xf32>
    %min3A_721 = arith.minimumf %min3A_719, %min3A_720 : vector<128x1024xf32>
    %sub3A_722 = arith.subf %min3A_718, %max3A_713 : vector<128x1024xf32>
    %jit3A_723 = arith.constant 0.000000e+00 : f32
    %max3A_724 = vector.broadcast %jit3A_723 : f32 to vector<128x1024xf32>
    %max3A_725 = arith.maximumf %max3A_724, %sub3A_722 : vector<128x1024xf32>
    %sub3A_726 = arith.subf %min3A_721, %max3A_716 : vector<128x1024xf32>
    %jit3A_727 = arith.constant 0.000000e+00 : f32
    %max3A_728 = vector.broadcast %jit3A_727 : f32 to vector<128x1024xf32>
    %max3A_729 = arith.maximumf %max3A_728, %sub3A_726 : vector<128x1024xf32>
    %mul3A_730 = arith.mulf %max3A_725, %max3A_729 : vector<128x1024xf32>
    %add3A_731 = vector.broadcast %slice3A_711 : vector<128x1xf32> to vector<128x1024xf32>
    %add3A_732 = vector.broadcast %concatenate3A_686 : vector<1x1024xf32> to vector<128x1024xf32>
    %add3A_733 = arith.addf %add3A_731, %add3A_732 : vector<128x1024xf32>
    %sub3A_734 = arith.subf %add3A_733, %mul3A_730 : vector<128x1024xf32>
    %add3A_735 = arith.constant 1.000000e-07 : f32
    %add3A_736 = vector.broadcast %add3A_735 : f32 to vector<128x1024xf32>
    %add3A_737 = arith.addf %sub3A_734, %add3A_736 : vector<128x1024xf32>
    %div3A_738 = arith.divf %mul3A_730, %add3A_737 : vector<128x1024xf32>
    %iota3A_739 = tpu.iota {dimensions = array<i32: 1>} : vector<128x1024xi32>
    %convert_element_type3A_740 = arith.sitofp %iota3A_739 : vector<128x1024xi32> to vector<128x1024xf32>
    %iota3A_741 = tpu.iota {dimensions = array<i32: 0>} : vector<128x1024xi32>
    %convert_element_type3A_742 = arith.sitofp %iota3A_741 : vector<128x1024xi32> to vector<128x1024xf32>
    %add3A_743 = arith.constant 0.000000e+00 : f32
    %add3A_744 = vector.broadcast %add3A_743 : f32 to vector<128x1024xf32>
    %add3A_745 = arith.addf %add3A_744, %convert_element_type3A_742 : vector<128x1024xf32>
    %gt3A_746 = arith.constant 4.500000e-01 : f32
    %gt3A_747 = vector.broadcast %gt3A_746 : f32 to vector<128x1024xf32>
    %gt3A_748 = arith.cmpf ogt, %div3A_738, %gt3A_747 : vector<128x1024xf32>
    %gt3A_749 = arith.cmpf ogt, %convert_element_type3A_740, %add3A_745 : vector<128x1024xf32>
    %and3A_750 = arith.andi %gt3A_748, %gt3A_749 : vector<128x1024xi1>
    %convert_element_type3A_751 = arith.extui %and3A_750 : vector<128x1024xi1> to vector<128x1024xi32>
    %convert_element_type3A_752 = arith.sitofp %convert_element_type3A_751 : vector<128x1024xi32> to vector<128x1024xf32>
    %dot_general3A_753 = arith.constant dense<0.000000e+00> : vector<128x64xf32>
    %dot_general3A_754 = tpu.matmul %convert_element_type3A_752, %select_n3A_706, %dot_general3A_753 {dimension_numbers = #tpu.dot_dimension_numbers<[1], [0], [0], [1], [0, 0, 1, 1], [], []>, precision = #tpu.contract_precision<fp32>, transpose_lhs_hint = false} : vector<128x1024xf32>, vector<1024x64xf32>, vector<128x64xf32> -> vector<128x64xf32>
    %swap3A_755 = arith.constant 0 : index
    %swap3A_756 = arith.constant 0 : index
    %swap3A_757 = arith.constant 0 : index
    %swap3A_758 = vector.load %arg3[%swap3A_755, %swap3A_756, %swap3A_757] : memref<1x1024x64xf32, #tpu.memory_space<vmem>>, vector<1x128x64xf32>
    %swap3A_759 = vector.shape_cast %swap3A_758 : vector<1x128x64xf32> to vector<128x64xf32>
    %swap3A_760 = vector.shape_cast %dot_general3A_754 : vector<128x64xf32> to vector<1x128x64xf32>
    tpu.vector_store %arg3[%swap3A_755, %swap3A_756, %swap3A_757], %swap3A_760 {strides = array<i32>} : memref<1x1024x64xf32, #tpu.memory_space<vmem>>, vector<1x128x64xf32>,
    %slice3A_761 = vector.extract_strided_slice %add3A_407 {offsets = [128, 0], sizes = [128, 1], strides = [1, 1]} : vector<1024x1xf32> to vector<128x1xf32>
    %slice3A_762 = vector.extract_strided_slice %add3A_409 {offsets = [128, 0], sizes = [128, 1], strides = [1, 1]} : vector<1024x1xf32> to vector<128x1xf32>
    %slice3A_763 = vector.extract_strided_slice %add3A_411 {offsets = [128, 0], sizes = [128, 1], strides = [1, 1]} : vector<1024x1xf32> to vector<128x1xf32>
    %slice3A_764 = vector.extract_strided_slice %add3A_413 {offsets = [128, 0], sizes = [128, 1], strides = [1, 1]} : vector<1024x1xf32> to vector<128x1xf32>
    %slice3A_765 = vector.extract_strided_slice %mul3A_416 {offsets = [128, 0], sizes = [128, 1], strides = [1, 1]} : vector<1024x1xf32> to vector<128x1xf32>
    %max3A_766 = vector.broadcast %slice3A_761 : vector<128x1xf32> to vector<128x1024xf32>
    %max3A_767 = vector.broadcast %concatenate3A_470 : vector<1x1024xf32> to vector<128x1024xf32>
    %max3A_768 = arith.maximumf %max3A_766, %max3A_767 : vector<128x1024xf32>
    %max3A_769 = vector.broadcast %slice3A_762 : vector<128x1xf32> to vector<128x1024xf32>
    %max3A_770 = vector.broadcast %concatenate3A_524 : vector<1x1024xf32> to vector<128x1024xf32>
    %max3A_771 = arith.maximumf %max3A_769, %max3A_770 : vector<128x1024xf32>
    %min3A_772 = vector.broadcast %slice3A_763 : vector<128x1xf32> to vector<128x1024xf32>
    %min3A_773 = vector.broadcast %concatenate3A_578 : vector<1x1024xf32> to vector<128x1024xf32>
    %min3A_774 = arith.minimumf %min3A_772, %min3A_773 : vector<128x1024xf32>
    %min3A_775 = vector.broadcast %slice3A_764 : vector<128x1xf32> to vector<128x1024xf32>
    %min3A_776 = vector.broadcast %concatenate3A_632 : vector<1x1024xf32> to vector<128x1024xf32>
    %min3A_777 = arith.minimumf %min3A_775, %min3A_776 : vector<128x1024xf32>
    %sub3A_778 = arith.subf %min3A_774, %max3A_768 : vector<128x1024xf32>
    %jit3A_779 = arith.constant 0.000000e+00 : f32
    %max3A_780 = vector.broadcast %jit3A_779 : f32 to vector<128x1024xf32>
    %max3A_781 = arith.maximumf %max3A_780, %sub3A_778 : vector<128x1024xf32>
    %sub3A_782 = arith.subf %min3A_777, %max3A_771 : vector<128x1024xf32>
    %jit3A_783 = arith.constant 0.000000e+00 : f32
    %max3A_784 = vector.broadcast %jit3A_783 : f32 to vector<128x1024xf32>
    %max3A_785 = arith.maximumf %max3A_784, %sub3A_782 : vector<128x1024xf32>
    %mul3A_786 = arith.mulf %max3A_781, %max3A_785 : vector<128x1024xf32>
    %add3A_787 = vector.broadcast %slice3A_765 : vector<128x1xf32> to vector<128x1024xf32>
    %add3A_788 = vector.broadcast %concatenate3A_686 : vector<1x1024xf32> to vector<128x1024xf32>
    %add3A_789 = arith.addf %add3A_787, %add3A_788 : vector<128x1024xf32>
    %sub3A_790 = arith.subf %add3A_789, %mul3A_786 : vector<128x1024xf32>
    %add3A_791 = arith.constant 1.000000e-07 : f32
    %add3A_792 = vector.broadcast %add3A_791 : f32 to vector<128x1024xf32>
    %add3A_793 = arith.addf %sub3A_790, %add3A_792 : vector<128x1024xf32>
    %div3A_794 = arith.divf %mul3A_786, %add3A_793 : vector<128x1024xf32>
    %iota3A_795 = tpu.iota {dimensions = array<i32: 1>} : vector<128x1024xi32>
    %convert_element_type3A_796 = arith.sitofp %iota3A_795 : vector<128x1024xi32> to vector<128x1024xf32>
    %iota3A_797 = tpu.iota {dimensions = array<i32: 0>} : vector<128x1024xi32>
    %convert_element_type3A_798 = arith.sitofp %iota3A_797 : vector<128x1024xi32> to vector<128x1024xf32>
    %add3A_799 = arith.constant 1.280000e+02 : f32
    %add3A_800 = vector.broadcast %add3A_799 : f32 to vector<128x1024xf32>
    %add3A_801 = arith.addf %add3A_800, %convert_element_type3A_798 : vector<128x1024xf32>
    %gt3A_802 = arith.constant 4.500000e-01 : f32
    %gt3A_803 = vector.broadcast %gt3A_802 : f32 to vector<128x1024xf32>
    %gt3A_804 = arith.cmpf ogt, %div3A_794, %gt3A_803 : vector<128x1024xf32>
    %gt3A_805 = arith.cmpf ogt, %convert_element_type3A_796, %add3A_801 : vector<128x1024xf32>
    %and3A_806 = arith.andi %gt3A_804, %gt3A_805 : vector<128x1024xi1>
    %convert_element_type3A_807 = arith.extui %and3A_806 : vector<128x1024xi1> to vector<128x1024xi32>
    %convert_element_type3A_808 = arith.sitofp %convert_element_type3A_807 : vector<128x1024xi32> to vector<128x1024xf32>
    %dot_general3A_809 = arith.constant dense<0.000000e+00> : vector<128x64xf32>
    %dot_general3A_810 = tpu.matmul %convert_element_type3A_808, %select_n3A_706, %dot_general3A_809 {dimension_numbers = #tpu.dot_dimension_numbers<[1], [0], [0], [1], [0, 0, 1, 1], [], []>, precision = #tpu.contract_precision<fp32>, transpose_lhs_hint = false} : vector<128x1024xf32>, vector<1024x64xf32>, vector<128x64xf32> -> vector<128x64xf32>
    %swap3A_811 = arith.constant 0 : index
    %swap3A_812 = arith.constant 128 : index
    %swap3A_813 = arith.constant 0 : index
    %swap3A_814 = vector.load %arg3[%swap3A_811, %swap3A_812, %swap3A_813] : memref<1x1024x64xf32, #tpu.memory_space<vmem>>, vector<1x128x64xf32>
    %swap3A_815 = vector.shape_cast %swap3A_814 : vector<1x128x64xf32> to vector<128x64xf32>
    %swap3A_816 = vector.shape_cast %dot_general3A_810 : vector<128x64xf32> to vector<1x128x64xf32>
    tpu.vector_store %arg3[%swap3A_811, %swap3A_812, %swap3A_813], %swap3A_816 {strides = array<i32>} : memref<1x1024x64xf32, #tpu.memory_space<vmem>>, vector<1x128x64xf32>,
    %slice3A_817 = vector.extract_strided_slice %add3A_407 {offsets = [256, 0], sizes = [128, 1], strides = [1, 1]} : vector<1024x1xf32> to vector<128x1xf32>
    %slice3A_818 = vector.extract_strided_slice %add3A_409 {offsets = [256, 0], sizes = [128, 1], strides = [1, 1]} : vector<1024x1xf32> to vector<128x1xf32>
    %slice3A_819 = vector.extract_strided_slice %add3A_411 {offsets = [256, 0], sizes = [128, 1], strides = [1, 1]} : vector<1024x1xf32> to vector<128x1xf32>
    %slice3A_820 = vector.extract_strided_slice %add3A_413 {offsets = [256, 0], sizes = [128, 1], strides = [1, 1]} : vector<1024x1xf32> to vector<128x1xf32>
    %slice3A_821 = vector.extract_strided_slice %mul3A_416 {offsets = [256, 0], sizes = [128, 1], strides = [1, 1]} : vector<1024x1xf32> to vector<128x1xf32>
    %max3A_822 = vector.broadcast %slice3A_817 : vector<128x1xf32> to vector<128x1024xf32>
    %max3A_823 = vector.broadcast %concatenate3A_470 : vector<1x1024xf32> to vector<128x1024xf32>
    %max3A_824 = arith.maximumf %max3A_822, %max3A_823 : vector<128x1024xf32>
    %max3A_825 = vector.broadcast %slice3A_818 : vector<128x1xf32> to vector<128x1024xf32>
    %max3A_826 = vector.broadcast %concatenate3A_524 : vector<1x1024xf32> to vector<128x1024xf32>
    %max3A_827 = arith.maximumf %max3A_825, %max3A_826 : vector<128x1024xf32>
    %min3A_828 = vector.broadcast %slice3A_819 : vector<128x1xf32> to vector<128x1024xf32>
    %min3A_829 = vector.broadcast %concatenate3A_578 : vector<1x1024xf32> to vector<128x1024xf32>
    %min3A_830 = arith.minimumf %min3A_828, %min3A_829 : vector<128x1024xf32>
    %min3A_831 = vector.broadcast %slice3A_820 : vector<128x1xf32> to vector<128x1024xf32>
    %min3A_832 = vector.broadcast %concatenate3A_632 : vector<1x1024xf32> to vector<128x1024xf32>
    %min3A_833 = arith.minimumf %min3A_831, %min3A_832 : vector<128x1024xf32>
    %sub3A_834 = arith.subf %min3A_830, %max3A_824 : vector<128x1024xf32>
    %jit3A_835 = arith.constant 0.000000e+00 : f32
    %max3A_836 = vector.broadcast %jit3A_835 : f32 to vector<128x1024xf32>
    %max3A_837 = arith.maximumf %max3A_836, %sub3A_834 : vector<128x1024xf32>
    %sub3A_838 = arith.subf %min3A_833, %max3A_827 : vector<128x1024xf32>
    %jit3A_839 = arith.constant 0.000000e+00 : f32
    %max3A_840 = vector.broadcast %jit3A_839 : f32 to vector<128x1024xf32>
    %max3A_841 = arith.maximumf %max3A_840, %sub3A_838 : vector<128x1024xf32>
    %mul3A_842 = arith.mulf %max3A_837, %max3A_841 : vector<128x1024xf32>
    %add3A_843 = vector.broadcast %slice3A_821 : vector<128x1xf32> to vector<128x1024xf32>
    %add3A_844 = vector.broadcast %concatenate3A_686 : vector<1x1024xf32> to vector<128x1024xf32>
    %add3A_845 = arith.addf %add3A_843, %add3A_844 : vector<128x1024xf32>
    %sub3A_846 = arith.subf %add3A_845, %mul3A_842 : vector<128x1024xf32>
    %add3A_847 = arith.constant 1.000000e-07 : f32
    %add3A_848 = vector.broadcast %add3A_847 : f32 to vector<128x1024xf32>
    %add3A_849 = arith.addf %sub3A_846, %add3A_848 : vector<128x1024xf32>
    %div3A_850 = arith.divf %mul3A_842, %add3A_849 : vector<128x1024xf32>
    %iota3A_851 = tpu.iota {dimensions = array<i32: 1>} : vector<128x1024xi32>
    %convert_element_type3A_852 = arith.sitofp %iota3A_851 : vector<128x1024xi32> to vector<128x1024xf32>
    %iota3A_853 = tpu.iota {dimensions = array<i32: 0>} : vector<128x1024xi32>
    %convert_element_type3A_854 = arith.sitofp %iota3A_853 : vector<128x1024xi32> to vector<128x1024xf32>
    %add3A_855 = arith.constant 2.560000e+02 : f32
    %add3A_856 = vector.broadcast %add3A_855 : f32 to vector<128x1024xf32>
    %add3A_857 = arith.addf %add3A_856, %convert_element_type3A_854 : vector<128x1024xf32>
    %gt3A_858 = arith.constant 4.500000e-01 : f32
    %gt3A_859 = vector.broadcast %gt3A_858 : f32 to vector<128x1024xf32>
    %gt3A_860 = arith.cmpf ogt, %div3A_850, %gt3A_859 : vector<128x1024xf32>
    %gt3A_861 = arith.cmpf ogt, %convert_element_type3A_852, %add3A_857 : vector<128x1024xf32>
    %and3A_862 = arith.andi %gt3A_860, %gt3A_861 : vector<128x1024xi1>
    %convert_element_type3A_863 = arith.extui %and3A_862 : vector<128x1024xi1> to vector<128x1024xi32>
    %convert_element_type3A_864 = arith.sitofp %convert_element_type3A_863 : vector<128x1024xi32> to vector<128x1024xf32>
    %dot_general3A_865 = arith.constant dense<0.000000e+00> : vector<128x64xf32>
    %dot_general3A_866 = tpu.matmul %convert_element_type3A_864, %select_n3A_706, %dot_general3A_865 {dimension_numbers = #tpu.dot_dimension_numbers<[1], [0], [0], [1], [0, 0, 1, 1], [], []>, precision = #tpu.contract_precision<fp32>, transpose_lhs_hint = false} : vector<128x1024xf32>, vector<1024x64xf32>, vector<128x64xf32> -> vector<128x64xf32>
    %swap3A_867 = arith.constant 0 : index
    %swap3A_868 = arith.constant 256 : index
    %swap3A_869 = arith.constant 0 : index
    %swap3A_870 = vector.load %arg3[%swap3A_867, %swap3A_868, %swap3A_869] : memref<1x1024x64xf32, #tpu.memory_space<vmem>>, vector<1x128x64xf32>
    %swap3A_871 = vector.shape_cast %swap3A_870 : vector<1x128x64xf32> to vector<128x64xf32>
    %swap3A_872 = vector.shape_cast %dot_general3A_866 : vector<128x64xf32> to vector<1x128x64xf32>
    tpu.vector_store %arg3[%swap3A_867, %swap3A_868, %swap3A_869], %swap3A_872 {strides = array<i32>} : memref<1x1024x64xf32, #tpu.memory_space<vmem>>, vector<1x128x64xf32>,
    %slice3A_873 = vector.extract_strided_slice %add3A_407 {offsets = [384, 0], sizes = [128, 1], strides = [1, 1]} : vector<1024x1xf32> to vector<128x1xf32>
    %slice3A_874 = vector.extract_strided_slice %add3A_409 {offsets = [384, 0], sizes = [128, 1], strides = [1, 1]} : vector<1024x1xf32> to vector<128x1xf32>
    %slice3A_875 = vector.extract_strided_slice %add3A_411 {offsets = [384, 0], sizes = [128, 1], strides = [1, 1]} : vector<1024x1xf32> to vector<128x1xf32>
    %slice3A_876 = vector.extract_strided_slice %add3A_413 {offsets = [384, 0], sizes = [128, 1], strides = [1, 1]} : vector<1024x1xf32> to vector<128x1xf32>
    %slice3A_877 = vector.extract_strided_slice %mul3A_416 {offsets = [384, 0], sizes = [128, 1], strides = [1, 1]} : vector<1024x1xf32> to vector<128x1xf32>
    %max3A_878 = vector.broadcast %slice3A_873 : vector<128x1xf32> to vector<128x1024xf32>
    %max3A_879 = vector.broadcast %concatenate3A_470 : vector<1x1024xf32> to vector<128x1024xf32>
    %max3A_880 = arith.maximumf %max3A_878, %max3A_879 : vector<128x1024xf32>
    %max3A_881 = vector.broadcast %slice3A_874 : vector<128x1xf32> to vector<128x1024xf32>
    %max3A_882 = vector.broadcast %concatenate3A_524 : vector<1x1024xf32> to vector<128x1024xf32>
    %max3A_883 = arith.maximumf %max3A_881, %max3A_882 : vector<128x1024xf32>
    %min3A_884 = vector.broadcast %slice3A_875 : vector<128x1xf32> to vector<128x1024xf32>
    %min3A_885 = vector.broadcast %concatenate3A_578 : vector<1x1024xf32> to vector<128x1024xf32>
    %min3A_886 = arith.minimumf %min3A_884, %min3A_885 : vector<128x1024xf32>
    %min3A_887 = vector.broadcast %slice3A_876 : vector<128x1xf32> to vector<128x1024xf32>
    %min3A_888 = vector.broadcast %concatenate3A_632 : vector<1x1024xf32> to vector<128x1024xf32>
    %min3A_889 = arith.minimumf %min3A_887, %min3A_888 : vector<128x1024xf32>
    %sub3A_890 = arith.subf %min3A_886, %max3A_880 : vector<128x1024xf32>
    %jit3A_891 = arith.constant 0.000000e+00 : f32
    %max3A_892 = vector.broadcast %jit3A_891 : f32 to vector<128x1024xf32>
    %max3A_893 = arith.maximumf %max3A_892, %sub3A_890 : vector<128x1024xf32>
    %sub3A_894 = arith.subf %min3A_889, %max3A_883 : vector<128x1024xf32>
    %jit3A_895 = arith.constant 0.000000e+00 : f32
    %max3A_896 = vector.broadcast %jit3A_895 : f32 to vector<128x1024xf32>
    %max3A_897 = arith.maximumf %max3A_896, %sub3A_894 : vector<128x1024xf32>
    %mul3A_898 = arith.mulf %max3A_893, %max3A_897 : vector<128x1024xf32>
    %add3A_899 = vector.broadcast %slice3A_877 : vector<128x1xf32> to vector<128x1024xf32>
    %add3A_900 = vector.broadcast %concatenate3A_686 : vector<1x1024xf32> to vector<128x1024xf32>
    %add3A_901 = arith.addf %add3A_899, %add3A_900 : vector<128x1024xf32>
    %sub3A_902 = arith.subf %add3A_901, %mul3A_898 : vector<128x1024xf32>
    %add3A_903 = arith.constant 1.000000e-07 : f32
    %add3A_904 = vector.broadcast %add3A_903 : f32 to vector<128x1024xf32>
    %add3A_905 = arith.addf %sub3A_902, %add3A_904 : vector<128x1024xf32>
    %div3A_906 = arith.divf %mul3A_898, %add3A_905 : vector<128x1024xf32>
    %iota3A_907 = tpu.iota {dimensions = array<i32: 1>} : vector<128x1024xi32>
    %convert_element_type3A_908 = arith.sitofp %iota3A_907 : vector<128x1024xi32> to vector<128x1024xf32>
    %iota3A_909 = tpu.iota {dimensions = array<i32: 0>} : vector<128x1024xi32>
    %convert_element_type3A_910 = arith.sitofp %iota3A_909 : vector<128x1024xi32> to vector<128x1024xf32>
    %add3A_911 = arith.constant 3.840000e+02 : f32
    %add3A_912 = vector.broadcast %add3A_911 : f32 to vector<128x1024xf32>
    %add3A_913 = arith.addf %add3A_912, %convert_element_type3A_910 : vector<128x1024xf32>
    %gt3A_914 = arith.constant 4.500000e-01 : f32
    %gt3A_915 = vector.broadcast %gt3A_914 : f32 to vector<128x1024xf32>
    %gt3A_916 = arith.cmpf ogt, %div3A_906, %gt3A_915 : vector<128x1024xf32>
    %gt3A_917 = arith.cmpf ogt, %convert_element_type3A_908, %add3A_913 : vector<128x1024xf32>
    %and3A_918 = arith.andi %gt3A_916, %gt3A_917 : vector<128x1024xi1>
    %convert_element_type3A_919 = arith.extui %and3A_918 : vector<128x1024xi1> to vector<128x1024xi32>
    %convert_element_type3A_920 = arith.sitofp %convert_element_type3A_919 : vector<128x1024xi32> to vector<128x1024xf32>
    %dot_general3A_921 = arith.constant dense<0.000000e+00> : vector<128x64xf32>
    %dot_general3A_922 = tpu.matmul %convert_element_type3A_920, %select_n3A_706, %dot_general3A_921 {dimension_numbers = #tpu.dot_dimension_numbers<[1], [0], [0], [1], [0, 0, 1, 1], [], []>, precision = #tpu.contract_precision<fp32>, transpose_lhs_hint = false} : vector<128x1024xf32>, vector<1024x64xf32>, vector<128x64xf32> -> vector<128x64xf32>
    %swap3A_923 = arith.constant 0 : index
    %swap3A_924 = arith.constant 384 : index
    %swap3A_925 = arith.constant 0 : index
    %swap3A_926 = vector.load %arg3[%swap3A_923, %swap3A_924, %swap3A_925] : memref<1x1024x64xf32, #tpu.memory_space<vmem>>, vector<1x128x64xf32>
    %swap3A_927 = vector.shape_cast %swap3A_926 : vector<1x128x64xf32> to vector<128x64xf32>
    %swap3A_928 = vector.shape_cast %dot_general3A_922 : vector<128x64xf32> to vector<1x128x64xf32>
    tpu.vector_store %arg3[%swap3A_923, %swap3A_924, %swap3A_925], %swap3A_928 {strides = array<i32>} : memref<1x1024x64xf32, #tpu.memory_space<vmem>>, vector<1x128x64xf32>,
    %slice3A_929 = vector.extract_strided_slice %add3A_407 {offsets = [512, 0], sizes = [128, 1], strides = [1, 1]} : vector<1024x1xf32> to vector<128x1xf32>
    %slice3A_930 = vector.extract_strided_slice %add3A_409 {offsets = [512, 0], sizes = [128, 1], strides = [1, 1]} : vector<1024x1xf32> to vector<128x1xf32>
    %slice3A_931 = vector.extract_strided_slice %add3A_411 {offsets = [512, 0], sizes = [128, 1], strides = [1, 1]} : vector<1024x1xf32> to vector<128x1xf32>
    %slice3A_932 = vector.extract_strided_slice %add3A_413 {offsets = [512, 0], sizes = [128, 1], strides = [1, 1]} : vector<1024x1xf32> to vector<128x1xf32>
    %slice3A_933 = vector.extract_strided_slice %mul3A_416 {offsets = [512, 0], sizes = [128, 1], strides = [1, 1]} : vector<1024x1xf32> to vector<128x1xf32>
    %max3A_934 = vector.broadcast %slice3A_929 : vector<128x1xf32> to vector<128x1024xf32>
    %max3A_935 = vector.broadcast %concatenate3A_470 : vector<1x1024xf32> to vector<128x1024xf32>
    %max3A_936 = arith.maximumf %max3A_934, %max3A_935 : vector<128x1024xf32>
    %max3A_937 = vector.broadcast %slice3A_930 : vector<128x1xf32> to vector<128x1024xf32>
    %max3A_938 = vector.broadcast %concatenate3A_524 : vector<1x1024xf32> to vector<128x1024xf32>
    %max3A_939 = arith.maximumf %max3A_937, %max3A_938 : vector<128x1024xf32>
    %min3A_940 = vector.broadcast %slice3A_931 : vector<128x1xf32> to vector<128x1024xf32>
    %min3A_941 = vector.broadcast %concatenate3A_578 : vector<1x1024xf32> to vector<128x1024xf32>
    %min3A_942 = arith.minimumf %min3A_940, %min3A_941 : vector<128x1024xf32>
    %min3A_943 = vector.broadcast %slice3A_932 : vector<128x1xf32> to vector<128x1024xf32>
    %min3A_944 = vector.broadcast %concatenate3A_632 : vector<1x1024xf32> to vector<128x1024xf32>
    %min3A_945 = arith.minimumf %min3A_943, %min3A_944 : vector<128x1024xf32>
    %sub3A_946 = arith.subf %min3A_942, %max3A_936 : vector<128x1024xf32>
    %jit3A_947 = arith.constant 0.000000e+00 : f32
    %max3A_948 = vector.broadcast %jit3A_947 : f32 to vector<128x1024xf32>
    %max3A_949 = arith.maximumf %max3A_948, %sub3A_946 : vector<128x1024xf32>
    %sub3A_950 = arith.subf %min3A_945, %max3A_939 : vector<128x1024xf32>
    %jit3A_951 = arith.constant 0.000000e+00 : f32
    %max3A_952 = vector.broadcast %jit3A_951 : f32 to vector<128x1024xf32>
    %max3A_953 = arith.maximumf %max3A_952, %sub3A_950 : vector<128x1024xf32>
    %mul3A_954 = arith.mulf %max3A_949, %max3A_953 : vector<128x1024xf32>
    %add3A_955 = vector.broadcast %slice3A_933 : vector<128x1xf32> to vector<128x1024xf32>
    %add3A_956 = vector.broadcast %concatenate3A_686 : vector<1x1024xf32> to vector<128x1024xf32>
    %add3A_957 = arith.addf %add3A_955, %add3A_956 : vector<128x1024xf32>
    %sub3A_958 = arith.subf %add3A_957, %mul3A_954 : vector<128x1024xf32>
    %add3A_959 = arith.constant 1.000000e-07 : f32
    %add3A_960 = vector.broadcast %add3A_959 : f32 to vector<128x1024xf32>
    %add3A_961 = arith.addf %sub3A_958, %add3A_960 : vector<128x1024xf32>
    %div3A_962 = arith.divf %mul3A_954, %add3A_961 : vector<128x1024xf32>
    %iota3A_963 = tpu.iota {dimensions = array<i32: 1>} : vector<128x1024xi32>
    %convert_element_type3A_964 = arith.sitofp %iota3A_963 : vector<128x1024xi32> to vector<128x1024xf32>
    %iota3A_965 = tpu.iota {dimensions = array<i32: 0>} : vector<128x1024xi32>
    %convert_element_type3A_966 = arith.sitofp %iota3A_965 : vector<128x1024xi32> to vector<128x1024xf32>
    %add3A_967 = arith.constant 5.120000e+02 : f32
    %add3A_968 = vector.broadcast %add3A_967 : f32 to vector<128x1024xf32>
    %add3A_969 = arith.addf %add3A_968, %convert_element_type3A_966 : vector<128x1024xf32>
    %gt3A_970 = arith.constant 4.500000e-01 : f32
    %gt3A_971 = vector.broadcast %gt3A_970 : f32 to vector<128x1024xf32>
    %gt3A_972 = arith.cmpf ogt, %div3A_962, %gt3A_971 : vector<128x1024xf32>
    %gt3A_973 = arith.cmpf ogt, %convert_element_type3A_964, %add3A_969 : vector<128x1024xf32>
    %and3A_974 = arith.andi %gt3A_972, %gt3A_973 : vector<128x1024xi1>
    %convert_element_type3A_975 = arith.extui %and3A_974 : vector<128x1024xi1> to vector<128x1024xi32>
    %convert_element_type3A_976 = arith.sitofp %convert_element_type3A_975 : vector<128x1024xi32> to vector<128x1024xf32>
    %dot_general3A_977 = arith.constant dense<0.000000e+00> : vector<128x64xf32>
    %dot_general3A_978 = tpu.matmul %convert_element_type3A_976, %select_n3A_706, %dot_general3A_977 {dimension_numbers = #tpu.dot_dimension_numbers<[1], [0], [0], [1], [0, 0, 1, 1], [], []>, precision = #tpu.contract_precision<fp32>, transpose_lhs_hint = false} : vector<128x1024xf32>, vector<1024x64xf32>, vector<128x64xf32> -> vector<128x64xf32>
    %swap3A_979 = arith.constant 0 : index
    %swap3A_980 = arith.constant 512 : index
    %swap3A_981 = arith.constant 0 : index
    %swap3A_982 = vector.load %arg3[%swap3A_979, %swap3A_980, %swap3A_981] : memref<1x1024x64xf32, #tpu.memory_space<vmem>>, vector<1x128x64xf32>
    %swap3A_983 = vector.shape_cast %swap3A_982 : vector<1x128x64xf32> to vector<128x64xf32>
    %swap3A_984 = vector.shape_cast %dot_general3A_978 : vector<128x64xf32> to vector<1x128x64xf32>
    tpu.vector_store %arg3[%swap3A_979, %swap3A_980, %swap3A_981], %swap3A_984 {strides = array<i32>} : memref<1x1024x64xf32, #tpu.memory_space<vmem>>, vector<1x128x64xf32>,
    %slice3A_985 = vector.extract_strided_slice %add3A_407 {offsets = [640, 0], sizes = [128, 1], strides = [1, 1]} : vector<1024x1xf32> to vector<128x1xf32>
    %slice3A_986 = vector.extract_strided_slice %add3A_409 {offsets = [640, 0], sizes = [128, 1], strides = [1, 1]} : vector<1024x1xf32> to vector<128x1xf32>
    %slice3A_987 = vector.extract_strided_slice %add3A_411 {offsets = [640, 0], sizes = [128, 1], strides = [1, 1]} : vector<1024x1xf32> to vector<128x1xf32>
    %slice3A_988 = vector.extract_strided_slice %add3A_413 {offsets = [640, 0], sizes = [128, 1], strides = [1, 1]} : vector<1024x1xf32> to vector<128x1xf32>
    %slice3A_989 = vector.extract_strided_slice %mul3A_416 {offsets = [640, 0], sizes = [128, 1], strides = [1, 1]} : vector<1024x1xf32> to vector<128x1xf32>
    %max3A_990 = vector.broadcast %slice3A_985 : vector<128x1xf32> to vector<128x1024xf32>
    %max3A_991 = vector.broadcast %concatenate3A_470 : vector<1x1024xf32> to vector<128x1024xf32>
    %max3A_992 = arith.maximumf %max3A_990, %max3A_991 : vector<128x1024xf32>
    %max3A_993 = vector.broadcast %slice3A_986 : vector<128x1xf32> to vector<128x1024xf32>
    %max3A_994 = vector.broadcast %concatenate3A_524 : vector<1x1024xf32> to vector<128x1024xf32>
    %max3A_995 = arith.maximumf %max3A_993, %max3A_994 : vector<128x1024xf32>
    %min3A_996 = vector.broadcast %slice3A_987 : vector<128x1xf32> to vector<128x1024xf32>
    %min3A_997 = vector.broadcast %concatenate3A_578 : vector<1x1024xf32> to vector<128x1024xf32>
    %min3A_998 = arith.minimumf %min3A_996, %min3A_997 : vector<128x1024xf32>
    %min3A_999 = vector.broadcast %slice3A_988 : vector<128x1xf32> to vector<128x1024xf32>
    %min3A_1000 = vector.broadcast %concatenate3A_632 : vector<1x1024xf32> to vector<128x1024xf32>
    %min3A_1001 = arith.minimumf %min3A_999, %min3A_1000 : vector<128x1024xf32>
    %sub3A_1002 = arith.subf %min3A_998, %max3A_992 : vector<128x1024xf32>
    %jit3A_1003 = arith.constant 0.000000e+00 : f32
    %max3A_1004 = vector.broadcast %jit3A_1003 : f32 to vector<128x1024xf32>
    %max3A_1005 = arith.maximumf %max3A_1004, %sub3A_1002 : vector<128x1024xf32>
    %sub3A_1006 = arith.subf %min3A_1001, %max3A_995 : vector<128x1024xf32>
    %jit3A_1007 = arith.constant 0.000000e+00 : f32
    %max3A_1008 = vector.broadcast %jit3A_1007 : f32 to vector<128x1024xf32>
    %max3A_1009 = arith.maximumf %max3A_1008, %sub3A_1006 : vector<128x1024xf32>
    %mul3A_1010 = arith.mulf %max3A_1005, %max3A_1009 : vector<128x1024xf32>
    %add3A_1011 = vector.broadcast %slice3A_989 : vector<128x1xf32> to vector<128x1024xf32>
    %add3A_1012 = vector.broadcast %concatenate3A_686 : vector<1x1024xf32> to vector<128x1024xf32>
    %add3A_1013 = arith.addf %add3A_1011, %add3A_1012 : vector<128x1024xf32>
    %sub3A_1014 = arith.subf %add3A_1013, %mul3A_1010 : vector<128x1024xf32>
    %add3A_1015 = arith.constant 1.000000e-07 : f32
    %add3A_1016 = vector.broadcast %add3A_1015 : f32 to vector<128x1024xf32>
    %add3A_1017 = arith.addf %sub3A_1014, %add3A_1016 : vector<128x1024xf32>
    %div3A_1018 = arith.divf %mul3A_1010, %add3A_1017 : vector<128x1024xf32>
    %iota3A_1019 = tpu.iota {dimensions = array<i32: 1>} : vector<128x1024xi32>
    %convert_element_type3A_1020 = arith.sitofp %iota3A_1019 : vector<128x1024xi32> to vector<128x1024xf32>
    %iota3A_1021 = tpu.iota {dimensions = array<i32: 0>} : vector<128x1024xi32>
    %convert_element_type3A_1022 = arith.sitofp %iota3A_1021 : vector<128x1024xi32> to vector<128x1024xf32>
    %add3A_1023 = arith.constant 6.400000e+02 : f32
    %add3A_1024 = vector.broadcast %add3A_1023 : f32 to vector<128x1024xf32>
    %add3A_1025 = arith.addf %add3A_1024, %convert_element_type3A_1022 : vector<128x1024xf32>
    %gt3A_1026 = arith.constant 4.500000e-01 : f32
    %gt3A_1027 = vector.broadcast %gt3A_1026 : f32 to vector<128x1024xf32>
    %gt3A_1028 = arith.cmpf ogt, %div3A_1018, %gt3A_1027 : vector<128x1024xf32>
    %gt3A_1029 = arith.cmpf ogt, %convert_element_type3A_1020, %add3A_1025 : vector<128x1024xf32>
    %and3A_1030 = arith.andi %gt3A_1028, %gt3A_1029 : vector<128x1024xi1>
    %convert_element_type3A_1031 = arith.extui %and3A_1030 : vector<128x1024xi1> to vector<128x1024xi32>
    %convert_element_type3A_1032 = arith.sitofp %convert_element_type3A_1031 : vector<128x1024xi32> to vector<128x1024xf32>
    %dot_general3A_1033 = arith.constant dense<0.000000e+00> : vector<128x64xf32>
    %dot_general3A_1034 = tpu.matmul %convert_element_type3A_1032, %select_n3A_706, %dot_general3A_1033 {dimension_numbers = #tpu.dot_dimension_numbers<[1], [0], [0], [1], [0, 0, 1, 1], [], []>, precision = #tpu.contract_precision<fp32>, transpose_lhs_hint = false} : vector<128x1024xf32>, vector<1024x64xf32>, vector<128x64xf32> -> vector<128x64xf32>
    %swap3A_1035 = arith.constant 0 : index
    %swap3A_1036 = arith.constant 640 : index
    %swap3A_1037 = arith.constant 0 : index
    %swap3A_1038 = vector.load %arg3[%swap3A_1035, %swap3A_1036, %swap3A_1037] : memref<1x1024x64xf32, #tpu.memory_space<vmem>>, vector<1x128x64xf32>
    %swap3A_1039 = vector.shape_cast %swap3A_1038 : vector<1x128x64xf32> to vector<128x64xf32>
    %swap3A_1040 = vector.shape_cast %dot_general3A_1034 : vector<128x64xf32> to vector<1x128x64xf32>
    tpu.vector_store %arg3[%swap3A_1035, %swap3A_1036, %swap3A_1037], %swap3A_1040 {strides = array<i32>} : memref<1x1024x64xf32, #tpu.memory_space<vmem>>, vector<1x128x64xf32>,
    %slice3A_1041 = vector.extract_strided_slice %add3A_407 {offsets = [768, 0], sizes = [128, 1], strides = [1, 1]} : vector<1024x1xf32> to vector<128x1xf32>
    %slice3A_1042 = vector.extract_strided_slice %add3A_409 {offsets = [768, 0], sizes = [128, 1], strides = [1, 1]} : vector<1024x1xf32> to vector<128x1xf32>
    %slice3A_1043 = vector.extract_strided_slice %add3A_411 {offsets = [768, 0], sizes = [128, 1], strides = [1, 1]} : vector<1024x1xf32> to vector<128x1xf32>
    %slice3A_1044 = vector.extract_strided_slice %add3A_413 {offsets = [768, 0], sizes = [128, 1], strides = [1, 1]} : vector<1024x1xf32> to vector<128x1xf32>
    %slice3A_1045 = vector.extract_strided_slice %mul3A_416 {offsets = [768, 0], sizes = [128, 1], strides = [1, 1]} : vector<1024x1xf32> to vector<128x1xf32>
    %max3A_1046 = vector.broadcast %slice3A_1041 : vector<128x1xf32> to vector<128x1024xf32>
    %max3A_1047 = vector.broadcast %concatenate3A_470 : vector<1x1024xf32> to vector<128x1024xf32>
    %max3A_1048 = arith.maximumf %max3A_1046, %max3A_1047 : vector<128x1024xf32>
    %max3A_1049 = vector.broadcast %slice3A_1042 : vector<128x1xf32> to vector<128x1024xf32>
    %max3A_1050 = vector.broadcast %concatenate3A_524 : vector<1x1024xf32> to vector<128x1024xf32>
    %max3A_1051 = arith.maximumf %max3A_1049, %max3A_1050 : vector<128x1024xf32>
    %min3A_1052 = vector.broadcast %slice3A_1043 : vector<128x1xf32> to vector<128x1024xf32>
    %min3A_1053 = vector.broadcast %concatenate3A_578 : vector<1x1024xf32> to vector<128x1024xf32>
    %min3A_1054 = arith.minimumf %min3A_1052, %min3A_1053 : vector<128x1024xf32>
    %min3A_1055 = vector.broadcast %slice3A_1044 : vector<128x1xf32> to vector<128x1024xf32>
    %min3A_1056 = vector.broadcast %concatenate3A_632 : vector<1x1024xf32> to vector<128x1024xf32>
    %min3A_1057 = arith.minimumf %min3A_1055, %min3A_1056 : vector<128x1024xf32>
    %sub3A_1058 = arith.subf %min3A_1054, %max3A_1048 : vector<128x1024xf32>
    %jit3A_1059 = arith.constant 0.000000e+00 : f32
    %max3A_1060 = vector.broadcast %jit3A_1059 : f32 to vector<128x1024xf32>
    %max3A_1061 = arith.maximumf %max3A_1060, %sub3A_1058 : vector<128x1024xf32>
    %sub3A_1062 = arith.subf %min3A_1057, %max3A_1051 : vector<128x1024xf32>
    %jit3A_1063 = arith.constant 0.000000e+00 : f32
    %max3A_1064 = vector.broadcast %jit3A_1063 : f32 to vector<128x1024xf32>
    %max3A_1065 = arith.maximumf %max3A_1064, %sub3A_1062 : vector<128x1024xf32>
    %mul3A_1066 = arith.mulf %max3A_1061, %max3A_1065 : vector<128x1024xf32>
    %add3A_1067 = vector.broadcast %slice3A_1045 : vector<128x1xf32> to vector<128x1024xf32>
    %add3A_1068 = vector.broadcast %concatenate3A_686 : vector<1x1024xf32> to vector<128x1024xf32>
    %add3A_1069 = arith.addf %add3A_1067, %add3A_1068 : vector<128x1024xf32>
    %sub3A_1070 = arith.subf %add3A_1069, %mul3A_1066 : vector<128x1024xf32>
    %add3A_1071 = arith.constant 1.000000e-07 : f32
    %add3A_1072 = vector.broadcast %add3A_1071 : f32 to vector<128x1024xf32>
    %add3A_1073 = arith.addf %sub3A_1070, %add3A_1072 : vector<128x1024xf32>
    %div3A_1074 = arith.divf %mul3A_1066, %add3A_1073 : vector<128x1024xf32>
    %iota3A_1075 = tpu.iota {dimensions = array<i32: 1>} : vector<128x1024xi32>
    %convert_element_type3A_1076 = arith.sitofp %iota3A_1075 : vector<128x1024xi32> to vector<128x1024xf32>
    %iota3A_1077 = tpu.iota {dimensions = array<i32: 0>} : vector<128x1024xi32>
    %convert_element_type3A_1078 = arith.sitofp %iota3A_1077 : vector<128x1024xi32> to vector<128x1024xf32>
    %add3A_1079 = arith.constant 7.680000e+02 : f32
    %add3A_1080 = vector.broadcast %add3A_1079 : f32 to vector<128x1024xf32>
    %add3A_1081 = arith.addf %add3A_1080, %convert_element_type3A_1078 : vector<128x1024xf32>
    %gt3A_1082 = arith.constant 4.500000e-01 : f32
    %gt3A_1083 = vector.broadcast %gt3A_1082 : f32 to vector<128x1024xf32>
    %gt3A_1084 = arith.cmpf ogt, %div3A_1074, %gt3A_1083 : vector<128x1024xf32>
    %gt3A_1085 = arith.cmpf ogt, %convert_element_type3A_1076, %add3A_1081 : vector<128x1024xf32>
    %and3A_1086 = arith.andi %gt3A_1084, %gt3A_1085 : vector<128x1024xi1>
    %convert_element_type3A_1087 = arith.extui %and3A_1086 : vector<128x1024xi1> to vector<128x1024xi32>
    %convert_element_type3A_1088 = arith.sitofp %convert_element_type3A_1087 : vector<128x1024xi32> to vector<128x1024xf32>
    %dot_general3A_1089 = arith.constant dense<0.000000e+00> : vector<128x64xf32>
    %dot_general3A_1090 = tpu.matmul %convert_element_type3A_1088, %select_n3A_706, %dot_general3A_1089 {dimension_numbers = #tpu.dot_dimension_numbers<[1], [0], [0], [1], [0, 0, 1, 1], [], []>, precision = #tpu.contract_precision<fp32>, transpose_lhs_hint = false} : vector<128x1024xf32>, vector<1024x64xf32>, vector<128x64xf32> -> vector<128x64xf32>
    %swap3A_1091 = arith.constant 0 : index
    %swap3A_1092 = arith.constant 768 : index
    %swap3A_1093 = arith.constant 0 : index
    %swap3A_1094 = vector.load %arg3[%swap3A_1091, %swap3A_1092, %swap3A_1093] : memref<1x1024x64xf32, #tpu.memory_space<vmem>>, vector<1x128x64xf32>
    %swap3A_1095 = vector.shape_cast %swap3A_1094 : vector<1x128x64xf32> to vector<128x64xf32>
    %swap3A_1096 = vector.shape_cast %dot_general3A_1090 : vector<128x64xf32> to vector<1x128x64xf32>
    tpu.vector_store %arg3[%swap3A_1091, %swap3A_1092, %swap3A_1093], %swap3A_1096 {strides = array<i32>} : memref<1x1024x64xf32, #tpu.memory_space<vmem>>, vector<1x128x64xf32>,
    %slice3A_1097 = vector.extract_strided_slice %add3A_407 {offsets = [896, 0], sizes = [128, 1], strides = [1, 1]} : vector<1024x1xf32> to vector<128x1xf32>
    %slice3A_1098 = vector.extract_strided_slice %add3A_409 {offsets = [896, 0], sizes = [128, 1], strides = [1, 1]} : vector<1024x1xf32> to vector<128x1xf32>
    %slice3A_1099 = vector.extract_strided_slice %add3A_411 {offsets = [896, 0], sizes = [128, 1], strides = [1, 1]} : vector<1024x1xf32> to vector<128x1xf32>
    %slice3A_1100 = vector.extract_strided_slice %add3A_413 {offsets = [896, 0], sizes = [128, 1], strides = [1, 1]} : vector<1024x1xf32> to vector<128x1xf32>
    %slice3A_1101 = vector.extract_strided_slice %mul3A_416 {offsets = [896, 0], sizes = [128, 1], strides = [1, 1]} : vector<1024x1xf32> to vector<128x1xf32>
    %max3A_1102 = vector.broadcast %slice3A_1097 : vector<128x1xf32> to vector<128x1024xf32>
    %max3A_1103 = vector.broadcast %concatenate3A_470 : vector<1x1024xf32> to vector<128x1024xf32>
    %max3A_1104 = arith.maximumf %max3A_1102, %max3A_1103 : vector<128x1024xf32>
    %max3A_1105 = vector.broadcast %slice3A_1098 : vector<128x1xf32> to vector<128x1024xf32>
    %max3A_1106 = vector.broadcast %concatenate3A_524 : vector<1x1024xf32> to vector<128x1024xf32>
    %max3A_1107 = arith.maximumf %max3A_1105, %max3A_1106 : vector<128x1024xf32>
    %min3A_1108 = vector.broadcast %slice3A_1099 : vector<128x1xf32> to vector<128x1024xf32>
    %min3A_1109 = vector.broadcast %concatenate3A_578 : vector<1x1024xf32> to vector<128x1024xf32>
    %min3A_1110 = arith.minimumf %min3A_1108, %min3A_1109 : vector<128x1024xf32>
    %min3A_1111 = vector.broadcast %slice3A_1100 : vector<128x1xf32> to vector<128x1024xf32>
    %min3A_1112 = vector.broadcast %concatenate3A_632 : vector<1x1024xf32> to vector<128x1024xf32>
    %min3A_1113 = arith.minimumf %min3A_1111, %min3A_1112 : vector<128x1024xf32>
    %sub3A_1114 = arith.subf %min3A_1110, %max3A_1104 : vector<128x1024xf32>
    %jit3A_1115 = arith.constant 0.000000e+00 : f32
    %max3A_1116 = vector.broadcast %jit3A_1115 : f32 to vector<128x1024xf32>
    %max3A_1117 = arith.maximumf %max3A_1116, %sub3A_1114 : vector<128x1024xf32>
    %sub3A_1118 = arith.subf %min3A_1113, %max3A_1107 : vector<128x1024xf32>
    %jit3A_1119 = arith.constant 0.000000e+00 : f32
    %max3A_1120 = vector.broadcast %jit3A_1119 : f32 to vector<128x1024xf32>
    %max3A_1121 = arith.maximumf %max3A_1120, %sub3A_1118 : vector<128x1024xf32>
    %mul3A_1122 = arith.mulf %max3A_1117, %max3A_1121 : vector<128x1024xf32>
    %add3A_1123 = vector.broadcast %slice3A_1101 : vector<128x1xf32> to vector<128x1024xf32>
    %add3A_1124 = vector.broadcast %concatenate3A_686 : vector<1x1024xf32> to vector<128x1024xf32>
    %add3A_1125 = arith.addf %add3A_1123, %add3A_1124 : vector<128x1024xf32>
    %sub3A_1126 = arith.subf %add3A_1125, %mul3A_1122 : vector<128x1024xf32>
    %add3A_1127 = arith.constant 1.000000e-07 : f32
    %add3A_1128 = vector.broadcast %add3A_1127 : f32 to vector<128x1024xf32>
    %add3A_1129 = arith.addf %sub3A_1126, %add3A_1128 : vector<128x1024xf32>
    %div3A_1130 = arith.divf %mul3A_1122, %add3A_1129 : vector<128x1024xf32>
    %iota3A_1131 = tpu.iota {dimensions = array<i32: 1>} : vector<128x1024xi32>
    %convert_element_type3A_1132 = arith.sitofp %iota3A_1131 : vector<128x1024xi32> to vector<128x1024xf32>
    %iota3A_1133 = tpu.iota {dimensions = array<i32: 0>} : vector<128x1024xi32>
    %convert_element_type3A_1134 = arith.sitofp %iota3A_1133 : vector<128x1024xi32> to vector<128x1024xf32>
    %add3A_1135 = arith.constant 8.960000e+02 : f32
    %add3A_1136 = vector.broadcast %add3A_1135 : f32 to vector<128x1024xf32>
    %add3A_1137 = arith.addf %add3A_1136, %convert_element_type3A_1134 : vector<128x1024xf32>
    %gt3A_1138 = arith.constant 4.500000e-01 : f32
    %gt3A_1139 = vector.broadcast %gt3A_1138 : f32 to vector<128x1024xf32>
    %gt3A_1140 = arith.cmpf ogt, %div3A_1130, %gt3A_1139 : vector<128x1024xf32>
    %gt3A_1141 = arith.cmpf ogt, %convert_element_type3A_1132, %add3A_1137 : vector<128x1024xf32>
    %and3A_1142 = arith.andi %gt3A_1140, %gt3A_1141 : vector<128x1024xi1>
    %convert_element_type3A_1143 = arith.extui %and3A_1142 : vector<128x1024xi1> to vector<128x1024xi32>
    %convert_element_type3A_1144 = arith.sitofp %convert_element_type3A_1143 : vector<128x1024xi32> to vector<128x1024xf32>
    %dot_general3A_1145 = arith.constant dense<0.000000e+00> : vector<128x64xf32>
    %dot_general3A_1146 = tpu.matmul %convert_element_type3A_1144, %select_n3A_706, %dot_general3A_1145 {dimension_numbers = #tpu.dot_dimension_numbers<[1], [0], [0], [1], [0, 0, 1, 1], [], []>, precision = #tpu.contract_precision<fp32>, transpose_lhs_hint = false} : vector<128x1024xf32>, vector<1024x64xf32>, vector<128x64xf32> -> vector<128x64xf32>
    %swap3A_1147 = arith.constant 0 : index
    %swap3A_1148 = arith.constant 896 : index
    %swap3A_1149 = arith.constant 0 : index
    %swap3A_1150 = vector.load %arg3[%swap3A_1147, %swap3A_1148, %swap3A_1149] : memref<1x1024x64xf32, #tpu.memory_space<vmem>>, vector<1x128x64xf32>
    %swap3A_1151 = vector.shape_cast %swap3A_1150 : vector<1x128x64xf32> to vector<128x64xf32>
    %swap3A_1152 = vector.shape_cast %dot_general3A_1146 : vector<128x64xf32> to vector<1x128x64xf32>
    tpu.vector_store %arg3[%swap3A_1147, %swap3A_1148, %swap3A_1149], %swap3A_1152 {strides = array<i32>} : memref<1x1024x64xf32, #tpu.memory_space<vmem>>, vector<1x128x64xf32>,
    %slice3A_1153 = vector.extract_strided_slice %concatenate3A_395 {offsets = [0, 4], sizes = [1024, 1], strides = [1, 1]} : vector<1024x6xf32> to vector<1024x1xf32>
    %iota3A_1154 = tpu.iota {dimensions = array<i32: 0>} : vector<128x128xi32>
    %iota3A_1155 = tpu.iota {dimensions = array<i32: 1>} : vector<128x128xi32>
    %eq3A_1156 = arith.cmpi eq, %iota3A_1154, %iota3A_1155 : vector<128x128xi32>
    %convert_element_type3A_1157 = arith.extui %eq3A_1156 : vector<128x128xi1> to vector<128x128xi32>
    %convert_element_type3A_1158 = arith.sitofp %convert_element_type3A_1157 : vector<128x128xi32> to vector<128x128xf32>
    %slice3A_1159 = vector.extract_strided_slice %slice3A_1153 {offsets = [0, 0], sizes = [128, 1], strides = [1, 1]} : vector<1024x1xf32> to vector<128x1xf32>
    %mul3A_1160 = vector.broadcast %slice3A_1159 : vector<128x1xf32> to vector<128x128xf32>
    %mul3A_1161 = arith.mulf %mul3A_1160, %convert_element_type3A_1158 : vector<128x128xf32>
    %reduce_sum3A_1162 = arith.constant dense<0.000000e+00> : vector<128xf32>
    %reduce_sum3A_1163 = vector.multi_reduction <add>, %mul3A_1161, %reduce_sum3A_1162 [0] : vector<128x128xf32> to vector<128xf32>
    %broadcast_in_dim3A_1164 = vector.shape_cast %reduce_sum3A_1163 : vector<128xf32> to vector<1x128xf32>
    %slice3A_1165 = vector.extract_strided_slice %slice3A_1153 {offsets = [128, 0], sizes = [128, 1], strides = [1, 1]} : vector<1024x1xf32> to vector<128x1xf32>
    %mul3A_1166 = vector.broadcast %slice3A_1165 : vector<128x1xf32> to vector<128x128xf32>
    %mul3A_1167 = arith.mulf %mul3A_1166, %convert_element_type3A_1158 : vector<128x128xf32>
    %reduce_sum3A_1168 = arith.constant dense<0.000000e+00> : vector<128xf32>
    %reduce_sum3A_1169 = vector.multi_reduction <add>, %mul3A_1167, %reduce_sum3A_1168 [0] : vector<128x128xf32> to vector<128xf32>
    %broadcast_in_dim3A_1170 = vector.shape_cast %reduce_sum3A_1169 : vector<128xf32> to vector<1x128xf32>
    %slice3A_1171 = vector.extract_strided_slice %slice3A_1153 {offsets = [256, 0], sizes = [128, 1], strides = [1, 1]} : vector<1024x1xf32> to vector<128x1xf32>
    %mul3A_1172 = vector.broadcast %slice3A_1171 : vector<128x1xf32> to vector<128x128xf32>
    %mul3A_1173 = arith.mulf %mul3A_1172, %convert_element_type3A_1158 : vector<128x128xf32>
    %reduce_sum3A_1174 = arith.constant dense<0.000000e+00> : vector<128xf32>
    %reduce_sum3A_1175 = vector.multi_reduction <add>, %mul3A_1173, %reduce_sum3A_1174 [0] : vector<128x128xf32> to vector<128xf32>
    %broadcast_in_dim3A_1176 = vector.shape_cast %reduce_sum3A_1175 : vector<128xf32> to vector<1x128xf32>
    %slice3A_1177 = vector.extract_strided_slice %slice3A_1153 {offsets = [384, 0], sizes = [128, 1], strides = [1, 1]} : vector<1024x1xf32> to vector<128x1xf32>
    %mul3A_1178 = vector.broadcast %slice3A_1177 : vector<128x1xf32> to vector<128x128xf32>
    %mul3A_1179 = arith.mulf %mul3A_1178, %convert_element_type3A_1158 : vector<128x128xf32>
    %reduce_sum3A_1180 = arith.constant dense<0.000000e+00> : vector<128xf32>
    %reduce_sum3A_1181 = vector.multi_reduction <add>, %mul3A_1179, %reduce_sum3A_1180 [0] : vector<128x128xf32> to vector<128xf32>
    %broadcast_in_dim3A_1182 = vector.shape_cast %reduce_sum3A_1181 : vector<128xf32> to vector<1x128xf32>
    %slice3A_1183 = vector.extract_strided_slice %slice3A_1153 {offsets = [512, 0], sizes = [128, 1], strides = [1, 1]} : vector<1024x1xf32> to vector<128x1xf32>
    %mul3A_1184 = vector.broadcast %slice3A_1183 : vector<128x1xf32> to vector<128x128xf32>
    %mul3A_1185 = arith.mulf %mul3A_1184, %convert_element_type3A_1158 : vector<128x128xf32>
    %reduce_sum3A_1186 = arith.constant dense<0.000000e+00> : vector<128xf32>
    %reduce_sum3A_1187 = vector.multi_reduction <add>, %mul3A_1185, %reduce_sum3A_1186 [0] : vector<128x128xf32> to vector<128xf32>
    %broadcast_in_dim3A_1188 = vector.shape_cast %reduce_sum3A_1187 : vector<128xf32> to vector<1x128xf32>
    %slice3A_1189 = vector.extract_strided_slice %slice3A_1153 {offsets = [640, 0], sizes = [128, 1], strides = [1, 1]} : vector<1024x1xf32> to vector<128x1xf32>
    %mul3A_1190 = vector.broadcast %slice3A_1189 : vector<128x1xf32> to vector<128x128xf32>
    %mul3A_1191 = arith.mulf %mul3A_1190, %convert_element_type3A_1158 : vector<128x128xf32>
    %reduce_sum3A_1192 = arith.constant dense<0.000000e+00> : vector<128xf32>
    %reduce_sum3A_1193 = vector.multi_reduction <add>, %mul3A_1191, %reduce_sum3A_1192 [0] : vector<128x128xf32> to vector<128xf32>
    %broadcast_in_dim3A_1194 = vector.shape_cast %reduce_sum3A_1193 : vector<128xf32> to vector<1x128xf32>
    %slice3A_1195 = vector.extract_strided_slice %slice3A_1153 {offsets = [768, 0], sizes = [128, 1], strides = [1, 1]} : vector<1024x1xf32> to vector<128x1xf32>
    %mul3A_1196 = vector.broadcast %slice3A_1195 : vector<128x1xf32> to vector<128x128xf32>
    %mul3A_1197 = arith.mulf %mul3A_1196, %convert_element_type3A_1158 : vector<128x128xf32>
    %reduce_sum3A_1198 = arith.constant dense<0.000000e+00> : vector<128xf32>
    %reduce_sum3A_1199 = vector.multi_reduction <add>, %mul3A_1197, %reduce_sum3A_1198 [0] : vector<128x128xf32> to vector<128xf32>
    %broadcast_in_dim3A_1200 = vector.shape_cast %reduce_sum3A_1199 : vector<128xf32> to vector<1x128xf32>
    %slice3A_1201 = vector.extract_strided_slice %slice3A_1153 {offsets = [896, 0], sizes = [128, 1], strides = [1, 1]} : vector<1024x1xf32> to vector<128x1xf32>
    %mul3A_1202 = vector.broadcast %slice3A_1201 : vector<128x1xf32> to vector<128x128xf32>
    %mul3A_1203 = arith.mulf %mul3A_1202, %convert_element_type3A_1158 : vector<128x128xf32>
    %reduce_sum3A_1204 = arith.constant dense<0.000000e+00> : vector<128xf32>
    %reduce_sum3A_1205 = vector.multi_reduction <add>, %mul3A_1203, %reduce_sum3A_1204 [0] : vector<128x128xf32> to vector<128xf32>
    %broadcast_in_dim3A_1206 = vector.shape_cast %reduce_sum3A_1205 : vector<128xf32> to vector<1x128xf32>
    %concatenate3A_1207 = tpu.concatenate %broadcast_in_dim3A_1164, %broadcast_in_dim3A_1170, %broadcast_in_dim3A_1176, %broadcast_in_dim3A_1182, %broadcast_in_dim3A_1188, %broadcast_in_dim3A_1194, %broadcast_in_dim3A_1200, %broadcast_in_dim3A_1206 in 1 : vector<1x128xf32>, vector<1x128xf32>, vector<1x128xf32>, vector<1x128xf32>, vector<1x128xf32>, vector<1x128xf32>, vector<1x128xf32>, vector<1x128xf32> -> vector<1x1024xf32>
    %iota3A_1208 = tpu.iota {dimensions = array<i32: 1>} : vector<1x1024xi32>
    %gt3A_1209 = arith.constant 0.000000e+00 : f32
    %gt3A_1210 = vector.broadcast %gt3A_1209 : f32 to vector<1x1024xf32>
    %gt3A_1211 = arith.cmpf ogt, %concatenate3A_1207, %gt3A_1210 : vector<1x1024xf32>
    %lt3A = arith.constant 1000 : i32
    %lt3A_1212 = vector.broadcast %lt3A : i32 to vector<1x1024xi32>
    %lt3A_1213 = arith.cmpi slt, %iota3A_1208, %lt3A_1212 : vector<1x1024xi32>
    %and3A_1214 = arith.andi %gt3A_1211, %lt3A_1213 : vector<1x1024xi1>
    %convert_element_type3A_1215 = arith.extui %and3A_1214 : vector<1x1024xi1> to vector<1x1024xi32>
    %convert_element_type3A_1216 = arith.sitofp %convert_element_type3A_1215 : vector<1x1024xi32> to vector<1x1024xf32>
    %dot_general3A_1217 = arith.constant dense<0.000000e+00> : vector<1x64xf32>
    %dot_general3A_1218 = tpu.matmul %convert_element_type3A_1216, %select_n3A_706, %dot_general3A_1217 {dimension_numbers = #tpu.dot_dimension_numbers<[1], [0], [0], [1], [0, 0, 1, 1], [], []>, precision = #tpu.contract_precision<fp32>, transpose_lhs_hint = false} : vector<1x1024xf32>, vector<1024x64xf32>, vector<1x64xf32> -> vector<1x64xf32>
    %swap3A_1219 = arith.constant 0 : index
    %swap3A_1220 = arith.constant 0 : index
    %swap3A_1221 = arith.constant 0 : index
    %swap3A_1222 = vector.load %arg4[%swap3A_1219, %swap3A_1220, %swap3A_1221] : memref<1x1x64xf32, #tpu.memory_space<vmem>>, vector<1x1x64xf32>
    %swap3A_1223 = vector.shape_cast %swap3A_1222 : vector<1x1x64xf32> to vector<1x64xf32>
    %swap3A_1224 = vector.shape_cast %dot_general3A_1218 : vector<1x64xf32> to vector<1x1x64xf32>
    tpu.vector_store %arg4[%swap3A_1219, %swap3A_1220, %swap3A_1221], %swap3A_1224 {strides = array<i32>} : memref<1x1x64xf32, #tpu.memory_space<vmem>>, vector<1x1x64xf32>,
    return
  }
  func.func @transform_0(%arg0: i32) -> (i32, i32, i32) {
    %c0_i32 = arith.constant 0 : i32
    %c0_i32_0 = arith.constant 0 : i32
    %c0_i32_1 = arith.constant 0 : i32
    return %arg0, %c0_i32, %c0_i32_0 : i32, i32, i32
  }
  func.func @transform_1(%arg0: i32) -> (i32, i32, i32) {
    %c0_i32 = arith.constant 0 : i32
    %c0_i32_0 = arith.constant 0 : i32
    %c0_i32_1 = arith.constant 0 : i32
    return %arg0, %c0_i32, %c0_i32_0 : i32, i32, i32
  }
  func.func @transform_2(%arg0: i32) -> (i32, i32, i32) {
    %c0_i32 = arith.constant 0 : i32
    %c0_i32_0 = arith.constant 0 : i32
    %c0_i32_1 = arith.constant 0 : i32
    return %arg0, %c0_i32, %c0_i32_0 : i32, i32, i32
  }
  func.func @transform_3(%arg0: i32) -> (i32, i32, i32) {
    %c0_i32 = arith.constant 0 : i32
    %c0_i32_0 = arith.constant 0 : i32
    %c0_i32_1 = arith.constant 0 : i32
    return %arg0, %c0_i32, %c0_i32_0 : i32, i32, i32
  }
}

</mosaic_0001>

<sc_bundles>
// kernel: kernel.5.cloned.1.call-start
scs
__scs_entry_jumppad:
0x0: {  	(pc) =	sbr.rel $0x88, $3  }
0x1: {  	(tag) =	ssettag $0x0;
	lr =	simm.s32 $0x1  }
0x2: {  	[smem:$0x3FA0] =	sst lr;
	_ =	strace $0xD0000000  }
0x3: {  	_ = 	snop  }
0x4: {  	_ = 	snop  }
0x5: {  	_ = 	snop  }
0x6: {  	_ = 	snop  }
0x7: {  	_ = 	snop  }
__scs_overlays_trampoline_lowered:
0x8: {  	[smem:$0x3FAF] =	sst s0  }
0x9: {  	[smem:$0x3FB0] =	sst s1  }
0xa: {  	[smem:$0x3FB1] =	sst s2  }
0xb: {  	[smem:$0x3FB2] =	sst s3  }
0xc: {  	[smem:$0x3FB3] =	sst s4  }
0xd: {  	[smem:$0x3FB4] =	sst s5  }
0xe: {  	[smem:$0x3FB5] =	sst s6  }
0xf: {  	[smem:$0x3FB6] =	sst s7  }
0x10: {  	[smem:$0x3FB7] =	sst s8  }
0x11: {  	[smem:$0x3FB8] =	sst s9;
	s0 =	simm.s32 @!p0 $0x0  }
0x12: {  	s1 =	sld [smem:$0x3F9E];
	s0 =	simm.s32 @p0 $0x1  }
0x13: {  	[smem:$0x3FB9] =	sst s0;
	s0 =	simm.s32 @!p1 $0x0  }
0x14: {  	s2 =	sld [smem:$0x3F9D];
	s0 =	simm.s32 @p1 $0x1  }
0x15: {  	[smem:$0x3FBA] =	sst s0;
	s0 =	simm.s32 @!p2 $0x0  }
0x16: {  	s3 =	sld [smem:$0x3FDB];
	s0 =	simm.s32 @p2 $0x1  }
0x17: {  	s4 =	simm.s32 $0x1BF5;
	[smem:$0x3FBC] =	sst s0  }
0x18: {  	s0 =	sld [smem:$0x3F9F];
	_ =	swait.ge [sflag:s4], $0x0  }
0x19: {  	s7 =	sld [smem:$0x3FA0]  }
0x1a: {  	s8 =	sadd.s32 $0xFFFFE003, lr  }
0x1b: {  	s9 =	sadd.s32 $0xFFFFFEF7, lr;
	s5 =	simm.s32 $0xFFFFFFFF;
	p2 =	slt.u32 s8, $0xFFFFF086  }
0x1c: {  	p1 =	slt.u32 s9, $0xF7A;
	s5 =	simm.s32 @!p2 $0x0  }
0x1d: {  	s5 =	simm.s32 @p1 $0x1;
	p0 =	seq.s32 s7, s2  }
0x1e: {  	s7 =	smul.u32 @!p0 $0xF7A, s2;
	p2 =	seq.s32 @!p0 s5, $0x0  }
0x1f: {  	s9 =	smul.u32 $0xF7A, s1;
	s8 =	simm.s32 @!p0 $0x1BF5;
	p2 =	por !p2, p0  }
0x20: {  	[sflag:s8] =	ssyncset.s32 @!p0 $0xFFFFF086;
	s6 =	sadd.s32 @!p0 s3, s7;
	s7 =	simm.s32 @!p0 $0x108  }
0x21: {  	s3 =	sadd.s32 s3, s9;
	s6 =	sadd.s32 @!p0 $0x88, s6;
	s7 =	simm.s32 @p2 $0x1082  }
0x22: {  	[simem:s7], [sflag:s8] =	dma.local @!p0 [hbm:s6], $0xF7A  }
0x23: {  	s9 =	sor.u32 $0xD0000000, s2;
	s6 =	simm.s32 $0x108;
	_ =	swait.ge @!p0 [sflag:s8], $0x0  }
0x24: {  	s3 =	sadd.s32 $0x88, s3;
	s6 =	simm.s32 @!p1 $0x1082;
	[sflag:s4] =	ssyncset.s32 $0xFFFFF086  }
0x25: {  	[simem:s6], [sflag:s4] =	dma.local [hbm:s3], $0xF7A  }
0x26: {  	[smem:$0x3FA0] =	sst s1;
	(tag) =	ssettag s2;
	_ =	strace s9  }
0x27: {  	s1 =	sld [smem:$0x3FB0]  }
0x28: {  	s2 =	sld [smem:$0x3FB1]  }
0x29: {  	s4 =	sld [smem:$0x3FB3]  }
0x2a: {  	p0 =	seq.s32 s5, $0x0;
	s5 =	sld [smem:$0x3FB4]  }
0x2b: {  	s6 =	sld [smem:$0x3FB5]  }
0x2c: {  	s7 =	sld [smem:$0x3FB6]  }
0x2d: {  	s3 =	simm.s32 $0x108;
	s8 =	sld [smem:$0x3FB7]  }
0x2e: {  	s3 =	simm.s32 @!p0 $0x1082;
	s9 =	sld [smem:$0x3FB8]  }
0x2f: {  	lr =	sadd.s32 s0, s3;
	s0 =	sld [smem:$0x3FAF]  }
0x30: {  	s3 =	sld [smem:$0x3FB2]  }
0x31: {  	[smem:$0x3FBB] =	sst s10  }
0x32: {  	s10 =	sld [smem:$0x3FB9];
	_ =	sdelay $0x3  }
0x33: {  	p0 =	seq.s32 s10, $0x1;
	s10 =	sld [smem:$0x3FBB];
	_ =	sdelay $0x3  }
0x34: {  	[smem:$0x3FBB] =	sst s10  }
0x35: {  	s10 =	sld [smem:$0x3FBA];
	_ =	sdelay $0x3  }
0x36: {  	p1 =	seq.s32 s10, $0x1;
	s10 =	sld [smem:$0x3FBB];
	_ =	sdelay $0x3  }
0x37: {  	[smem:$0x3FBB] =	sst s10  }
0x38: {  	s10 =	sld [smem:$0x3FBC]  }
0x39: {  	_ = 	snop;
	(pc) =	sbr.ind lr, $3  }
0x3a: {  	_ = 	snop  }
0x3b: {  	_ = 	snop  }
0x3c: {  	p2 =	seq.s32 s10, $0x1;
	s10 =	sld [smem:$0x3FBB]  }
0x3d: {  	_ =	shalt  }
0x3e: {  	_ =	shalt  }
0x3f: {  	_ =	shalt  }
0x40: {  	_ =	shalt  }
0x41: {  	_ =	shalt  }
0x42: {  	_ =	shalt  }
0x43: {  	_ =	shalt  }
0x44: {  	_ =	shalt  }
0x45: {  	_ =	shalt  }
0x46: {  	_ =	shalt  }
0x47: {  	_ =	shalt  }
0x48: {  	_ =	shalt  }
0x49: {  	_ =	shalt  }
0x4a: {  	_ =	shalt  }
0x4b: {  	_ =	shalt  }
0x4c: {  	_ =	shalt  }
0x4d: {  	_ =	shalt  }
0x4e: {  	_ =	shalt  }
0x4f: {  	_ =	shalt  }
0x50: {  	_ =	shalt  }
0x51: {  	_ =	shalt  }
0x52: {  	_ =	shalt  }
0x53: {  	_ =	shalt  }
0x54: {  	_ =	shalt  }
0x55: {  	_ =	shalt  }
0x56: {  	_ =	shalt  }
0x57: {  	_ =	shalt  }
0x58: {  	_ =	shalt  }
0x59: {  	_ =	shalt  }
0x5a: {  	_ =	shalt  }
0x5b: {  	_ =	shalt  }
0x5c: {  	_ =	shalt  }
0x5d: {  	_ =	shalt  }
0x5e: {  	_ =	shalt  }
0x5f: {  	_ =	shalt  }
0x60: {  	_ =	shalt  }
0x61: {  	_ =	shalt  }
0x62: {  	_ =	shalt  }
0x63: {  	_ =	shalt  }
0x64: {  	_ =	shalt  }
0x65: {  	_ =	shalt  }
0x66: {  	_ =	shalt  }
0x67: {  	_ =	shalt  }
0x68: {  	_ =	shalt  }
0x69: {  	_ =	shalt  }
0x6a: {  	_ =	shalt  }
0x6b: {  	_ =	shalt  }
0x6c: {  	_ =	shalt  }
0x6d: {  	_ =	shalt  }
0x6e: {  	_ =	shalt  }
0x6f: {  	_ =	shalt  }
0x70: {  	_ =	shalt  }
0x71: {  	_ =	shalt  }
0x72: {  	_ =	shalt  }
0x73: {  	_ =	shalt  }
0x74: {  	_ =	shalt  }
0x75: {  	_ =	shalt  }
0x76: {  	_ =	shalt  }
0x77: {  	_ =	shalt  }
0x78: {  	_ =	shalt  }
0x79: {  	_ =	shalt  }
0x7a: {  	_ =	shalt  }
0x7b: {  	_ =	shalt  }
0x7c: {  	_ =	shalt  }
0x7d: {  	_ =	shalt  }
0x7e: {  	_ =	shalt  }
0x7f: {  	_ =	shalt  }
0x80: {  	_ =	shalt  }
0x81: {  	_ =	shalt  }
0x82: {  	_ =	shalt  }
0x83: {  	_ =	shalt  }
0x84: {  	_ =	shalt  }
0x85: {  	_ =	shalt  }
0x86: {  	_ =	shalt  }
0x87: {  	_ =	shalt  }
.Lfunc_end0:
.L_simem_size_0:
called_computation_lowered:
.L_overlay_start_0:
0x88: {  	s2 =	sld [smem:$0x3FD9]  }
0x89: {  	s3 =	sld [smem:$0x3FFE];
	_ =	sdelay $0x1  }
0x8a: {  	s1 =	srdreg.scid  }
0x8b: {  	s0 =	sand.u32 $0x1, s1  }
0x8c: {  	s17 =	sshll.u32 s0, $0xA;
	s2 =	sadd.s32 s3, s2  }
0x8d: {  	s2 =	sadd.s32 s2, s17  }
0x8e: {  	[smem:$0x3FC7] =	sst s2  }
0x8f: {  	_ = 	snop  }
0x90: {  	s2 =	sld [smem:$0x3FD0];
	(tm) =	ssettm $0x1  }
0x91: {  	s18 =	sld [smem:$0x3FFB];
	_ =	sdelay $0x3  }
0x92: {  	_ =	strace s18  }
0x93: {  	s3 =	sld [smem:$0x3FFC];
	_ =	sdelay $0x3  }
0x94: {  	_ =	strace s3  }
0x95: {  	s3 =	sld [smem:$0x3FFD];
	_ =	sdelay $0x3  }
0x96: {  	_ =	strace s3  }
0x97: {  	_ =	strace $0x8FFFFFFF  }
0x98: {  	s19 =	sld [smem:$0x3FDB];
	_ =	sdelay $0x1  }
0x99: {  	s4 =	simm.s32 $_scs_section_size  }
0x9a: {  	s5 =	simm.s32 $_size__tile_overlayer_lowered;
	s6 =	simm.s32 $_tile_overlayer_lowered  }
0x9b: {  	s22 =	simm.s32 $0x1BFF;
	s21 =	sshll.u32 s6, $0x1;
	s3 =	sadd.s32 s4, s19  }
0x9c: {  	s7 =	simm.s32 $0x0;
	s20 =	sshll.u32 s5, $0x1;
	s5 =	sadd.s32 s21, s3  }
0x9d: {  	[timem:s7], [sflag:s22] =	dma.local [hbm:s5], s20  }
0x9e: {  	_ =	swait.ge [sflag:s22], s20  }
0x9f: {  	s4 =	ssub.s32 $0x0, s20;
	[sflag:s22] =	ssyncset.done $0x0  }
0xa0: {  	[sflag:s22] =	ssyncadd.s32 s4;
	_ =	sdelay $0x1  }
0xa1: {  	s23 =	simm.s32 $0x1B8B  }
0xa2: {  	_ =	swait.ge [sflag:s23], $0x1  }
0xa3: {  	[sflag:s23] =	ssyncset.done $0x0  }
0xa4: {  	s25 =	simm.s32 $0x1B8E;
	s24 =	sld [smem:$0x3FFE];
	[sflag:s23] =	ssyncadd.s32 $0xFFFFFFFF  }
0xa5: {  	s26 =	simm.s32 $execute0_lowered;
	[smem:$0x3FD2] =	sst s25  }
0xa6: {  	s5 =	sshll.u32 s26, $0x1;
	_ =	strace $0x80000046;
	[dreg:$0x1] =	wrdreg $0xFFFFFFFF  }
0xa7: {  	s28 =	simm.s32 $_size_execute0_lowered;
	s3 =	sadd.s32 s3, s5;
	[dreg:$0x0] =	wrdreg $0x0  }
0xa8: {  	s5 =	sshll.u32 s28, $0x1;
	[dreg:$0x2] =	wrdreg s3  }
0xa9: {  	[dreg:$0x3] =	wrdreg s5  }
0xaa: {  	[dreg:$0x4] =	wrdreg $0xC0  }
0xab: {  	_ =	task [dreg:s7], $0x5FFFF  }
0xac: {  	[dreg:$0x1] =	wrdreg $0xFFFFFFFF  }
0xad: {  	[dreg:$0x0] =	wrdreg $0x60  }
0xae: {  	[dreg:$0x2] =	wrdreg s24  }
0xaf: {  	[dreg:$0x3] =	wrdreg s2  }
0xb0: {  	[dreg:$0x4] =	wrdreg $0x9  }
0xb1: {  	_ =	task.clear_ibuf [dreg:s7], $0x5FFFF;
	_ =	strace $0x90000046  }
0xb2: {  	s29 =	simm.s32 $0x9;
	_ =	strace $0x80000048  }
0xb3: {  	_ =	swait.ge [sflag:s29], $0x1  }
0xb4: {  	[sflag:s29] =	ssyncadd.s32 $0xFFFFFFFF  }
0xb5: {  	_ =	strace $0x90000048  }
0xb6: {  	_ =	sfence  }
0xb7: {  	s30 =	sld [smem:$0x0];
	_ =	sdelay $0x2  }
0xb8: {  	s31 =	sshll.u32 s1, $0xD;
	s1 =	sshrl.u32 s1, $0x2  }
0xb9: {  	s3 =	sand.u32 $0x4000, s31;
	s1 =	sadd.s32 s1, s30  }
0xba: {  	s0 =	sor.u32 s3, s0;
	s1 =	sshll.u32 s1, $0x11  }
0xbb: {  	s0 =	sor.u32 s1, s0  }
0xbc: {  	s0 =	sadd.s32 $0x8F2B, s0  }
0xbd: {  	[sflag:s0] =	ssyncadd.remote.s32 $0x1  }
0xbe: {  	_ =	sfence.sel $0xFFFF  }
0xbf: {  	[dreg:$0x0] =	wrdreg $0xFFFFFFFF;
	(pc) =	sbr.abs _section_cstart, $3  }
0xc0: {  	[dreg:$0x1] =	wrdreg $0xFFFFFFFF  }
0xc1: {  	_ =	task.clear_ibuf [dreg:s7], $0x2FFFF;
	_ =	strace $0x9FFFFFFF  }
0xc2: {  	(tm) =	ssettm $0x7FFFFFFF  }
0xc3: {  	_ =	shalt  }
tec
execute0_lowered:
.L_overlay_start_1:
0x0: {  	(tag) =	ssettag $0x1  }
0x1: {  	s1 =	stileid.u32  }
0x2: {  	p0 =	sgt.u32 s1, $0x3  }
.Ltmp0:
0x3: {  	_ = 	snop;
	(pc) =	sbr.rel @p0 .LBB2_5-.Ltmp0, $4  }
0x4: {  	s3 =	rddreg [dreg:$0x0]  }
0x5: {  	s4 =	rddreg [dreg:$0x1];
	s2 =	simm.s32 $0x0  }
0x6: {  	[smem:$0x7FF] =	sst s2  }
0x7: {  	s0 =	rddreg [dreg:$0x2];
	_ =	strace $0x80000047  }
0x8: {  	s5 =	srdreg.scid  }
0x9: {  	s6 =	sshll.u32 s1, $0x5;
	s8 =	sadd.s32 $0xA00, s3;
	s5 =	sand.u32 $0x1, s5  }
0xa: {  	s9 =	simm.s32 $0x1;
	s10 =	simm.s32 $0x10080;
	s7 =	sshll.u32 s5, $0x4  }
0xb: {  	s11 =	simm.s32 $0x10100;
	s5 =	ssub.s32 $0x2, s5;
	s6 =	sor.u32 s7, s6  }
0xc: {  	s31 =	sshrl.u32 s5, $0x1;
	s7 =	sadd.s32 s6, s3;
	s4 =	sadd.s32 s4, s6  }
0xd: {  	s3 =	sadd.s32 $0x800, s7;
	s7 =	ssub.s32 s5, s31;
	s5 =	sadd.s32 s8, s6  }
0xe: {  	v0 =	vlaneseq.u32;
	s8 =	simm.s32 $0x400;
	s6 =	smax.u32 s7, $0x1;
	s7 =	simm.s32 $0x80  }
.LBB2_2:
0xf: {  	s12 =	simm.s32 $0x0  }
0x10: {  	[tilespmem:s12], [sflag:$0x1] =	stream.strided.gather [hbm4b:s5+s7], $0x10000, s8, s7, $0x38;
	[tilespmem:$0x10500] =	vst v63  }
0x11: {  	_ =	swait.ge [sflag:s9], $0x10000  }
0x12: {  	[sflag:s9] =	ssyncset.done $0x0  }
0x13: {  	[sflag:s9] =	ssyncadd.s32 $0xFFFF0000  }
0x14: {  	[tilespmem:s10], [sflag:$0x1] =	stream.linear.gather [hbm4b:s3+s12], $0x80, $0x38;
	[tilespmem:$0x10500] =	vst v63  }
0x15: {  	_ =	swait.ge [sflag:s9], $0x80  }
0x16: {  	[sflag:s9] =	ssyncset.done $0x0  }
0x17: {  	[sflag:s9] =	ssyncadd.s32 $0xFFFFFF80  }
0x18: {  	v1 =	vld [tilespmem:$0x10080]  }
0x19: {  	v2 =	vld [tilespmem:$0x10090]  }
0x1a: {  	v3 =	vld [tilespmem:$0x100A0]  }
0x1b: {  	v4 =	vld [tilespmem:$0x100B0];
	_ =	sdelay $0x1  }
0x1c: {  	v1 =	vtrunc.f32 v1  }
0x1d: {  	v5 =	vcvt.f32.s32 v1;
	v1 =	vtrunc.f32 v2  }
0x1e: {  	v6 =	vcvt.f32.s32 v1;
	v1 =	vtrunc.f32 v3  }
0x1f: {  	[tilespmem:$0x10000] =	vst v5;
	v7 =	vcvt.f32.s32 v1;
	v1 =	vtrunc.f32 v4  }
0x20: {  	[tilespmem:$0x10010] =	vst v6;
	v1 =	vcvt.f32.s32 v1  }
0x21: {  	[tilespmem:$0x10020] =	vst v7  }
0x22: {  	s13 =	simm.s32 $0x0;
	[tilespmem:$0x10030] =	vst v1  }
0x23: {  	v2 =	vld [tilespmem:s13+$0x10000];
	_ =	sdelay $0x4  }
0x24: {  	(v2sf) =	vpush v2, $0x0;
	_ =	sdelay $0xe  }
0x25: {  	s12 =	sand.u32 $0xF, s12;
	s31 =	spop (v2sf)  }
0x26: {  	s12 =	sshrl.u32 s31, s12  }
0x27: {  	s13 =	sand.u32 $0x1, s12  }
0x28: {  	s12 =	simm.s32 $0x20;
	p0 =	seq.s32 s13, $0x0  }
0x29: {  	v2 =	vld @!p0 [tilespmem:s12+$0xFFFFFFE0];
	_ =	sdelay $0x4  }
0x2a: {  	v2 =	vtrunc.f32 @!p0 v2  }
0x2b: {  	v2 =	vcvt.f32.s32 @!p0 v2;
	_ =	sdelay $0x1  }
0x2c: {  	v2 =	vandn.u32 @!p0 v5, v2  }
0x2d: {  	[tilespmem:$0x10000] =	vst @!p0 v2  }
0x2e: {  	v3 =	vld @!p0 [tilespmem:s12+$0xFFFFFFF0];
	_ =	sdelay $0x4  }
0x2f: {  	v3 =	vtrunc.f32 @!p0 v3  }
0x30: {  	v3 =	vcvt.f32.s32 @!p0 v3;
	_ =	sdelay $0x1  }
0x31: {  	v3 =	vandn.u32 @!p0 v6, v3  }
0x32: {  	[tilespmem:$0x10010] =	vst @!p0 v3  }
0x33: {  	v4 =	vld @!p0 [tilespmem:s12+$0x0];
	_ =	sdelay $0x4  }
0x34: {  	v4 =	vtrunc.f32 @!p0 v4  }
0x35: {  	v4 =	vcvt.f32.s32 @!p0 v4;
	_ =	sdelay $0x1  }
0x36: {  	v4 =	vandn.u32 @!p0 v7, v4  }
0x37: {  	[tilespmem:$0x10020] =	vst @!p0 v4  }
0x38: {  	v8 =	vld @!p0 [tilespmem:s12+$0x10];
	_ =	sdelay $0x4  }
0x39: {  	v8 =	vtrunc.f32 @!p0 v8  }
0x3a: {  	v8 =	vcvt.f32.s32 @!p0 v8  }
0x3b: {  	v2 =	vpsel p0, v5, v2  }
0x3c: {  	s13 =	simm.s32 $0x1;
	v3 =	vpsel p0, v6, v3;
	v4 =	vpsel p0, v7, v4;
	v5 =	vandn.u32 @!p0 v1, v8  }
.LBB2_3:
0x3d: {  	s14 =	sshrl.u32 s13, $0x4;
	[tilespmem:$0x10030] =	vst @!p0 v5;
	v1 =	vpsel p0, v1, v5;
	s15 =	smov.u32 s13;
	s13 =	sadd.s32 $0x1, s13  }
0x3e: {  	v5 =	vld [tilespmem:s14+$0x10000];
	p1 =	sne.s32 s13, $0x3E8;
	_ =	sdelay $0x4  }
0x3f: {  	(v2sf) =	vpush v5, $0x0;
	_ =	sdelay $0xe  }
0x40: {  	s14 =	sand.u32 $0xF, s15;
	s15 =	spop (v2sf)  }
0x41: {  	s14 =	sshrl.u32 s15, s14  }
0x42: {  	s14 =	sand.u32 $0x1, s14  }
0x43: {  	s12 =	sadd.s32 $0x40, s12;
	p0 =	seq.s32 s14, $0x0  }
0x44: {  	v5 =	vld @!p0 [tilespmem:s12+$0xFFFFFFE0];
	_ =	sdelay $0x4  }
0x45: {  	v5 =	vtrunc.f32 @!p0 v5  }
0x46: {  	v5 =	vcvt.f32.s32 @!p0 v5;
	_ =	sdelay $0x1  }
0x47: {  	v5 =	vandn.u32 @!p0 v2, v5  }
0x48: {  	[tilespmem:$0x10000] =	vst @!p0 v5;
	v2 =	vpsel p0, v2, v5  }
0x49: {  	v5 =	vld @!p0 [tilespmem:s12+$0xFFFFFFF0];
	_ =	sdelay $0x4  }
0x4a: {  	v5 =	vtrunc.f32 @!p0 v5  }
0x4b: {  	v5 =	vcvt.f32.s32 @!p0 v5;
	_ =	sdelay $0x1  }
0x4c: {  	v5 =	vandn.u32 @!p0 v3, v5  }
0x4d: {  	[tilespmem:$0x10010] =	vst @!p0 v5;
	v3 =	vpsel p0, v3, v5  }
0x4e: {  	v5 =	vld @!p0 [tilespmem:s12+$0x0];
	_ =	sdelay $0x4  }
0x4f: {  	v5 =	vtrunc.f32 @!p0 v5  }
0x50: {  	v5 =	vcvt.f32.s32 @!p0 v5;
	_ =	sdelay $0x1  }
0x51: {  	v5 =	vandn.u32 @!p0 v4, v5  }
0x52: {  	[tilespmem:$0x10020] =	vst @!p0 v5;
	v4 =	vpsel p0, v4, v5  }
0x53: {  	v5 =	vld @!p0 [tilespmem:s12+$0x10];
	_ =	sdelay $0x3  }
.Ltmp1:
0x54: {  	(pc) =	sbr.rel @p1 .LBB2_3-.Ltmp1, $3  }
0x55: {  	v5 =	vtrunc.f32 @!p0 v5  }
0x56: {  	v5 =	vcvt.f32.s32 @!p0 v5;
	_ =	sdelay $0x1  }
0x57: {  	v5 =	vandn.u32 @!p0 v1, v5  }
0x58: {  	v1 =	vbroadcast v2, $0x0;
	_ =	sdelay $0x1  }
0x59: {  	v1 =	vshrl.u32 v1, v0  }
0x5a: {  	v1 =	vand.u32 $0x1, v1  }
0x5b: {  	v1 =	vcvt.s32.f32 v1  }
0x5c: {  	[tilespmem:$0x10030] =	vst @!p0 v5  }
0x5d: {  	[tilespmem:$0x10100] =	vst v1  }
0x5e: {  	v1 =	vld.msk [tilespmem:$0x10001 ss:$0x0], $0xffff;
	_ =	sdelay $0x4  }
0x5f: {  	v1 =	vshrl.u32 v1, v0  }
0x60: {  	v1 =	vand.u32 $0x1, v1  }
0x61: {  	v1 =	vcvt.s32.f32 v1;
	_ =	sdelay $0x1  }
0x62: {  	[tilespmem:$0x10110] =	vst v1  }
0x63: {  	v1 =	vld.msk [tilespmem:$0x10002 ss:$0x0], $0xffff;
	_ =	sdelay $0x4  }
0x64: {  	v1 =	vshrl.u32 v1, v0  }
0x65: {  	v1 =	vand.u32 $0x1, v1  }
0x66: {  	v1 =	vcvt.s32.f32 v1;
	_ =	sdelay $0x1  }
0x67: {  	[tilespmem:$0x10120] =	vst v1  }
0x68: {  	v1 =	vld.msk [tilespmem:$0x10003 ss:$0x0], $0xffff;
	_ =	sdelay $0x4  }
0x69: {  	v1 =	vshrl.u32 v1, v0  }
0x6a: {  	v1 =	vand.u32 $0x1, v1  }
0x6b: {  	v1 =	vcvt.s32.f32 v1;
	_ =	sdelay $0x1  }
0x6c: {  	[tilespmem:$0x10130] =	vst v1  }
0x6d: {  	v1 =	vld.msk [tilespmem:$0x10004 ss:$0x0], $0xffff;
	_ =	sdelay $0x4  }
0x6e: {  	v1 =	vshrl.u32 v1, v0  }
0x6f: {  	v1 =	vand.u32 $0x1, v1  }
0x70: {  	v1 =	vcvt.s32.f32 v1;
	_ =	sdelay $0x1  }
0x71: {  	[tilespmem:$0x10140] =	vst v1  }
0x72: {  	v1 =	vld.msk [tilespmem:$0x10005 ss:$0x0], $0xffff;
	_ =	sdelay $0x4  }
0x73: {  	v1 =	vshrl.u32 v1, v0  }
0x74: {  	v1 =	vand.u32 $0x1, v1  }
0x75: {  	v1 =	vcvt.s32.f32 v1;
	_ =	sdelay $0x1  }
0x76: {  	[tilespmem:$0x10150] =	vst v1  }
0x77: {  	v1 =	vld.msk [tilespmem:$0x10006 ss:$0x0], $0xffff;
	_ =	sdelay $0x4  }
0x78: {  	v1 =	vshrl.u32 v1, v0  }
0x79: {  	v1 =	vand.u32 $0x1, v1  }
0x7a: {  	v1 =	vcvt.s32.f32 v1;
	_ =	sdelay $0x1  }
0x7b: {  	[tilespmem:$0x10160] =	vst v1  }
0x7c: {  	v1 =	vld.msk [tilespmem:$0x10007 ss:$0x0], $0xffff;
	_ =	sdelay $0x4  }
0x7d: {  	v1 =	vshrl.u32 v1, v0  }
0x7e: {  	v1 =	vand.u32 $0x1, v1  }
0x7f: {  	v1 =	vcvt.s32.f32 v1;
	_ =	sdelay $0x1  }
0x80: {  	[tilespmem:$0x10170] =	vst v1  }
0x81: {  	v1 =	vld.msk [tilespmem:$0x10008 ss:$0x0], $0xffff;
	_ =	sdelay $0x4  }
0x82: {  	v1 =	vshrl.u32 v1, v0  }
0x83: {  	v1 =	vand.u32 $0x1, v1  }
0x84: {  	v1 =	vcvt.s32.f32 v1;
	_ =	sdelay $0x1  }
0x85: {  	[tilespmem:$0x10180] =	vst v1  }
0x86: {  	v1 =	vld.msk [tilespmem:$0x10009 ss:$0x0], $0xffff;
	_ =	sdelay $0x4  }
0x87: {  	v1 =	vshrl.u32 v1, v0  }
0x88: {  	v1 =	vand.u32 $0x1, v1  }
0x89: {  	v1 =	vcvt.s32.f32 v1;
	_ =	sdelay $0x1  }
0x8a: {  	[tilespmem:$0x10190] =	vst v1  }
0x8b: {  	v1 =	vld.msk [tilespmem:$0x1000A ss:$0x0], $0xffff;
	_ =	sdelay $0x4  }
0x8c: {  	v1 =	vshrl.u32 v1, v0  }
0x8d: {  	v1 =	vand.u32 $0x1, v1  }
0x8e: {  	v1 =	vcvt.s32.f32 v1;
	_ =	sdelay $0x1  }
0x8f: {  	[tilespmem:$0x101A0] =	vst v1  }
0x90: {  	v1 =	vld.msk [tilespmem:$0x1000B ss:$0x0], $0xffff;
	_ =	sdelay $0x4  }
0x91: {  	v1 =	vshrl.u32 v1, v0  }
0x92: {  	v1 =	vand.u32 $0x1, v1  }
0x93: {  	v1 =	vcvt.s32.f32 v1;
	_ =	sdelay $0x1  }
0x94: {  	[tilespmem:$0x101B0] =	vst v1  }
0x95: {  	v1 =	vld.msk [tilespmem:$0x1000C ss:$0x0], $0xffff;
	_ =	sdelay $0x4  }
0x96: {  	v1 =	vshrl.u32 v1, v0  }
0x97: {  	v1 =	vand.u32 $0x1, v1  }
0x98: {  	v1 =	vcvt.s32.f32 v1;
	_ =	sdelay $0x1  }
0x99: {  	[tilespmem:$0x101C0] =	vst v1  }
0x9a: {  	v1 =	vld.msk [tilespmem:$0x1000D ss:$0x0], $0xffff;
	_ =	sdelay $0x4  }
0x9b: {  	v1 =	vshrl.u32 v1, v0  }
0x9c: {  	v1 =	vand.u32 $0x1, v1  }
0x9d: {  	v1 =	vcvt.s32.f32 v1;
	_ =	sdelay $0x1  }
0x9e: {  	[tilespmem:$0x101D0] =	vst v1  }
0x9f: {  	v1 =	vld.msk [tilespmem:$0x1000E ss:$0x0], $0xffff;
	_ =	sdelay $0x4  }
0xa0: {  	v1 =	vshrl.u32 v1, v0  }
0xa1: {  	v1 =	vand.u32 $0x1, v1  }
0xa2: {  	v1 =	vcvt.s32.f32 v1;
	_ =	sdelay $0x1  }
0xa3: {  	[tilespmem:$0x101E0] =	vst v1  }
0xa4: {  	v1 =	vld.msk [tilespmem:$0x1000F ss:$0x0], $0xffff;
	_ =	sdelay $0x4  }
0xa5: {  	v1 =	vshrl.u32 v1, v0  }
0xa6: {  	v1 =	vand.u32 $0x1, v1  }
0xa7: {  	v1 =	vcvt.s32.f32 v1;
	_ =	sdelay $0x1  }
0xa8: {  	[tilespmem:$0x101F0] =	vst v1  }
0xa9: {  	v1 =	vld.msk [tilespmem:$0x10010 ss:$0x0], $0xffff;
	_ =	sdelay $0x4  }
0xaa: {  	v1 =	vshrl.u32 v1, v0  }
0xab: {  	v1 =	vand.u32 $0x1, v1  }
0xac: {  	v1 =	vcvt.s32.f32 v1;
	_ =	sdelay $0x1  }
0xad: {  	[tilespmem:$0x10200] =	vst v1  }
0xae: {  	v1 =	vld.msk [tilespmem:$0x10011 ss:$0x0], $0xffff;
	_ =	sdelay $0x4  }
0xaf: {  	v1 =	vshrl.u32 v1, v0  }
0xb0: {  	v1 =	vand.u32 $0x1, v1  }
0xb1: {  	v1 =	vcvt.s32.f32 v1;
	_ =	sdelay $0x1  }
0xb2: {  	[tilespmem:$0x10210] =	vst v1  }
0xb3: {  	v1 =	vld.msk [tilespmem:$0x10012 ss:$0x0], $0xffff;
	_ =	sdelay $0x4  }
0xb4: {  	v1 =	vshrl.u32 v1, v0  }
0xb5: {  	v1 =	vand.u32 $0x1, v1  }
0xb6: {  	v1 =	vcvt.s32.f32 v1;
	_ =	sdelay $0x1  }
0xb7: {  	[tilespmem:$0x10220] =	vst v1  }
0xb8: {  	v1 =	vld.msk [tilespmem:$0x10013 ss:$0x0], $0xffff;
	_ =	sdelay $0x4  }
0xb9: {  	v1 =	vshrl.u32 v1, v0  }
0xba: {  	v1 =	vand.u32 $0x1, v1  }
0xbb: {  	v1 =	vcvt.s32.f32 v1;
	_ =	sdelay $0x1  }
0xbc: {  	[tilespmem:$0x10230] =	vst v1  }
0xbd: {  	v1 =	vld.msk [tilespmem:$0x10014 ss:$0x0], $0xffff;
	_ =	sdelay $0x4  }
0xbe: {  	v1 =	vshrl.u32 v1, v0  }
0xbf: {  	v1 =	vand.u32 $0x1, v1  }
0xc0: {  	v1 =	vcvt.s32.f32 v1;
	_ =	sdelay $0x1  }
0xc1: {  	[tilespmem:$0x10240] =	vst v1  }
0xc2: {  	v1 =	vld.msk [tilespmem:$0x10015 ss:$0x0], $0xffff;
	_ =	sdelay $0x4  }
0xc3: {  	v1 =	vshrl.u32 v1, v0  }
0xc4: {  	v1 =	vand.u32 $0x1, v1  }
0xc5: {  	v1 =	vcvt.s32.f32 v1;
	_ =	sdelay $0x1  }
0xc6: {  	[tilespmem:$0x10250] =	vst v1  }
0xc7: {  	v1 =	vld.msk [tilespmem:$0x10016 ss:$0x0], $0xffff;
	_ =	sdelay $0x4  }
0xc8: {  	v1 =	vshrl.u32 v1, v0  }
0xc9: {  	v1 =	vand.u32 $0x1, v1  }
0xca: {  	v1 =	vcvt.s32.f32 v1;
	_ =	sdelay $0x1  }
0xcb: {  	[tilespmem:$0x10260] =	vst v1  }
0xcc: {  	v1 =	vld.msk [tilespmem:$0x10017 ss:$0x0], $0xffff;
	_ =	sdelay $0x4  }
0xcd: {  	v1 =	vshrl.u32 v1, v0  }
0xce: {  	v1 =	vand.u32 $0x1, v1  }
0xcf: {  	v1 =	vcvt.s32.f32 v1;
	_ =	sdelay $0x1  }
0xd0: {  	[tilespmem:$0x10270] =	vst v1  }
0xd1: {  	v1 =	vld.msk [tilespmem:$0x10018 ss:$0x0], $0xffff;
	_ =	sdelay $0x4  }
0xd2: {  	v1 =	vshrl.u32 v1, v0  }
0xd3: {  	v1 =	vand.u32 $0x1, v1  }
0xd4: {  	v1 =	vcvt.s32.f32 v1;
	_ =	sdelay $0x1  }
0xd5: {  	[tilespmem:$0x10280] =	vst v1  }
0xd6: {  	v1 =	vld.msk [tilespmem:$0x10019 ss:$0x0], $0xffff;
	_ =	sdelay $0x4  }
0xd7: {  	v1 =	vshrl.u32 v1, v0  }
0xd8: {  	v1 =	vand.u32 $0x1, v1  }
0xd9: {  	v1 =	vcvt.s32.f32 v1;
	_ =	sdelay $0x1  }
0xda: {  	[tilespmem:$0x10290] =	vst v1  }
0xdb: {  	v1 =	vld.msk [tilespmem:$0x1001A ss:$0x0], $0xffff;
	_ =	sdelay $0x4  }
0xdc: {  	v1 =	vshrl.u32 v1, v0  }
0xdd: {  	v1 =	vand.u32 $0x1, v1  }
0xde: {  	v1 =	vcvt.s32.f32 v1;
	_ =	sdelay $0x1  }
0xdf: {  	[tilespmem:$0x102A0] =	vst v1  }
0xe0: {  	v1 =	vld.msk [tilespmem:$0x1001B ss:$0x0], $0xffff;
	_ =	sdelay $0x4  }
0xe1: {  	v1 =	vshrl.u32 v1, v0  }
0xe2: {  	v1 =	vand.u32 $0x1, v1  }
0xe3: {  	v1 =	vcvt.s32.f32 v1;
	_ =	sdelay $0x1  }
0xe4: {  	[tilespmem:$0x102B0] =	vst v1  }
0xe5: {  	v1 =	vld.msk [tilespmem:$0x1001C ss:$0x0], $0xffff;
	_ =	sdelay $0x4  }
0xe6: {  	v1 =	vshrl.u32 v1, v0  }
0xe7: {  	v1 =	vand.u32 $0x1, v1  }
0xe8: {  	v1 =	vcvt.s32.f32 v1;
	_ =	sdelay $0x1  }
0xe9: {  	[tilespmem:$0x102C0] =	vst v1  }
0xea: {  	v1 =	vld.msk [tilespmem:$0x1001D ss:$0x0], $0xffff;
	_ =	sdelay $0x4  }
0xeb: {  	v1 =	vshrl.u32 v1, v0  }
0xec: {  	v1 =	vand.u32 $0x1, v1  }
0xed: {  	v1 =	vcvt.s32.f32 v1;
	_ =	sdelay $0x1  }
0xee: {  	[tilespmem:$0x102D0] =	vst v1  }
0xef: {  	v1 =	vld.msk [tilespmem:$0x1001E ss:$0x0], $0xffff;
	_ =	sdelay $0x4  }
0xf0: {  	v1 =	vshrl.u32 v1, v0  }
0xf1: {  	v1 =	vand.u32 $0x1, v1  }
0xf2: {  	v1 =	vcvt.s32.f32 v1;
	_ =	sdelay $0x1  }
0xf3: {  	[tilespmem:$0x102E0] =	vst v1  }
0xf4: {  	v1 =	vld.msk [tilespmem:$0x1001F ss:$0x0], $0xffff;
	_ =	sdelay $0x4  }
0xf5: {  	v1 =	vshrl.u32 v1, v0  }
0xf6: {  	v1 =	vand.u32 $0x1, v1  }
0xf7: {  	v1 =	vcvt.s32.f32 v1;
	_ =	sdelay $0x1  }
0xf8: {  	[tilespmem:$0x102F0] =	vst v1  }
0xf9: {  	v1 =	vld.msk [tilespmem:$0x10020 ss:$0x0], $0xffff;
	_ =	sdelay $0x4  }
0xfa: {  	v1 =	vshrl.u32 v1, v0  }
0xfb: {  	v1 =	vand.u32 $0x1, v1  }
0xfc: {  	v1 =	vcvt.s32.f32 v1;
	_ =	sdelay $0x1  }
0xfd: {  	[tilespmem:$0x10300] =	vst v1  }
0xfe: {  	v1 =	vld.msk [tilespmem:$0x10021 ss:$0x0], $0xffff;
	_ =	sdelay $0x4  }
0xff: {  	v1 =	vshrl.u32 v1, v0  }
0x100: {  	v1 =	vand.u32 $0x1, v1  }
0x101: {  	v1 =	vcvt.s32.f32 v1;
	_ =	sdelay $0x1  }
0x102: {  	[tilespmem:$0x10310] =	vst v1  }
0x103: {  	v1 =	vld.msk [tilespmem:$0x10022 ss:$0x0], $0xffff;
	_ =	sdelay $0x4  }
0x104: {  	v1 =	vshrl.u32 v1, v0  }
0x105: {  	v1 =	vand.u32 $0x1, v1  }
0x106: {  	v1 =	vcvt.s32.f32 v1;
	_ =	sdelay $0x1  }
0x107: {  	[tilespmem:$0x10320] =	vst v1  }
0x108: {  	v1 =	vld.msk [tilespmem:$0x10023 ss:$0x0], $0xffff;
	_ =	sdelay $0x4  }
0x109: {  	v1 =	vshrl.u32 v1, v0  }
0x10a: {  	v1 =	vand.u32 $0x1, v1  }
0x10b: {  	v1 =	vcvt.s32.f32 v1;
	_ =	sdelay $0x1  }
0x10c: {  	[tilespmem:$0x10330] =	vst v1  }
0x10d: {  	v1 =	vld.msk [tilespmem:$0x10024 ss:$0x0], $0xffff;
	_ =	sdelay $0x4  }
0x10e: {  	v1 =	vshrl.u32 v1, v0  }
0x10f: {  	v1 =	vand.u32 $0x1, v1  }
0x110: {  	v1 =	vcvt.s32.f32 v1;
	_ =	sdelay $0x1  }
0x111: {  	[tilespmem:$0x10340] =	vst v1  }
0x112: {  	v1 =	vld.msk [tilespmem:$0x10025 ss:$0x0], $0xffff;
	_ =	sdelay $0x4  }
0x113: {  	v1 =	vshrl.u32 v1, v0  }
0x114: {  	v1 =	vand.u32 $0x1, v1  }
0x115: {  	v1 =	vcvt.s32.f32 v1;
	_ =	sdelay $0x1  }
0x116: {  	[tilespmem:$0x10350] =	vst v1  }
0x117: {  	v1 =	vld.msk [tilespmem:$0x10026 ss:$0x0], $0xffff;
	_ =	sdelay $0x4  }
0x118: {  	v1 =	vshrl.u32 v1, v0  }
0x119: {  	v1 =	vand.u32 $0x1, v1  }
0x11a: {  	v1 =	vcvt.s32.f32 v1;
	_ =	sdelay $0x1  }
0x11b: {  	[tilespmem:$0x10360] =	vst v1  }
0x11c: {  	v1 =	vld.msk [tilespmem:$0x10027 ss:$0x0], $0xffff;
	_ =	sdelay $0x4  }
0x11d: {  	v1 =	vshrl.u32 v1, v0  }
0x11e: {  	v1 =	vand.u32 $0x1, v1  }
0x11f: {  	v1 =	vcvt.s32.f32 v1;
	_ =	sdelay $0x1  }
0x120: {  	[tilespmem:$0x10370] =	vst v1  }
0x121: {  	v1 =	vld.msk [tilespmem:$0x10028 ss:$0x0], $0xffff;
	_ =	sdelay $0x4  }
0x122: {  	v1 =	vshrl.u32 v1, v0  }
0x123: {  	v1 =	vand.u32 $0x1, v1  }
0x124: {  	v1 =	vcvt.s32.f32 v1;
	_ =	sdelay $0x1  }
0x125: {  	[tilespmem:$0x10380] =	vst v1  }
0x126: {  	v1 =	vld.msk [tilespmem:$0x10029 ss:$0x0], $0xffff;
	_ =	sdelay $0x4  }
0x127: {  	v1 =	vshrl.u32 v1, v0  }
0x128: {  	v1 =	vand.u32 $0x1, v1  }
0x129: {  	v1 =	vcvt.s32.f32 v1;
	_ =	sdelay $0x1  }
0x12a: {  	[tilespmem:$0x10390] =	vst v1  }
0x12b: {  	v1 =	vld.msk [tilespmem:$0x1002A ss:$0x0], $0xffff;
	_ =	sdelay $0x4  }
0x12c: {  	v1 =	vshrl.u32 v1, v0  }
0x12d: {  	v1 =	vand.u32 $0x1, v1  }
0x12e: {  	v1 =	vcvt.s32.f32 v1;
	_ =	sdelay $0x1  }
0x12f: {  	[tilespmem:$0x103A0] =	vst v1  }
0x130: {  	v1 =	vld.msk [tilespmem:$0x1002B ss:$0x0], $0xffff;
	_ =	sdelay $0x4  }
0x131: {  	v1 =	vshrl.u32 v1, v0  }
0x132: {  	v1 =	vand.u32 $0x1, v1  }
0x133: {  	v1 =	vcvt.s32.f32 v1;
	_ =	sdelay $0x1  }
0x134: {  	[tilespmem:$0x103B0] =	vst v1  }
0x135: {  	v1 =	vld.msk [tilespmem:$0x1002C ss:$0x0], $0xffff;
	_ =	sdelay $0x4  }
0x136: {  	v1 =	vshrl.u32 v1, v0  }
0x137: {  	v1 =	vand.u32 $0x1, v1  }
0x138: {  	v1 =	vcvt.s32.f32 v1;
	_ =	sdelay $0x1  }
0x139: {  	[tilespmem:$0x103C0] =	vst v1  }
0x13a: {  	v1 =	vld.msk [tilespmem:$0x1002D ss:$0x0], $0xffff;
	_ =	sdelay $0x4  }
0x13b: {  	v1 =	vshrl.u32 v1, v0  }
0x13c: {  	v1 =	vand.u32 $0x1, v1  }
0x13d: {  	v1 =	vcvt.s32.f32 v1;
	_ =	sdelay $0x1  }
0x13e: {  	[tilespmem:$0x103D0] =	vst v1  }
0x13f: {  	v1 =	vld.msk [tilespmem:$0x1002E ss:$0x0], $0xffff;
	_ =	sdelay $0x4  }
0x140: {  	v1 =	vshrl.u32 v1, v0  }
0x141: {  	v1 =	vand.u32 $0x1, v1  }
0x142: {  	v1 =	vcvt.s32.f32 v1;
	_ =	sdelay $0x1  }
0x143: {  	[tilespmem:$0x103E0] =	vst v1  }
0x144: {  	v1 =	vld.msk [tilespmem:$0x1002F ss:$0x0], $0xffff;
	_ =	sdelay $0x4  }
0x145: {  	v1 =	vshrl.u32 v1, v0  }
0x146: {  	v1 =	vand.u32 $0x1, v1  }
0x147: {  	v1 =	vcvt.s32.f32 v1;
	_ =	sdelay $0x1  }
0x148: {  	[tilespmem:$0x103F0] =	vst v1  }
0x149: {  	v1 =	vld.msk [tilespmem:$0x10030 ss:$0x0], $0xffff;
	_ =	sdelay $0x4  }
0x14a: {  	v1 =	vshrl.u32 v1, v0  }
0x14b: {  	v1 =	vand.u32 $0x1, v1  }
0x14c: {  	v1 =	vcvt.s32.f32 v1;
	_ =	sdelay $0x1  }
0x14d: {  	[tilespmem:$0x10400] =	vst v1  }
0x14e: {  	v1 =	vld.msk [tilespmem:$0x10031 ss:$0x0], $0xffff;
	_ =	sdelay $0x4  }
0x14f: {  	v1 =	vshrl.u32 v1, v0  }
0x150: {  	v1 =	vand.u32 $0x1, v1  }
0x151: {  	v1 =	vcvt.s32.f32 v1;
	_ =	sdelay $0x1  }
0x152: {  	[tilespmem:$0x10410] =	vst v1  }
0x153: {  	v1 =	vld.msk [tilespmem:$0x10032 ss:$0x0], $0xffff;
	_ =	sdelay $0x4  }
0x154: {  	v1 =	vshrl.u32 v1, v0  }
0x155: {  	v1 =	vand.u32 $0x1, v1  }
0x156: {  	v1 =	vcvt.s32.f32 v1;
	_ =	sdelay $0x1  }
0x157: {  	[tilespmem:$0x10420] =	vst v1  }
0x158: {  	v1 =	vld.msk [tilespmem:$0x10033 ss:$0x0], $0xffff;
	_ =	sdelay $0x4  }
0x159: {  	v1 =	vshrl.u32 v1, v0  }
0x15a: {  	v1 =	vand.u32 $0x1, v1  }
0x15b: {  	v1 =	vcvt.s32.f32 v1;
	_ =	sdelay $0x1  }
0x15c: {  	[tilespmem:$0x10430] =	vst v1  }
0x15d: {  	v1 =	vld.msk [tilespmem:$0x10034 ss:$0x0], $0xffff;
	_ =	sdelay $0x4  }
0x15e: {  	v1 =	vshrl.u32 v1, v0  }
0x15f: {  	v1 =	vand.u32 $0x1, v1  }
0x160: {  	v1 =	vcvt.s32.f32 v1;
	_ =	sdelay $0x1  }
0x161: {  	[tilespmem:$0x10440] =	vst v1  }
0x162: {  	v1 =	vld.msk [tilespmem:$0x10035 ss:$0x0], $0xffff;
	_ =	sdelay $0x4  }
0x163: {  	v1 =	vshrl.u32 v1, v0  }
0x164: {  	v1 =	vand.u32 $0x1, v1  }
0x165: {  	v1 =	vcvt.s32.f32 v1;
	_ =	sdelay $0x1  }
0x166: {  	[tilespmem:$0x10450] =	vst v1  }
0x167: {  	v1 =	vld.msk [tilespmem:$0x10036 ss:$0x0], $0xffff;
	_ =	sdelay $0x4  }
0x168: {  	v1 =	vshrl.u32 v1, v0  }
0x169: {  	v1 =	vand.u32 $0x1, v1  }
0x16a: {  	v1 =	vcvt.s32.f32 v1;
	_ =	sdelay $0x1  }
0x16b: {  	[tilespmem:$0x10460] =	vst v1  }
0x16c: {  	v1 =	vld.msk [tilespmem:$0x10037 ss:$0x0], $0xffff;
	_ =	sdelay $0x4  }
0x16d: {  	v1 =	vshrl.u32 v1, v0  }
0x16e: {  	v1 =	vand.u32 $0x1, v1  }
0x16f: {  	v1 =	vcvt.s32.f32 v1;
	_ =	sdelay $0x1  }
0x170: {  	[tilespmem:$0x10470] =	vst v1  }
0x171: {  	v1 =	vld.msk [tilespmem:$0x10038 ss:$0x0], $0xffff;
	_ =	sdelay $0x4  }
0x172: {  	v1 =	vshrl.u32 v1, v0  }
0x173: {  	v1 =	vand.u32 $0x1, v1  }
0x174: {  	v1 =	vcvt.s32.f32 v1;
	_ =	sdelay $0x1  }
0x175: {  	[tilespmem:$0x10480] =	vst v1  }
0x176: {  	v1 =	vld.msk [tilespmem:$0x10039 ss:$0x0], $0xffff;
	_ =	sdelay $0x4  }
0x177: {  	v1 =	vshrl.u32 v1, v0  }
0x178: {  	v1 =	vand.u32 $0x1, v1  }
0x179: {  	v1 =	vcvt.s32.f32 v1;
	_ =	sdelay $0x1  }
0x17a: {  	[tilespmem:$0x10490] =	vst v1  }
0x17b: {  	v1 =	vld.msk [tilespmem:$0x1003A ss:$0x0], $0xffff;
	_ =	sdelay $0x4  }
0x17c: {  	v1 =	vshrl.u32 v1, v0  }
0x17d: {  	v1 =	vand.u32 $0x1, v1  }
0x17e: {  	v1 =	vcvt.s32.f32 v1;
	_ =	sdelay $0x1  }
0x17f: {  	[tilespmem:$0x104A0] =	vst v1  }
0x180: {  	v1 =	vld.msk [tilespmem:$0x1003B ss:$0x0], $0xffff;
	_ =	sdelay $0x4  }
0x181: {  	v1 =	vshrl.u32 v1, v0  }
0x182: {  	v1 =	vand.u32 $0x1, v1  }
0x183: {  	v1 =	vcvt.s32.f32 v1;
	_ =	sdelay $0x1  }
0x184: {  	[tilespmem:$0x104B0] =	vst v1  }
0x185: {  	v1 =	vld.msk [tilespmem:$0x1003C ss:$0x0], $0xffff;
	_ =	sdelay $0x4  }
0x186: {  	v1 =	vshrl.u32 v1, v0  }
0x187: {  	v1 =	vand.u32 $0x1, v1  }
0x188: {  	v1 =	vcvt.s32.f32 v1;
	_ =	sdelay $0x1  }
0x189: {  	[tilespmem:$0x104C0] =	vst v1  }
0x18a: {  	v1 =	vld.msk [tilespmem:$0x1003D ss:$0x0], $0xffff;
	_ =	sdelay $0x4  }
0x18b: {  	v1 =	vshrl.u32 v1, v0  }
0x18c: {  	v1 =	vand.u32 $0x1, v1  }
0x18d: {  	v1 =	vcvt.s32.f32 v1;
	_ =	sdelay $0x1  }
0x18e: {  	[tilespmem:$0x104D0] =	vst v1  }
0x18f: {  	v1 =	vld.msk [tilespmem:$0x1003E ss:$0x0], $0xffff;
	_ =	sdelay $0x4  }
0x190: {  	v1 =	vshrl.u32 v1, v0  }
0x191: {  	v1 =	vand.u32 $0x1, v1  }
0x192: {  	v1 =	vcvt.s32.f32 v1;
	_ =	sdelay $0x1  }
0x193: {  	[tilespmem:$0x104E0] =	vst v1  }
0x194: {  	v1 =	vld.msk [tilespmem:$0x1003F ss:$0x0], $0xffff;
	_ =	sdelay $0x4  }
0x195: {  	v1 =	vshrl.u32 v1, v0  }
0x196: {  	v1 =	vand.u32 $0x1, v1  }
0x197: {  	s2 =	sadd.s32 $0x1, s2;
	v1 =	vcvt.s32.f32 v1  }
0x198: {  	p0 =	sne.s32 s2, s6  }
.Ltmp2:
0x199: {  	[tilespmem:$0x104F0] =	vst v1;
	(pc) =	sbr.rel @p0 .LBB2_2-.Ltmp2, $4  }
0x19a: {  	[hbm4b:s4+s7] =	stream.strided.scatter [tilespmem:s11], [sflag:$0x1], $0x400, s8, s7, $0x38;
	[tilespmem:$0x10500] =	vst v63  }
0x19b: {  	_ =	swait.ge [sflag:s9], $0x400  }
0x19c: {  	[sflag:s9] =	ssyncset.done $0x0  }
0x19d: {  	[sflag:s9] =	ssyncadd.s32 $0xFFFFFC00  }
.LBB2_5:
0x19e: {  	_ =	sfence.sel $0x180000  }
0x19f: {  	[bflag:$0x0] =	sbarrier.arrive $0xFFFF  }
0x1a0: {  	p0 =	sne.s32 s1, $0x0;
	_ =	strace $0x90000047  }
0x1a1: {  	s0 =	sadd.s32 @!p0 $0x100000, s0;
	[bflag:$0x2] =	sbarrier.arrive $0xFFFF  }
0x1a2: {  	[sflag:s0] =	ssyncadd.tile.s32 @!p0 $0x1;
	_ =	shalt  }
.Lfunc_end2:
_tile_overlayer_lowered:
.L_overlay_start_2:
0x1a3: {  	(tag) =	ssettag $0x2  }
0x1a4: {  	s0 =	rddreg [dreg:$0x0];
	s2 =	stileid.u32  }
0x1a5: {  	s1 =	rddreg [dreg:$0x1];
	p0 =	sne.s32 s2, $0x0  }
0x1a6: {  	s3 =	rddreg [dreg:$0x2];
	[bflag:$0x3] =	sbarrier.arrive $0xFFFF;
	s2 =	simm.s32 @!p0 $0x1C01  }
0x1a7: {  	[timem:s3], [sflag:s2] =	dma.local @!p0 [hbm:s0], s1  }
0x1a8: {  	s0 =	simm.s32 @!p0 $0x1  }
0x1a9: {  	_ =	swait.ge @!p0 [sflag:s0], s1  }
0x1aa: {  	s1 =	ssub.s32 @!p0 $0x0, s1;
	[sflag:s0] =	ssyncset.done @!p0 $0x0  }
0x1ab: {  	[sflag:s0] =	ssyncadd.s32 @!p0 s1  }
0x1ac: {  	[bflag:$0x3] =	sbarrier.arrive $0xFFFF  }
0x1ad: {  	_ =	shalt  }

</sc_bundles>
